<compile_context>
chip_gen: v7x
topology: tpu7x:2x2x1
jax: 0.10.2.dev20260603
libtpu: 0.0.44.dev20260713+nightly
codegen_flags: <defaults>
</compile_context>

<pallas_src>
import functools

import jax
import jax.numpy as jnp
from jax import lax
from jax.experimental import pallas as pl
from jax.experimental.pallas import tpu as pltpu
from jax.experimental.pallas import tpu_sc as plsc

NS = 50000
ND = 10000
HID = 128
OUT = 128
E = 320000

NC = 2
NT = 16
CW = 32
NCH = HID // CW
KPASS = NCH // NC
EPAD = NC * 0 + NT * 160 * 128
ROWS = EPAD // 128
TROWS = ROWS // NT
BLK = 8
NBLK = TROWS // BLK
DSTRIPE = 2000
NDSTRIPE = NS // DSTRIPE
NBOUNCE = 80
NAP = 12000
SUB = 4

_R = 400
_R2 = 2000


def _pre_body(x_ref, w_ref, att_ref, wd_ref, attd_ref, h_ref, a_ref, v_ref):
    h = jnp.dot(x_ref[...], w_ref[...], preferred_element_type=jnp.float32)
    h_ref[...] = h
    a_ref[...] = jnp.dot(h, att_ref[...], preferred_element_type=jnp.float32)
    v_ref[...] = jnp.dot(wd_ref[...], attd_ref[...],
                         preferred_element_type=jnp.float32)


def _pre(x_disease, W_src_ds, att_src_ds, W_dst_ds, att_dst_ds):
    return pl.pallas_call(
        _pre_body,
        grid=(ND // _R,),
        in_specs=[
            pl.BlockSpec((_R, HID), lambda i: (i, 0)),
            pl.BlockSpec((HID, HID), lambda i: (0, 0)),
            pl.BlockSpec((HID, 1), lambda i: (0, 0)),
            pl.BlockSpec((HID, HID), lambda i: (0, 0)),
            pl.BlockSpec((HID, 1), lambda i: (0, 0)),
        ],
        out_specs=[
            pl.BlockSpec((_R, HID), lambda i: (i, 0)),
            pl.BlockSpec((_R, 1), lambda i: (i, 0)),
            pl.BlockSpec((HID, 1), lambda i: (0, 0)),
        ],
        out_shape=[
            jax.ShapeDtypeStruct((ND, HID), jnp.float32),
            jax.ShapeDtypeStruct((ND, 1), jnp.float32),
            jax.ShapeDtypeStruct((HID, 1), jnp.float32),
        ],
    )(x_disease, W_src_ds, att_src_ds.reshape(HID, 1), W_dst_ds,
      att_dst_ds.reshape(HID, 1))


def _adst_body(x_ref, v_ref, a_ref):
    a_ref[...] = jnp.dot(x_ref[...], v_ref[...],
                         preferred_element_type=jnp.float32)


def _adst(x_symptom, v):
    return pl.pallas_call(
        _adst_body,
        grid=(NS // _R2,),
        in_specs=[
            pl.BlockSpec((_R2, HID), lambda i: (i, 0)),
            pl.BlockSpec((HID, 1), lambda i: (0, 0)),
        ],
        out_specs=pl.BlockSpec((_R2, 1), lambda i: (i, 0)),
        out_shape=jax.ShapeDtypeStruct((NS, 1), jnp.float32),
    )(x_symptom, v)


def _sc_body(src_hbm, dst_hbm, hflat_hbm, asrc_hbm, adst_hbm, zn_hbm, zd_hbm,
             num_hbm, den_hbm, ex_hbm,
             srcb, dstb, exb, avb, dvb, rows_v, nbounce, dbounce,
             num_sh, den_sh, sem):
    c = lax.axis_index("c")
    s = lax.axis_index("s")

    def kloop(k, kcarry):
        g = c * KPASS + k
        goff = g * ND

        pltpu.sync_copy(zn_hbm, nbounce)
        @pl.when(k == 0)
        def _():
            pltpu.sync_copy(zd_hbm, dbounce)
        def zloop(st, zc):
            @pl.when(s == (st % NT))
            def _():
                def zin(i, ic):
                    pltpu.sync_copy(
                        nbounce,
                        num_sh.at[pl.ds(st * DSTRIPE + i * NBOUNCE, NBOUNCE)])
                    return ic
                lax.fori_loop(0, DSTRIPE // NBOUNCE, zin, 0)
                @pl.when((k == 0) & (c == 0))
                def _():
                    pltpu.sync_copy(
                        dbounce, den_sh.at[pl.ds(st * DSTRIPE, DSTRIPE)])
            return zc
        lax.fori_loop(0, NDSTRIPE, zloop, 0)
        plsc.subcore_barrier()

        row0 = s * TROWS

        def block(b, carry):
            r0 = row0 + b * BLK
            pltpu.sync_copy(src_hbm.at[pl.ds(r0, BLK)], srcb)
            pltpu.sync_copy(dst_hbm.at[pl.ds(r0, BLK)], dstb)

            @pl.when(k == 0)
            def _():
                descs = []
                for r in range(BLK):
                    descs.append(pltpu.async_copy(
                        asrc_hbm.at[srcb.at[r]], avb.at[r], sem))
                    descs.append(pltpu.async_copy(
                        adst_hbm.at[dstb.at[r]], dvb.at[r], sem))
                for d in descs:
                    d.wait()

                def grp(q, cr2):
                    r = q // 8
                    t16 = (q % 8) * 16
                    al = avb[r, pl.ds(t16, 16)] + dvb[r, pl.ds(t16, 16)]
                    al = jnp.where(al >= 0, al, al * jnp.float32(0.2))
                    exb[r, pl.ds(t16, 16)] = jnp.exp(al)
                    return cr2
                lax.fori_loop(0, BLK * 8, grp, 0)
                pltpu.sync_copy(exb, ex_hbm.at[pl.ds(r0, BLK)])

                @pl.when(c == 0)
                def _():
                    for r in range(BLK):
                        pltpu.sync_copy(exb.at[r], den_sh.at[dstb.at[r]],
                                        add=True)

            @pl.when(k > 0)
            def _():
                pltpu.sync_copy(ex_hbm.at[pl.ds(r0, BLK)], exb)

            def tform(q, cr2):
                r = q // 8
                t16 = (q % 8) * 16
                sv = srcb[r, pl.ds(t16, 16)]
                srcb[r, pl.ds(t16, 16)] = (
                    jnp.minimum(sv, jnp.int32(ND - 1)) + goff)
                return cr2
            lax.fori_loop(0, BLK * 8, tform, 0)

            def sbody(sb, cr):
                ds2 = [
                    pltpu.async_copy(hflat_hbm.at[srcb.at[sb * SUB + i]],
                                     rows_v.at[i], sem)
                    for i in range(SUB)
                ]
                for d in ds2:
                    d.wait()

                def sgrp(q, cr2):
                    i = q // 8
                    t16 = (q % 8) * 16
                    e16 = exb[sb * SUB + i, pl.ds(t16, 16)]
                    for j in range(16):
                        ej = e16.at[jnp.full((16,), j, jnp.int32)].get(
                            mode="promise_in_bounds")
                        for h in range(CW // 16):
                            x = rows_v[i, t16 + j, pl.ds(h * 16, 16)]
                            rows_v[i, t16 + j, pl.ds(h * 16, 16)] = x * ej
                    return cr2
                lax.fori_loop(0, SUB * 8, sgrp, 0)

                ds3 = [
                    pltpu.async_copy(rows_v.at[i],
                                     num_sh.at[dstb.at[sb * SUB + i]], sem,
                                     add=True)
                    for i in range(SUB)
                ]
                for d in ds3:
                    d.wait()
                return cr
            lax.fori_loop(0, BLK // SUB, sbody, 0)
            return carry

        lax.fori_loop(0, NBLK, block, 0)
        plsc.subcore_barrier()

        def wloop(st, wc):
            @pl.when(s == (st % NT))
            def _():
                def win(i, ic):
                    pltpu.sync_copy(
                        num_sh.at[pl.ds(st * DSTRIPE + i * NBOUNCE, NBOUNCE)],
                        nbounce)
                    pltpu.sync_copy(
                        nbounce,
                        num_hbm.at[pl.ds(
                            g * NS + st * DSTRIPE + i * NBOUNCE, NBOUNCE)])
                    return ic
                lax.fori_loop(0, DSTRIPE // NBOUNCE, win, 0)
                @pl.when((k == 0) & (c == 0))
                def _():
                    pltpu.sync_copy(
                        den_sh.at[pl.ds(st * DSTRIPE, DSTRIPE)], dbounce)
                    pltpu.sync_copy(
                        dbounce, den_hbm.at[pl.ds(st * DSTRIPE, DSTRIPE)])
            return wc
        lax.fori_loop(0, NDSTRIPE, wloop, 0)
        plsc.subcore_barrier()
        return kcarry

    lax.fori_loop(0, KPASS, kloop, 0)


_sc_edges = functools.partial(
    pl.kernel,
    out_type=[
        jax.ShapeDtypeStruct((NCH * NS, CW), jnp.float32),
        jax.ShapeDtypeStruct((NS,), jnp.float32),
        jax.ShapeDtypeStruct((ROWS, 128), jnp.float32),
    ],
    mesh=plsc.VectorSubcoreMesh(core_axis_name="c", subcore_axis_name="s"),
    scratch_types=[
        pltpu.VMEM((BLK, 128), jnp.int32),
        pltpu.VMEM((BLK, 128), jnp.int32),
        pltpu.VMEM((BLK, 128), jnp.float32),
        pltpu.VMEM((BLK, 128), jnp.float32),
        pltpu.VMEM((BLK, 128), jnp.float32),
        pltpu.VMEM((SUB, 128, CW), jnp.float32),
        pltpu.VMEM((NBOUNCE, CW), jnp.float32),
        pltpu.VMEM((DSTRIPE,), jnp.float32),
        pltpu.VMEM_SHARED((NS, CW), jnp.float32),
        pltpu.VMEM_SHARED((NS,), jnp.float32),
        pltpu.SemaphoreType.DMA,
    ],
    compiler_params=pltpu.CompilerParams(needs_layout_passes=False,
                                         use_tc_tiling_on_sc=False),
)(_sc_body)


def _epilogue_body(num_ref, den_ref, bias_ref, wlin_ref, blin_ref, out_ref):
    num3 = num_ref[...]
    num = jnp.concatenate([num3[j] for j in range(NCH)], axis=1)
    h = num / (den_ref[...] + 1e-16) + bias_ref[...]
    h = jnp.maximum(h, 0.0)
    out_ref[...] = jnp.dot(h, wlin_ref[...],
                           preferred_element_type=jnp.float32) + blin_ref[...]


def _epilogue(num_flat, denom, bias_ds, W_lin, b_lin):
    return pl.pallas_call(
        _epilogue_body,
        grid=(NS // _R2,),
        in_specs=[
            pl.BlockSpec((NCH, _R2, CW), lambda i: (0, i, 0)),
            pl.BlockSpec((_R2, 1), lambda i: (i, 0)),
            pl.BlockSpec((1, HID), lambda i: (0, 0)),
            pl.BlockSpec((HID, OUT), lambda i: (0, 0)),
            pl.BlockSpec((1, OUT), lambda i: (0, 0)),
        ],
        out_specs=pl.BlockSpec((_R2, OUT), lambda i: (i, 0)),
        out_shape=jax.ShapeDtypeStruct((NS, OUT), jnp.float32),
    )(num_flat.reshape(NCH, NS, CW), denom.reshape(NS, 1),
      bias_ds.reshape(1, HID), W_lin, b_lin.reshape(1, OUT))


def kernel(x_symptom, x_disease, edge_src_sd, edge_dst_sd, edge_src_ds,
           edge_dst_ds, W_src_sd, W_dst_sd, att_src_sd, att_dst_sd, bias_sd,
           W_src_ds, W_dst_ds, att_src_ds, att_dst_ds, bias_ds, W_lin, b_lin):
    h_src, a_src, v_dst = _pre(x_disease, W_src_ds, att_src_ds, W_dst_ds,
                               att_dst_ds)
    a_dst = _adst(x_symptom, v_dst)

    a_srcp = jnp.pad(a_src.reshape(ND), (0, NAP - ND), constant_values=-1e30)
    h_flat = (h_src.reshape(ND, NCH, CW)
              .transpose(1, 0, 2).reshape(NCH * ND, CW))
    src_p = jnp.pad(edge_src_ds, (0, EPAD - E),
                    constant_values=ND).reshape(ROWS, 128)
    dst_p = jnp.pad(edge_dst_ds, (0, EPAD - E),
                    constant_values=0).reshape(ROWS, 128)
    zeros_n = jnp.zeros((NBOUNCE, CW), jnp.float32)
    zeros_d = jnp.zeros((DSTRIPE,), jnp.float32)

    num_flat, denom, _ex = _sc_edges(src_p, dst_p, h_flat, a_srcp,
                                     a_dst.reshape(NS), zeros_n, zeros_d)
    return _epilogue(num_flat, denom, bias_ds, W_lin, b_lin)

# --- scband reference (transcript-rebuilt; emitter-appended) ---
"""Pipeline reference for scband-symptom2-disease-gnn-5763846111927 (READ-ONLY COPY).

The authoritative reference and input builder live on the scoring server;
editing this copy changes nothing except your own understanding.
"""

import jax, jax.numpy as jnp
import numpy as np

NS = 50000
ND = 10000
DF = 128
HID = 128
OUT = 128
E = 320000


def _gat_bipartite(x_src, x_dst, src_idx, dst_idx, W_src, W_dst, att_src, att_dst, bias, num_dst):
    # PyG GATConv((-1,-1), hidden, heads=1, add_self_loops=False) on a bipartite graph
    h_src = x_src @ W_src
    h_dst = x_dst @ W_dst
    a_src = jnp.sum(h_src * att_src, axis=-1)
    a_dst = jnp.sum(h_dst * att_dst, axis=-1)
    alpha = a_src[src_idx] + a_dst[dst_idx]
    alpha = jax.nn.leaky_relu(alpha, negative_slope=0.2)
    amax = jax.ops.segment_max(alpha, dst_idx, num_segments=num_dst)
    amax = jnp.where(jnp.isfinite(amax), amax, 0.0)
    ex = jnp.exp(alpha - amax[dst_idx])
    denom = jax.ops.segment_sum(ex, dst_idx, num_segments=num_dst)
    coef = ex / (denom[dst_idx] + 1e-16)
    msgs = h_src[src_idx] * coef[:, None]
    out = jax.ops.segment_sum(msgs, dst_idx, num_segments=num_dst)
    return out + bias


def setup_inputs(seed: int = 0) -> dict:
    key = jax.random.key(seed)
    ks = jax.random.split(key, 20)
    s = 0.05
    inp = {}
    inp["x_symptom"] = jax.random.normal(ks[0], (NS, DF), dtype=jnp.float32)
    inp["x_disease"] = jax.random.normal(ks[1], (ND, DF), dtype=jnp.float32)
    inp["edge_src_sd"] = jax.random.randint(ks[2], (E,), 0, NS, dtype=jnp.int32)
    inp["edge_dst_sd"] = jax.random.randint(ks[3], (E,), 0, ND, dtype=jnp.int32)
    inp["edge_src_ds"] = jax.random.randint(ks[4], (E,), 0, ND, dtype=jnp.int32)
    inp["edge_dst_ds"] = jax.random.randint(ks[5], (E,), 0, NS, dtype=jnp.int32)
    # GATConv params for ('symptom','has_symptom','disease')
    inp["W_src_sd"] = jax.random.normal(ks[6], (DF, HID), dtype=jnp.float32) * s
    inp["W_dst_sd"] = jax.random.normal(ks[7], (DF, HID), dtype=jnp.float32) * s
    inp["att_src_sd"] = jax.random.normal(ks[8], (HID,), dtype=jnp.float32) * s
    inp["att_dst_sd"] = jax.random.normal(ks[9], (HID,), dtype=jnp.float32) * s
    inp["bias_sd"] = jnp.zeros((HID,), dtype=jnp.float32)
    # GATConv params for ('disease','rev_has_symptom','symptom')
    inp["W_src_ds"] = jax.random.normal(ks[10], (DF, HID), dtype=jnp.float32) * s
    inp["W_dst_ds"] = jax.random.normal(ks[11], (DF, HID), dtype=jnp.float32) * s
    inp["att_src_ds"] = jax.random.normal(ks[12], (HID,), dtype=jnp.float32) * s
    inp["att_dst_ds"] = jax.random.normal(ks[13], (HID,), dtype=jnp.float32) * s
    inp["bias_ds"] = jnp.zeros((HID,), dtype=jnp.float32)
    # final Linear(hidden_dim, out_dim)
    inp["W_lin"] = jax.random.normal(ks[14], (HID, OUT), dtype=jnp.float32) * s
    inp["b_lin"] = jnp.zeros((OUT,), dtype=jnp.float32)
    return inp


def reference(x_symptom, x_disease, edge_src_sd, edge_dst_sd, edge_src_ds, edge_dst_ds,
              W_src_sd, W_dst_sd, att_src_sd, att_dst_sd, bias_sd,
              W_src_ds, W_dst_ds, att_src_ds, att_dst_ds, bias_ds,
              W_lin, b_lin):
    # HeteroConv with aggr='sum' (each dst type receives from exactly one edge type here)
    h_disease = _gat_bipartite(x_symptom, x_disease, edge_src_sd, edge_dst_sd,
                               W_src_sd, W_dst_sd, att_src_sd, att_dst_sd, bias_sd, ND)
    h_symptom = _gat_bipartite(x_disease, x_symptom, edge_src_ds, edge_dst_ds,
                               W_src_ds, W_dst_ds, att_src_ds, att_dst_ds, bias_ds, NS)
    h_disease = jax.nn.relu(h_disease)  # computed per module, unused downstream
    h_symptom = jax.nn.relu(h_symptom)
    out = h_symptom @ W_lin + b_lin
    return out

if __name__ == "__main__":
    import jax
    _d = setup_inputs()
    print(jax.jit(kernel)(*tuple(_d.values())))

</pallas_src>

<mosaic_0001>
#map = affine_map<(d0, d1) -> (0, 0)>
#map1 = affine_map<(d0, d1) -> (0)>
module attributes {stable_mosaic.version = 14 : i64} {
  func.func @_sc_body(%arg0: i32, %arg1: i32, %arg2: memref<2560x128xi32, #tpu.memory_space<hbm>>, %arg3: memref<2560x128xi32, #tpu.memory_space<hbm>>, %arg4: memref<40000x32xf32, #tpu.memory_space<hbm>>, %arg5: memref<12000xf32, #tpu.memory_space<hbm>>, %arg6: memref<50000xf32, #tpu.memory_space<hbm>>, %arg7: memref<80x32xf32, #tpu.memory_space<hbm>>, %arg8: memref<2000xf32, #tpu.memory_space<hbm>>, %arg9: memref<200000x32xf32, #tpu.memory_space<hbm>>, %arg10: memref<50000xf32, #tpu.memory_space<hbm>>, %arg11: memref<2560x128xf32, #tpu.memory_space<hbm>>, %arg12: memref<8x128xi32, #tpu.memory_space<vmem>>, %arg13: memref<8x128xi32, #tpu.memory_space<vmem>>, %arg14: memref<8x128xf32, #tpu.memory_space<vmem>>, %arg15: memref<8x128xf32, #tpu.memory_space<vmem>>, %arg16: memref<8x128xf32, #tpu.memory_space<vmem>>, %arg17: memref<4x128x32xf32, #tpu.memory_space<vmem>>, %arg18: memref<80x32xf32, #tpu.memory_space<vmem>>, %arg19: memref<2000xf32, #tpu.memory_space<vmem>>, %arg20: memref<50000x32xf32, #tpu.memory_space<vmem_shared>>, %arg21: memref<50000xf32, #tpu.memory_space<vmem_shared>>, %arg22: memref<!tpu.dma_semaphore, #tpu.memory_space<semaphore_mem>>) attributes {dimension_semantics = [#tpu.dimension_semantics<core_parallel>, #tpu.dimension_semantics<subcore_parallel>], iteration_bounds = array<i64: 2, 16>, scalar_prefetch = 0 : i64, scratch_operands = 11 : i64, tpu.core_type = #tpu.core_type<sc_vector_subcore>, window_params = [{transform_indices = #map}, {transform_indices = #map}, {transform_indices = #map}, {transform_indices = #map1}, {transform_indices = #map1}, {transform_indices = #map}, {transform_indices = #map1}, {transform_indices = #map}, {transform_indices = #map1}, {transform_indices = #map}]} {
    %scan3A = arith.constant 0 : i32
    %scan3A_0 = arith.constant 0 : i32
    %scan3A_1 = arith.constant 2 : i32
    %scan3A_2 = arith.addi %scan3A_0, %scan3A_1 : i32
    %scan3A_3 = arith.constant 1 : i32
    scf.for %scan3A_5 = %scan3A_0 to %scan3A_2 step %scan3A_3  : i32 {
      %mul3A = arith.constant 2 : i32
      %mul3A_6 = arith.muli %arg0, %mul3A : i32
      %add3A = arith.addi %mul3A_6, %scan3A_5 : i32
      %mul3A_7 = arith.constant 10000 : i32
      %mul3A_8 = arith.muli %add3A, %mul3A_7 : i32
      "tpu.region"() ({
        %run_scoped3A = tpu.sem_alloc : memref<!tpu.dma_semaphore, #tpu.memory_space<semaphore_mem>>
        tpu.enqueue_dma source(%arg7 : memref<80x32xf32, #tpu.memory_space<hbm>>) target(%arg18 : memref<80x32xf32, #tpu.memory_space<vmem>>) target_semaphore(%run_scoped3A : memref<!tpu.dma_semaphore, #tpu.memory_space<semaphore_mem>>)
        tpu.wait_dma2 semaphore(%run_scoped3A : memref<!tpu.dma_semaphore, #tpu.memory_space<semaphore_mem>>) src(%arg7 : memref<80x32xf32, #tpu.memory_space<hbm>>) dst(%arg18 : memref<80x32xf32, #tpu.memory_space<vmem>>)
        tpu.yield
      }) : () -> ()
      %eq3A = arith.constant 0 : i32
      %eq3A_9 = arith.cmpi eq, %scan3A_5, %eq3A : i32
      %convert_element_type3A = arith.extui %eq3A_9 : i1 to i32
      %cond3A = arith.constant 0 : i32
      %cond3A_10 = arith.cmpi ne, %convert_element_type3A, %cond3A : i32
      scf.if %cond3A_10 {
        "tpu.region"() ({
          %run_scoped3A = tpu.sem_alloc : memref<!tpu.dma_semaphore, #tpu.memory_space<semaphore_mem>>
          tpu.enqueue_dma source(%arg8 : memref<2000xf32, #tpu.memory_space<hbm>>) target(%arg19 : memref<2000xf32, #tpu.memory_space<vmem>>) target_semaphore(%run_scoped3A : memref<!tpu.dma_semaphore, #tpu.memory_space<semaphore_mem>>)
          tpu.wait_dma2 semaphore(%run_scoped3A : memref<!tpu.dma_semaphore, #tpu.memory_space<semaphore_mem>>) src(%arg8 : memref<2000xf32, #tpu.memory_space<hbm>>) dst(%arg19 : memref<2000xf32, #tpu.memory_space<vmem>>)
          tpu.yield
        }) : () -> ()
      } else {
      }
      %scan3A_11 = arith.constant 0 : i32
      %scan3A_12 = arith.constant 0 : i32
      %scan3A_13 = arith.constant 25 : i32
      %scan3A_14 = arith.addi %scan3A_12, %scan3A_13 : i32
      %scan3A_15 = arith.constant 1 : i32
      scf.for %scan3A_33 = %scan3A_12 to %scan3A_14 step %scan3A_15  : i32 {
        %jit3A = arith.constant 16 : i32
        %eq3A_34 = arith.constant 0 : i32
        %eq3A_35 = arith.cmpi eq, %jit3A, %eq3A_34 : i32
        %jit3A_36 = arith.constant 1 : i32
        %select_n3A = arith.select %eq3A_35, %jit3A_36, %jit3A : i32
        %rem3A = arith.remsi %scan3A_33, %select_n3A : i32
        %ne3A = arith.constant 0 : i32
        %ne3A_37 = arith.cmpi ne, %rem3A, %ne3A : i32
        %lt3A = arith.constant 0 : i32
        %lt3A_38 = arith.cmpi slt, %rem3A, %lt3A : i32
        %lt3A_39 = arith.constant 0 : i32
        %lt3A_40 = arith.cmpi slt, %select_n3A, %lt3A_39 : i32
        %ne3A_41 = arith.xori %lt3A_38, %lt3A_40 : i1
        %and3A = arith.andi %ne3A_41, %ne3A_37 : i1
        %add3A_42 = arith.addi %rem3A, %select_n3A : i32
        %select_n3A_43 = arith.select %and3A, %add3A_42, %rem3A : i32
        %eq3A_44 = arith.cmpi eq, %arg1, %select_n3A_43 : i32
        %convert_element_type3A_45 = arith.extui %eq3A_44 : i1 to i32
        %cond3A_46 = arith.constant 0 : i32
        %cond3A_47 = arith.cmpi ne, %convert_element_type3A_45, %cond3A_46 : i32
        scf.if %cond3A_47 {
          %scan3A_48 = arith.constant 0 : i32
          %scan3A_49 = arith.constant 0 : i32
          %scan3A_50 = arith.constant 25 : i32
          %scan3A_51 = arith.addi %scan3A_49, %scan3A_50 : i32
          %scan3A_52 = arith.constant 1 : i32
          scf.for %scan3A_62 = %scan3A_49 to %scan3A_51 step %scan3A_52  : i32 {
            %mul3A_63 = arith.constant 2000 : i32
            %mul3A_64 = arith.muli %scan3A_33, %mul3A_63 : i32
            %mul3A_65 = arith.constant 80 : i32
            %mul3A_66 = arith.muli %scan3A_62, %mul3A_65 : i32
            %add3A_67 = arith.addi %mul3A_64, %mul3A_66 : i32
            "tpu.region"() ({
              %run_scoped3A = tpu.sem_alloc : memref<!tpu.dma_semaphore, #tpu.memory_space<semaphore_mem>>
              %dma_start3A = arith.constant 0 : i32
              %dma_start3A_68 = tpu.memref_slice %arg20[%add3A_67, %dma_start3A] : memref<50000x32xf32, #tpu.memory_space<vmem_shared>> -> memref<80x32xf32, #tpu.memory_space<vmem_shared>>
              %dma_start3A_69 = arith.constant 0 : i32
              %dma_start3A_70 = tpu.memref_slice %arg20[%add3A_67, %dma_start3A_69] : memref<50000x32xf32, #tpu.memory_space<vmem_shared>> -> memref<80x32xf32, #tpu.memory_space<vmem_shared>>
              tpu.enqueue_dma source(%arg18 : memref<80x32xf32, #tpu.memory_space<vmem>>) target(%dma_start3A_70 : memref<80x32xf32, #tpu.memory_space<vmem_shared>>) target_semaphore(%run_scoped3A : memref<!tpu.dma_semaphore, #tpu.memory_space<semaphore_mem>>)
              %dma_wait3A = arith.constant 0 : i32
              %dma_wait3A_71 = tpu.memref_slice %arg20[%add3A_67, %dma_wait3A] : memref<50000x32xf32, #tpu.memory_space<vmem_shared>> -> memref<80x32xf32, #tpu.memory_space<vmem_shared>>
              %dma_wait3A_72 = arith.constant 0 : i32
              %dma_wait3A_73 = tpu.memref_slice %arg20[%add3A_67, %dma_wait3A_72] : memref<50000x32xf32, #tpu.memory_space<vmem_shared>> -> memref<80x32xf32, #tpu.memory_space<vmem_shared>>
              tpu.wait_dma2 semaphore(%run_scoped3A : memref<!tpu.dma_semaphore, #tpu.memory_space<semaphore_mem>>) src(%arg18 : memref<80x32xf32, #tpu.memory_space<vmem>>) dst(%dma_wait3A_73 : memref<80x32xf32, #tpu.memory_space<vmem_shared>>)
              tpu.yield
            }) : () -> ()
          }
          %scan3A_53 = arith.constant 25 : i32
          %eq3A_54 = arith.constant 0 : i32
          %eq3A_55 = arith.cmpi eq, %scan3A_5, %eq3A_54 : i32
          %eq3A_56 = arith.constant 0 : i32
          %eq3A_57 = arith.cmpi eq, %arg0, %eq3A_56 : i32
          %and3A_58 = arith.andi %eq3A_55, %eq3A_57 : i1
          %convert_element_type3A_59 = arith.extui %and3A_58 : i1 to i32
          %cond3A_60 = arith.constant 0 : i32
          %cond3A_61 = arith.cmpi ne, %convert_element_type3A_59, %cond3A_60 : i32
          scf.if %cond3A_61 {
            %mul3A_62 = arith.constant 2000 : i32
            %mul3A_63 = arith.muli %scan3A_33, %mul3A_62 : i32
            "tpu.region"() ({
              %run_scoped3A = tpu.sem_alloc : memref<!tpu.dma_semaphore, #tpu.memory_space<semaphore_mem>>
              %dma_start3A = tpu.memref_slice %arg21[%mul3A_63] : memref<50000xf32, #tpu.memory_space<vmem_shared>> -> memref<2000xf32, #tpu.memory_space<vmem_shared>>
              %dma_start3A_64 = tpu.memref_slice %arg21[%mul3A_63] : memref<50000xf32, #tpu.memory_space<vmem_shared>> -> memref<2000xf32, #tpu.memory_space<vmem_shared>>
              tpu.enqueue_dma source(%arg19 : memref<2000xf32, #tpu.memory_space<vmem>>) target(%dma_start3A_64 : memref<2000xf32, #tpu.memory_space<vmem_shared>>) target_semaphore(%run_scoped3A : memref<!tpu.dma_semaphore, #tpu.memory_space<semaphore_mem>>)
              %dma_wait3A = tpu.memref_slice %arg21[%mul3A_63] : memref<50000xf32, #tpu.memory_space<vmem_shared>> -> memref<2000xf32, #tpu.memory_space<vmem_shared>>
              %dma_wait3A_65 = tpu.memref_slice %arg21[%mul3A_63] : memref<50000xf32, #tpu.memory_space<vmem_shared>> -> memref<2000xf32, #tpu.memory_space<vmem_shared>>
              tpu.wait_dma2 semaphore(%run_scoped3A : memref<!tpu.dma_semaphore, #tpu.memory_space<semaphore_mem>>) src(%arg19 : memref<2000xf32, #tpu.memory_space<vmem>>) dst(%dma_wait3A_65 : memref<2000xf32, #tpu.memory_space<vmem_shared>>)
              tpu.yield
            }) : () -> ()
          } else {
          }
        } else {
        }
      }
      %scan3A_16 = arith.constant 25 : i32
      %barrier3A = arith.constant 0 : index
      tpu.barrier barrier_id(%barrier3A)
      %mul3A_17 = arith.constant 160 : i32
      %mul3A_18 = arith.muli %arg1, %mul3A_17 : i32
      %scan3A_19 = arith.constant 0 : i32
      %scan3A_20 = arith.constant 0 : i32
      %scan3A_21 = arith.constant 20 : i32
      %scan3A_22 = arith.addi %scan3A_20, %scan3A_21 : i32
      %scan3A_23 = arith.constant 1 : i32
      scf.for %scan3A_33 = %scan3A_20 to %scan3A_22 step %scan3A_23  : i32 {
        %mul3A_34 = arith.constant 8 : i32
        %mul3A_35 = arith.muli %scan3A_33, %mul3A_34 : i32
        %add3A_36 = arith.addi %mul3A_18, %mul3A_35 : i32
        "tpu.region"() ({
          %run_scoped3A = tpu.sem_alloc : memref<!tpu.dma_semaphore, #tpu.memory_space<semaphore_mem>>
          %dma_start3A = arith.constant 0 : i32
          %dma_start3A_58 = tpu.memref_slice %arg2[%add3A_36, %dma_start3A] : memref<2560x128xi32, #tpu.memory_space<hbm>> -> memref<8x128xi32, #tpu.memory_space<hbm>>
          %dma_start3A_59 = arith.constant 0 : i32
          %dma_start3A_60 = tpu.memref_slice %arg2[%add3A_36, %dma_start3A_59] : memref<2560x128xi32, #tpu.memory_space<hbm>> -> memref<8x128xi32, #tpu.memory_space<hbm>>
          tpu.enqueue_dma source(%dma_start3A_60 : memref<8x128xi32, #tpu.memory_space<hbm>>) target(%arg12 : memref<8x128xi32, #tpu.memory_space<vmem>>) target_semaphore(%run_scoped3A : memref<!tpu.dma_semaphore, #tpu.memory_space<semaphore_mem>>)
          %dma_wait3A = arith.constant 0 : i32
          %dma_wait3A_61 = tpu.memref_slice %arg2[%add3A_36, %dma_wait3A] : memref<2560x128xi32, #tpu.memory_space<hbm>> -> memref<8x128xi32, #tpu.memory_space<hbm>>
          %dma_wait3A_62 = arith.constant 0 : i32
          %dma_wait3A_63 = tpu.memref_slice %arg2[%add3A_36, %dma_wait3A_62] : memref<2560x128xi32, #tpu.memory_space<hbm>> -> memref<8x128xi32, #tpu.memory_space<hbm>>
          tpu.wait_dma2 semaphore(%run_scoped3A : memref<!tpu.dma_semaphore, #tpu.memory_space<semaphore_mem>>) src(%dma_wait3A_63 : memref<8x128xi32, #tpu.memory_space<hbm>>) dst(%arg12 : memref<8x128xi32, #tpu.memory_space<vmem>>)
          tpu.yield
        }) : () -> ()
        "tpu.region"() ({
          %run_scoped3A = tpu.sem_alloc : memref<!tpu.dma_semaphore, #tpu.memory_space<semaphore_mem>>
          %dma_start3A = arith.constant 0 : i32
          %dma_start3A_58 = tpu.memref_slice %arg3[%add3A_36, %dma_start3A] : memref<2560x128xi32, #tpu.memory_space<hbm>> -> memref<8x128xi32, #tpu.memory_space<hbm>>
          %dma_start3A_59 = arith.constant 0 : i32
          %dma_start3A_60 = tpu.memref_slice %arg3[%add3A_36, %dma_start3A_59] : memref<2560x128xi32, #tpu.memory_space<hbm>> -> memref<8x128xi32, #tpu.memory_space<hbm>>
          tpu.enqueue_dma source(%dma_start3A_60 : memref<8x128xi32, #tpu.memory_space<hbm>>) target(%arg13 : memref<8x128xi32, #tpu.memory_space<vmem>>) target_semaphore(%run_scoped3A : memref<!tpu.dma_semaphore, #tpu.memory_space<semaphore_mem>>)
          %dma_wait3A = arith.constant 0 : i32
          %dma_wait3A_61 = tpu.memref_slice %arg3[%add3A_36, %dma_wait3A] : memref<2560x128xi32, #tpu.memory_space<hbm>> -> memref<8x128xi32, #tpu.memory_space<hbm>>
          %dma_wait3A_62 = arith.constant 0 : i32
          %dma_wait3A_63 = tpu.memref_slice %arg3[%add3A_36, %dma_wait3A_62] : memref<2560x128xi32, #tpu.memory_space<hbm>> -> memref<8x128xi32, #tpu.memory_space<hbm>>
          tpu.wait_dma2 semaphore(%run_scoped3A : memref<!tpu.dma_semaphore, #tpu.memory_space<semaphore_mem>>) src(%dma_wait3A_63 : memref<8x128xi32, #tpu.memory_space<hbm>>) dst(%arg13 : memref<8x128xi32, #tpu.memory_space<vmem>>)
          tpu.yield
        }) : () -> ()
        %eq3A_37 = arith.constant 0 : i32
        %eq3A_38 = arith.cmpi eq, %scan3A_5, %eq3A_37 : i32
        %convert_element_type3A_39 = arith.extui %eq3A_38 : i1 to i32
        %cond3A_40 = arith.constant 0 : i32
        %cond3A_41 = arith.cmpi ne, %convert_element_type3A_39, %cond3A_40 : i32
        scf.if %cond3A_41 {
          %dma_start3A = arith.constant 0 : i32
          %dma_start3A_58 = arith.constant 0 : i32
          %dma_start3A_59 = arith.constant 0 : i32
          %dma_start3A_60 = tpu.memref_slice %arg15[%dma_start3A_58, %dma_start3A_59] : memref<8x128xf32, #tpu.memory_space<vmem>> -> memref<1x128xf32, #tpu.memory_space<vmem>>
          %dma_start3A_61 = tpu.memref_squeeze %dma_start3A_60 : memref<1x128xf32, #tpu.memory_space<vmem>> -> memref<128xf32, #tpu.memory_space<vmem>>
          %dma_start3A_62 = arith.constant 0 : i32
          %dma_start3A_63 = tpu.memref_slice %arg12[%dma_start3A, %dma_start3A_62] : memref<8x128xi32, #tpu.memory_space<vmem>> -> memref<1x128xi32, #tpu.memory_space<vmem>>
          %dma_start3A_64 = tpu.memref_squeeze %dma_start3A_63 : memref<1x128xi32, #tpu.memory_space<vmem>> -> memref<128xi32, #tpu.memory_space<vmem>>
          %dma_start3A_65 = arith.constant 0 : i32
          %dma_start3A_66 = tpu.memref_slice %arg5[%dma_start3A_65] : memref<12000xf32, #tpu.memory_space<hbm>> -> memref<12000xf32, #tpu.memory_space<hbm>>
          tpu.enqueue_indirect_dma source(%dma_start3A_66 : memref<12000xf32, #tpu.memory_space<hbm>>) target(%dma_start3A_61 : memref<128xf32, #tpu.memory_space<vmem>>) offsets(%dma_start3A_64 : memref<128xi32, #tpu.memory_space<vmem>>) semaphore(%arg22 : memref<!tpu.dma_semaphore, #tpu.memory_space<semaphore_mem>>)
          %dma_start3A_67 = arith.constant 0 : i32
          %dma_start3A_68 = arith.constant 0 : i32
          %dma_start3A_69 = arith.constant 0 : i32
          %dma_start3A_70 = tpu.memref_slice %arg16[%dma_start3A_68, %dma_start3A_69] : memref<8x128xf32, #tpu.memory_space<vmem>> -> memref<1x128xf32, #tpu.memory_space<vmem>>
          %dma_start3A_71 = tpu.memref_squeeze %dma_start3A_70 : memref<1x128xf32, #tpu.memory_space<vmem>> -> memref<128xf32, #tpu.memory_space<vmem>>
          %dma_start3A_72 = arith.constant 0 : i32
          %dma_start3A_73 = tpu.memref_slice %arg13[%dma_start3A_67, %dma_start3A_72] : memref<8x128xi32, #tpu.memory_space<vmem>> -> memref<1x128xi32, #tpu.memory_space<vmem>>
          %dma_start3A_74 = tpu.memref_squeeze %dma_start3A_73 : memref<1x128xi32, #tpu.memory_space<vmem>> -> memref<128xi32, #tpu.memory_space<vmem>>
          %dma_start3A_75 = arith.constant 0 : i32
          %dma_start3A_76 = tpu.memref_slice %arg6[%dma_start3A_75] : memref<50000xf32, #tpu.memory_space<hbm>> -> memref<50000xf32, #tpu.memory_space<hbm>>
          tpu.enqueue_indirect_dma source(%dma_start3A_76 : memref<50000xf32, #tpu.memory_space<hbm>>) target(%dma_start3A_71 : memref<128xf32, #tpu.memory_space<vmem>>) offsets(%dma_start3A_74 : memref<128xi32, #tpu.memory_space<vmem>>) semaphore(%arg22 : memref<!tpu.dma_semaphore, #tpu.memory_space<semaphore_mem>>)
          %dma_start3A_77 = arith.constant 1 : i32
          %dma_start3A_78 = arith.constant 1 : i32
          %dma_start3A_79 = arith.constant 0 : i32
          %dma_start3A_80 = tpu.memref_slice %arg15[%dma_start3A_78, %dma_start3A_79] : memref<8x128xf32, #tpu.memory_space<vmem>> -> memref<1x128xf32, #tpu.memory_space<vmem>>
          %dma_start3A_81 = tpu.memref_squeeze %dma_start3A_80 : memref<1x128xf32, #tpu.memory_space<vmem>> -> memref<128xf32, #tpu.memory_space<vmem>>
          %dma_start3A_82 = arith.constant 0 : i32
          %dma_start3A_83 = tpu.memref_slice %arg12[%dma_start3A_77, %dma_start3A_82] : memref<8x128xi32, #tpu.memory_space<vmem>> -> memref<1x128xi32, #tpu.memory_space<vmem>>
          %dma_start3A_84 = tpu.memref_squeeze %dma_start3A_83 : memref<1x128xi32, #tpu.memory_space<vmem>> -> memref<128xi32, #tpu.memory_space<vmem>>
          %dma_start3A_85 = arith.constant 0 : i32
          %dma_start3A_86 = tpu.memref_slice %arg5[%dma_start3A_85] : memref<12000xf32, #tpu.memory_space<hbm>> -> memref<12000xf32, #tpu.memory_space<hbm>>
          tpu.enqueue_indirect_dma source(%dma_start3A_86 : memref<12000xf32, #tpu.memory_space<hbm>>) target(%dma_start3A_81 : memref<128xf32, #tpu.memory_space<vmem>>) offsets(%dma_start3A_84 : memref<128xi32, #tpu.memory_space<vmem>>) semaphore(%arg22 : memref<!tpu.dma_semaphore, #tpu.memory_space<semaphore_mem>>)
          %dma_start3A_87 = arith.constant 1 : i32
          %dma_start3A_88 = arith.constant 1 : i32
          %dma_start3A_89 = arith.constant 0 : i32
          %dma_start3A_90 = tpu.memref_slice %arg16[%dma_start3A_88, %dma_start3A_89] : memref<8x128xf32, #tpu.memory_space<vmem>> -> memref<1x128xf32, #tpu.memory_space<vmem>>
          %dma_start3A_91 = tpu.memref_squeeze %dma_start3A_90 : memref<1x128xf32, #tpu.memory_space<vmem>> -> memref<128xf32, #tpu.memory_space<vmem>>
          %dma_start3A_92 = arith.constant 0 : i32
          %dma_start3A_93 = tpu.memref_slice %arg13[%dma_start3A_87, %dma_start3A_92] : memref<8x128xi32, #tpu.memory_space<vmem>> -> memref<1x128xi32, #tpu.memory_space<vmem>>
          %dma_start3A_94 = tpu.memref_squeeze %dma_start3A_93 : memref<1x128xi32, #tpu.memory_space<vmem>> -> memref<128xi32, #tpu.memory_space<vmem>>
          %dma_start3A_95 = arith.constant 0 : i32
          %dma_start3A_96 = tpu.memref_slice %arg6[%dma_start3A_95] : memref<50000xf32, #tpu.memory_space<hbm>> -> memref<50000xf32, #tpu.memory_space<hbm>>
          tpu.enqueue_indirect_dma source(%dma_start3A_96 : memref<50000xf32, #tpu.memory_space<hbm>>) target(%dma_start3A_91 : memref<128xf32, #tpu.memory_space<vmem>>) offsets(%dma_start3A_94 : memref<128xi32, #tpu.memory_space<vmem>>) semaphore(%arg22 : memref<!tpu.dma_semaphore, #tpu.memory_space<semaphore_mem>>)
          %dma_start3A_97 = arith.constant 2 : i32
          %dma_start3A_98 = arith.constant 2 : i32
          %dma_start3A_99 = arith.constant 0 : i32
          %dma_start3A_100 = tpu.memref_slice %arg15[%dma_start3A_98, %dma_start3A_99] : memref<8x128xf32, #tpu.memory_space<vmem>> -> memref<1x128xf32, #tpu.memory_space<vmem>>
          %dma_start3A_101 = tpu.memref_squeeze %dma_start3A_100 : memref<1x128xf32, #tpu.memory_space<vmem>> -> memref<128xf32, #tpu.memory_space<vmem>>
          %dma_start3A_102 = arith.constant 0 : i32
          %dma_start3A_103 = tpu.memref_slice %arg12[%dma_start3A_97, %dma_start3A_102] : memref<8x128xi32, #tpu.memory_space<vmem>> -> memref<1x128xi32, #tpu.memory_space<vmem>>
          %dma_start3A_104 = tpu.memref_squeeze %dma_start3A_103 : memref<1x128xi32, #tpu.memory_space<vmem>> -> memref<128xi32, #tpu.memory_space<vmem>>
          %dma_start3A_105 = arith.constant 0 : i32
          %dma_start3A_106 = tpu.memref_slice %arg5[%dma_start3A_105] : memref<12000xf32, #tpu.memory_space<hbm>> -> memref<12000xf32, #tpu.memory_space<hbm>>
          tpu.enqueue_indirect_dma source(%dma_start3A_106 : memref<12000xf32, #tpu.memory_space<hbm>>) target(%dma_start3A_101 : memref<128xf32, #tpu.memory_space<vmem>>) offsets(%dma_start3A_104 : memref<128xi32, #tpu.memory_space<vmem>>) semaphore(%arg22 : memref<!tpu.dma_semaphore, #tpu.memory_space<semaphore_mem>>)
          %dma_start3A_107 = arith.constant 2 : i32
          %dma_start3A_108 = arith.constant 2 : i32
          %dma_start3A_109 = arith.constant 0 : i32
          %dma_start3A_110 = tpu.memref_slice %arg16[%dma_start3A_108, %dma_start3A_109] : memref<8x128xf32, #tpu.memory_space<vmem>> -> memref<1x128xf32, #tpu.memory_space<vmem>>
          %dma_start3A_111 = tpu.memref_squeeze %dma_start3A_110 : memref<1x128xf32, #tpu.memory_space<vmem>> -> memref<128xf32, #tpu.memory_space<vmem>>
          %dma_start3A_112 = arith.constant 0 : i32
          %dma_start3A_113 = tpu.memref_slice %arg13[%dma_start3A_107, %dma_start3A_112] : memref<8x128xi32, #tpu.memory_space<vmem>> -> memref<1x128xi32, #tpu.memory_space<vmem>>
          %dma_start3A_114 = tpu.memref_squeeze %dma_start3A_113 : memref<1x128xi32, #tpu.memory_space<vmem>> -> memref<128xi32, #tpu.memory_space<vmem>>
          %dma_start3A_115 = arith.constant 0 : i32
          %dma_start3A_116 = tpu.memref_slice %arg6[%dma_start3A_115] : memref<50000xf32, #tpu.memory_space<hbm>> -> memref<50000xf32, #tpu.memory_space<hbm>>
          tpu.enqueue_indirect_dma source(%dma_start3A_116 : memref<50000xf32, #tpu.memory_space<hbm>>) target(%dma_start3A_111 : memref<128xf32, #tpu.memory_space<vmem>>) offsets(%dma_start3A_114 : memref<128xi32, #tpu.memory_space<vmem>>) semaphore(%arg22 : memref<!tpu.dma_semaphore, #tpu.memory_space<semaphore_mem>>)
          %dma_start3A_117 = arith.constant 3 : i32
          %dma_start3A_118 = arith.constant 3 : i32
          %dma_start3A_119 = arith.constant 0 : i32
          %dma_start3A_120 = tpu.memref_slice %arg15[%dma_start3A_118, %dma_start3A_119] : memref<8x128xf32, #tpu.memory_space<vmem>> -> memref<1x128xf32, #tpu.memory_space<vmem>>
          %dma_start3A_121 = tpu.memref_squeeze %dma_start3A_120 : memref<1x128xf32, #tpu.memory_space<vmem>> -> memref<128xf32, #tpu.memory_space<vmem>>
          %dma_start3A_122 = arith.constant 0 : i32
          %dma_start3A_123 = tpu.memref_slice %arg12[%dma_start3A_117, %dma_start3A_122] : memref<8x128xi32, #tpu.memory_space<vmem>> -> memref<1x128xi32, #tpu.memory_space<vmem>>
          %dma_start3A_124 = tpu.memref_squeeze %dma_start3A_123 : memref<1x128xi32, #tpu.memory_space<vmem>> -> memref<128xi32, #tpu.memory_space<vmem>>
          %dma_start3A_125 = arith.constant 0 : i32
          %dma_start3A_126 = tpu.memref_slice %arg5[%dma_start3A_125] : memref<12000xf32, #tpu.memory_space<hbm>> -> memref<12000xf32, #tpu.memory_space<hbm>>
          tpu.enqueue_indirect_dma source(%dma_start3A_126 : memref<12000xf32, #tpu.memory_space<hbm>>) target(%dma_start3A_121 : memref<128xf32, #tpu.memory_space<vmem>>) offsets(%dma_start3A_124 : memref<128xi32, #tpu.memory_space<vmem>>) semaphore(%arg22 : memref<!tpu.dma_semaphore, #tpu.memory_space<semaphore_mem>>)
          %dma_start3A_127 = arith.constant 3 : i32
          %dma_start3A_128 = arith.constant 3 : i32
          %dma_start3A_129 = arith.constant 0 : i32
          %dma_start3A_130 = tpu.memref_slice %arg16[%dma_start3A_128, %dma_start3A_129] : memref<8x128xf32, #tpu.memory_space<vmem>> -> memref<1x128xf32, #tpu.memory_space<vmem>>
          %dma_start3A_131 = tpu.memref_squeeze %dma_start3A_130 : memref<1x128xf32, #tpu.memory_space<vmem>> -> memref<128xf32, #tpu.memory_space<vmem>>
          %dma_start3A_132 = arith.constant 0 : i32
          %dma_start3A_133 = tpu.memref_slice %arg13[%dma_start3A_127, %dma_start3A_132] : memref<8x128xi32, #tpu.memory_space<vmem>> -> memref<1x128xi32, #tpu.memory_space<vmem>>
          %dma_start3A_134 = tpu.memref_squeeze %dma_start3A_133 : memref<1x128xi32, #tpu.memory_space<vmem>> -> memref<128xi32, #tpu.memory_space<vmem>>
          %dma_start3A_135 = arith.constant 0 : i32
          %dma_start3A_136 = tpu.memref_slice %arg6[%dma_start3A_135] : memref<50000xf32, #tpu.memory_space<hbm>> -> memref<50000xf32, #tpu.memory_space<hbm>>
          tpu.enqueue_indirect_dma source(%dma_start3A_136 : memref<50000xf32, #tpu.memory_space<hbm>>) target(%dma_start3A_131 : memref<128xf32, #tpu.memory_space<vmem>>) offsets(%dma_start3A_134 : memref<128xi32, #tpu.memory_space<vmem>>) semaphore(%arg22 : memref<!tpu.dma_semaphore, #tpu.memory_space<semaphore_mem>>)
          %dma_start3A_137 = arith.constant 4 : i32
          %dma_start3A_138 = arith.constant 4 : i32
          %dma_start3A_139 = arith.constant 0 : i32
          %dma_start3A_140 = tpu.memref_slice %arg15[%dma_start3A_138, %dma_start3A_139] : memref<8x128xf32, #tpu.memory_space<vmem>> -> memref<1x128xf32, #tpu.memory_space<vmem>>
          %dma_start3A_141 = tpu.memref_squeeze %dma_start3A_140 : memref<1x128xf32, #tpu.memory_space<vmem>> -> memref<128xf32, #tpu.memory_space<vmem>>
          %dma_start3A_142 = arith.constant 0 : i32
          %dma_start3A_143 = tpu.memref_slice %arg12[%dma_start3A_137, %dma_start3A_142] : memref<8x128xi32, #tpu.memory_space<vmem>> -> memref<1x128xi32, #tpu.memory_space<vmem>>
          %dma_start3A_144 = tpu.memref_squeeze %dma_start3A_143 : memref<1x128xi32, #tpu.memory_space<vmem>> -> memref<128xi32, #tpu.memory_space<vmem>>
          %dma_start3A_145 = arith.constant 0 : i32
          %dma_start3A_146 = tpu.memref_slice %arg5[%dma_start3A_145] : memref<12000xf32, #tpu.memory_space<hbm>> -> memref<12000xf32, #tpu.memory_space<hbm>>
          tpu.enqueue_indirect_dma source(%dma_start3A_146 : memref<12000xf32, #tpu.memory_space<hbm>>) target(%dma_start3A_141 : memref<128xf32, #tpu.memory_space<vmem>>) offsets(%dma_start3A_144 : memref<128xi32, #tpu.memory_space<vmem>>) semaphore(%arg22 : memref<!tpu.dma_semaphore, #tpu.memory_space<semaphore_mem>>)
          %dma_start3A_147 = arith.constant 4 : i32
          %dma_start3A_148 = arith.constant 4 : i32
          %dma_start3A_149 = arith.constant 0 : i32
          %dma_start3A_150 = tpu.memref_slice %arg16[%dma_start3A_148, %dma_start3A_149] : memref<8x128xf32, #tpu.memory_space<vmem>> -> memref<1x128xf32, #tpu.memory_space<vmem>>
          %dma_start3A_151 = tpu.memref_squeeze %dma_start3A_150 : memref<1x128xf32, #tpu.memory_space<vmem>> -> memref<128xf32, #tpu.memory_space<vmem>>
          %dma_start3A_152 = arith.constant 0 : i32
          %dma_start3A_153 = tpu.memref_slice %arg13[%dma_start3A_147, %dma_start3A_152] : memref<8x128xi32, #tpu.memory_space<vmem>> -> memref<1x128xi32, #tpu.memory_space<vmem>>
          %dma_start3A_154 = tpu.memref_squeeze %dma_start3A_153 : memref<1x128xi32, #tpu.memory_space<vmem>> -> memref<128xi32, #tpu.memory_space<vmem>>
          %dma_start3A_155 = arith.constant 0 : i32
          %dma_start3A_156 = tpu.memref_slice %arg6[%dma_start3A_155] : memref<50000xf32, #tpu.memory_space<hbm>> -> memref<50000xf32, #tpu.memory_space<hbm>>
          tpu.enqueue_indirect_dma source(%dma_start3A_156 : memref<50000xf32, #tpu.memory_space<hbm>>) target(%dma_start3A_151 : memref<128xf32, #tpu.memory_space<vmem>>) offsets(%dma_start3A_154 : memref<128xi32, #tpu.memory_space<vmem>>) semaphore(%arg22 : memref<!tpu.dma_semaphore, #tpu.memory_space<semaphore_mem>>)
          %dma_start3A_157 = arith.constant 5 : i32
          %dma_start3A_158 = arith.constant 5 : i32
          %dma_start3A_159 = arith.constant 0 : i32
          %dma_start3A_160 = tpu.memref_slice %arg15[%dma_start3A_158, %dma_start3A_159] : memref<8x128xf32, #tpu.memory_space<vmem>> -> memref<1x128xf32, #tpu.memory_space<vmem>>
          %dma_start3A_161 = tpu.memref_squeeze %dma_start3A_160 : memref<1x128xf32, #tpu.memory_space<vmem>> -> memref<128xf32, #tpu.memory_space<vmem>>
          %dma_start3A_162 = arith.constant 0 : i32
          %dma_start3A_163 = tpu.memref_slice %arg12[%dma_start3A_157, %dma_start3A_162] : memref<8x128xi32, #tpu.memory_space<vmem>> -> memref<1x128xi32, #tpu.memory_space<vmem>>
          %dma_start3A_164 = tpu.memref_squeeze %dma_start3A_163 : memref<1x128xi32, #tpu.memory_space<vmem>> -> memref<128xi32, #tpu.memory_space<vmem>>
          %dma_start3A_165 = arith.constant 0 : i32
          %dma_start3A_166 = tpu.memref_slice %arg5[%dma_start3A_165] : memref<12000xf32, #tpu.memory_space<hbm>> -> memref<12000xf32, #tpu.memory_space<hbm>>
          tpu.enqueue_indirect_dma source(%dma_start3A_166 : memref<12000xf32, #tpu.memory_space<hbm>>) target(%dma_start3A_161 : memref<128xf32, #tpu.memory_space<vmem>>) offsets(%dma_start3A_164 : memref<128xi32, #tpu.memory_space<vmem>>) semaphore(%arg22 : memref<!tpu.dma_semaphore, #tpu.memory_space<semaphore_mem>>)
          %dma_start3A_167 = arith.constant 5 : i32
          %dma_start3A_168 = arith.constant 5 : i32
          %dma_start3A_169 = arith.constant 0 : i32
          %dma_start3A_170 = tpu.memref_slice %arg16[%dma_start3A_168, %dma_start3A_169] : memref<8x128xf32, #tpu.memory_space<vmem>> -> memref<1x128xf32, #tpu.memory_space<vmem>>
          %dma_start3A_171 = tpu.memref_squeeze %dma_start3A_170 : memref<1x128xf32, #tpu.memory_space<vmem>> -> memref<128xf32, #tpu.memory_space<vmem>>
          %dma_start3A_172 = arith.constant 0 : i32
          %dma_start3A_173 = tpu.memref_slice %arg13[%dma_start3A_167, %dma_start3A_172] : memref<8x128xi32, #tpu.memory_space<vmem>> -> memref<1x128xi32, #tpu.memory_space<vmem>>
          %dma_start3A_174 = tpu.memref_squeeze %dma_start3A_173 : memref<1x128xi32, #tpu.memory_space<vmem>> -> memref<128xi32, #tpu.memory_space<vmem>>
          %dma_start3A_175 = arith.constant 0 : i32
          %dma_start3A_176 = tpu.memref_slice %arg6[%dma_start3A_175] : memref<50000xf32, #tpu.memory_space<hbm>> -> memref<50000xf32, #tpu.memory_space<hbm>>
          tpu.enqueue_indirect_dma source(%dma_start3A_176 : memref<50000xf32, #tpu.memory_space<hbm>>) target(%dma_start3A_171 : memref<128xf32, #tpu.memory_space<vmem>>) offsets(%dma_start3A_174 : memref<128xi32, #tpu.memory_space<vmem>>) semaphore(%arg22 : memref<!tpu.dma_semaphore, #tpu.memory_space<semaphore_mem>>)
          %dma_start3A_177 = arith.constant 6 : i32
          %dma_start3A_178 = arith.constant 6 : i32
          %dma_start3A_179 = arith.constant 0 : i32
          %dma_start3A_180 = tpu.memref_slice %arg15[%dma_start3A_178, %dma_start3A_179] : memref<8x128xf32, #tpu.memory_space<vmem>> -> memref<1x128xf32, #tpu.memory_space<vmem>>
          %dma_start3A_181 = tpu.memref_squeeze %dma_start3A_180 : memref<1x128xf32, #tpu.memory_space<vmem>> -> memref<128xf32, #tpu.memory_space<vmem>>
          %dma_start3A_182 = arith.constant 0 : i32
          %dma_start3A_183 = tpu.memref_slice %arg12[%dma_start3A_177, %dma_start3A_182] : memref<8x128xi32, #tpu.memory_space<vmem>> -> memref<1x128xi32, #tpu.memory_space<vmem>>
          %dma_start3A_184 = tpu.memref_squeeze %dma_start3A_183 : memref<1x128xi32, #tpu.memory_space<vmem>> -> memref<128xi32, #tpu.memory_space<vmem>>
          %dma_start3A_185 = arith.constant 0 : i32
          %dma_start3A_186 = tpu.memref_slice %arg5[%dma_start3A_185] : memref<12000xf32, #tpu.memory_space<hbm>> -> memref<12000xf32, #tpu.memory_space<hbm>>
          tpu.enqueue_indirect_dma source(%dma_start3A_186 : memref<12000xf32, #tpu.memory_space<hbm>>) target(%dma_start3A_181 : memref<128xf32, #tpu.memory_space<vmem>>) offsets(%dma_start3A_184 : memref<128xi32, #tpu.memory_space<vmem>>) semaphore(%arg22 : memref<!tpu.dma_semaphore, #tpu.memory_space<semaphore_mem>>)
          %dma_start3A_187 = arith.constant 6 : i32
          %dma_start3A_188 = arith.constant 6 : i32
          %dma_start3A_189 = arith.constant 0 : i32
          %dma_start3A_190 = tpu.memref_slice %arg16[%dma_start3A_188, %dma_start3A_189] : memref<8x128xf32, #tpu.memory_space<vmem>> -> memref<1x128xf32, #tpu.memory_space<vmem>>
          %dma_start3A_191 = tpu.memref_squeeze %dma_start3A_190 : memref<1x128xf32, #tpu.memory_space<vmem>> -> memref<128xf32, #tpu.memory_space<vmem>>
          %dma_start3A_192 = arith.constant 0 : i32
          %dma_start3A_193 = tpu.memref_slice %arg13[%dma_start3A_187, %dma_start3A_192] : memref<8x128xi32, #tpu.memory_space<vmem>> -> memref<1x128xi32, #tpu.memory_space<vmem>>
          %dma_start3A_194 = tpu.memref_squeeze %dma_start3A_193 : memref<1x128xi32, #tpu.memory_space<vmem>> -> memref<128xi32, #tpu.memory_space<vmem>>
          %dma_start3A_195 = arith.constant 0 : i32
          %dma_start3A_196 = tpu.memref_slice %arg6[%dma_start3A_195] : memref<50000xf32, #tpu.memory_space<hbm>> -> memref<50000xf32, #tpu.memory_space<hbm>>
          tpu.enqueue_indirect_dma source(%dma_start3A_196 : memref<50000xf32, #tpu.memory_space<hbm>>) target(%dma_start3A_191 : memref<128xf32, #tpu.memory_space<vmem>>) offsets(%dma_start3A_194 : memref<128xi32, #tpu.memory_space<vmem>>) semaphore(%arg22 : memref<!tpu.dma_semaphore, #tpu.memory_space<semaphore_mem>>)
          %dma_start3A_197 = arith.constant 7 : i32
          %dma_start3A_198 = arith.constant 7 : i32
          %dma_start3A_199 = arith.constant 0 : i32
          %dma_start3A_200 = tpu.memref_slice %arg15[%dma_start3A_198, %dma_start3A_199] : memref<8x128xf32, #tpu.memory_space<vmem>> -> memref<1x128xf32, #tpu.memory_space<vmem>>
          %dma_start3A_201 = tpu.memref_squeeze %dma_start3A_200 : memref<1x128xf32, #tpu.memory_space<vmem>> -> memref<128xf32, #tpu.memory_space<vmem>>
          %dma_start3A_202 = arith.constant 0 : i32
          %dma_start3A_203 = tpu.memref_slice %arg12[%dma_start3A_197, %dma_start3A_202] : memref<8x128xi32, #tpu.memory_space<vmem>> -> memref<1x128xi32, #tpu.memory_space<vmem>>
          %dma_start3A_204 = tpu.memref_squeeze %dma_start3A_203 : memref<1x128xi32, #tpu.memory_space<vmem>> -> memref<128xi32, #tpu.memory_space<vmem>>
          %dma_start3A_205 = arith.constant 0 : i32
          %dma_start3A_206 = tpu.memref_slice %arg5[%dma_start3A_205] : memref<12000xf32, #tpu.memory_space<hbm>> -> memref<12000xf32, #tpu.memory_space<hbm>>
          tpu.enqueue_indirect_dma source(%dma_start3A_206 : memref<12000xf32, #tpu.memory_space<hbm>>) target(%dma_start3A_201 : memref<128xf32, #tpu.memory_space<vmem>>) offsets(%dma_start3A_204 : memref<128xi32, #tpu.memory_space<vmem>>) semaphore(%arg22 : memref<!tpu.dma_semaphore, #tpu.memory_space<semaphore_mem>>)
          %dma_start3A_207 = arith.constant 7 : i32
          %dma_start3A_208 = arith.constant 7 : i32
          %dma_start3A_209 = arith.constant 0 : i32
          %dma_start3A_210 = tpu.memref_slice %arg16[%dma_start3A_208, %dma_start3A_209] : memref<8x128xf32, #tpu.memory_space<vmem>> -> memref<1x128xf32, #tpu.memory_space<vmem>>
          %dma_start3A_211 = tpu.memref_squeeze %dma_start3A_210 : memref<1x128xf32, #tpu.memory_space<vmem>> -> memref<128xf32, #tpu.memory_space<vmem>>
          %dma_start3A_212 = arith.constant 0 : i32
          %dma_start3A_213 = tpu.memref_slice %arg13[%dma_start3A_207, %dma_start3A_212] : memref<8x128xi32, #tpu.memory_space<vmem>> -> memref<1x128xi32, #tpu.memory_space<vmem>>
          %dma_start3A_214 = tpu.memref_squeeze %dma_start3A_213 : memref<1x128xi32, #tpu.memory_space<vmem>> -> memref<128xi32, #tpu.memory_space<vmem>>
          %dma_start3A_215 = arith.constant 0 : i32
          %dma_start3A_216 = tpu.memref_slice %arg6[%dma_start3A_215] : memref<50000xf32, #tpu.memory_space<hbm>> -> memref<50000xf32, #tpu.memory_space<hbm>>
          tpu.enqueue_indirect_dma source(%dma_start3A_216 : memref<50000xf32, #tpu.memory_space<hbm>>) target(%dma_start3A_211 : memref<128xf32, #tpu.memory_space<vmem>>) offsets(%dma_start3A_214 : memref<128xi32, #tpu.memory_space<vmem>>) semaphore(%arg22 : memref<!tpu.dma_semaphore, #tpu.memory_space<semaphore_mem>>)
          %dma_wait3A = arith.constant 0 : i32
          %dma_wait3A_217 = arith.constant 0 : i32
          %dma_wait3A_218 = arith.constant 0 : i32
          %dma_wait3A_219 = tpu.memref_slice %arg15[%dma_wait3A_217, %dma_wait3A_218] : memref<8x128xf32, #tpu.memory_space<vmem>> -> memref<1x128xf32, #tpu.memory_space<vmem>>
          %dma_wait3A_220 = tpu.memref_squeeze %dma_wait3A_219 : memref<1x128xf32, #tpu.memory_space<vmem>> -> memref<128xf32, #tpu.memory_space<vmem>>
          %dma_wait3A_221 = arith.constant 0 : i32
          %dma_wait3A_222 = tpu.memref_slice %arg12[%dma_wait3A, %dma_wait3A_221] : memref<8x128xi32, #tpu.memory_space<vmem>> -> memref<1x128xi32, #tpu.memory_space<vmem>>
          %dma_wait3A_223 = tpu.memref_squeeze %dma_wait3A_222 : memref<1x128xi32, #tpu.memory_space<vmem>> -> memref<128xi32, #tpu.memory_space<vmem>>
          %dma_wait3A_224 = arith.constant 0 : i32
          %dma_wait3A_225 = tpu.memref_slice %arg5[%dma_wait3A_224] : memref<12000xf32, #tpu.memory_space<hbm>> -> memref<12000xf32, #tpu.memory_space<hbm>>
          tpu.wait_indirect_dma semaphore(%arg22 : memref<!tpu.dma_semaphore, #tpu.memory_space<semaphore_mem>>) src(%dma_wait3A_225 : memref<12000xf32, #tpu.memory_space<hbm>>) dst(%dma_wait3A_220 : memref<128xf32, #tpu.memory_space<vmem>>)
          %dma_wait3A_226 = arith.constant 0 : i32
          %dma_wait3A_227 = arith.constant 0 : i32
          %dma_wait3A_228 = arith.constant 0 : i32
          %dma_wait3A_229 = tpu.memref_slice %arg16[%dma_wait3A_227, %dma_wait3A_228] : memref<8x128xf32, #tpu.memory_space<vmem>> -> memref<1x128xf32, #tpu.memory_space<vmem>>
          %dma_wait3A_230 = tpu.memref_squeeze %dma_wait3A_229 : memref<1x128xf32, #tpu.memory_space<vmem>> -> memref<128xf32, #tpu.memory_space<vmem>>
          %dma_wait3A_231 = arith.constant 0 : i32
          %dma_wait3A_232 = tpu.memref_slice %arg13[%dma_wait3A_226, %dma_wait3A_231] : memref<8x128xi32, #tpu.memory_space<vmem>> -> memref<1x128xi32, #tpu.memory_space<vmem>>
          %dma_wait3A_233 = tpu.memref_squeeze %dma_wait3A_232 : memref<1x128xi32, #tpu.memory_space<vmem>> -> memref<128xi32, #tpu.memory_space<vmem>>
          %dma_wait3A_234 = arith.constant 0 : i32
          %dma_wait3A_235 = tpu.memref_slice %arg6[%dma_wait3A_234] : memref<50000xf32, #tpu.memory_space<hbm>> -> memref<50000xf32, #tpu.memory_space<hbm>>
          tpu.wait_indirect_dma semaphore(%arg22 : memref<!tpu.dma_semaphore, #tpu.memory_space<semaphore_mem>>) src(%dma_wait3A_235 : memref<50000xf32, #tpu.memory_space<hbm>>) dst(%dma_wait3A_230 : memref<128xf32, #tpu.memory_space<vmem>>)
          %dma_wait3A_236 = arith.constant 1 : i32
          %dma_wait3A_237 = arith.constant 1 : i32
          %dma_wait3A_238 = arith.constant 0 : i32
          %dma_wait3A_239 = tpu.memref_slice %arg15[%dma_wait3A_237, %dma_wait3A_238] : memref<8x128xf32, #tpu.memory_space<vmem>> -> memref<1x128xf32, #tpu.memory_space<vmem>>
          %dma_wait3A_240 = tpu.memref_squeeze %dma_wait3A_239 : memref<1x128xf32, #tpu.memory_space<vmem>> -> memref<128xf32, #tpu.memory_space<vmem>>
          %dma_wait3A_241 = arith.constant 0 : i32
          %dma_wait3A_242 = tpu.memref_slice %arg12[%dma_wait3A_236, %dma_wait3A_241] : memref<8x128xi32, #tpu.memory_space<vmem>> -> memref<1x128xi32, #tpu.memory_space<vmem>>
          %dma_wait3A_243 = tpu.memref_squeeze %dma_wait3A_242 : memref<1x128xi32, #tpu.memory_space<vmem>> -> memref<128xi32, #tpu.memory_space<vmem>>
          %dma_wait3A_244 = arith.constant 0 : i32
          %dma_wait3A_245 = tpu.memref_slice %arg5[%dma_wait3A_244] : memref<12000xf32, #tpu.memory_space<hbm>> -> memref<12000xf32, #tpu.memory_space<hbm>>
          tpu.wait_indirect_dma semaphore(%arg22 : memref<!tpu.dma_semaphore, #tpu.memory_space<semaphore_mem>>) src(%dma_wait3A_245 : memref<12000xf32, #tpu.memory_space<hbm>>) dst(%dma_wait3A_240 : memref<128xf32, #tpu.memory_space<vmem>>)
          %dma_wait3A_246 = arith.constant 1 : i32
          %dma_wait3A_247 = arith.constant 1 : i32
          %dma_wait3A_248 = arith.constant 0 : i32
          %dma_wait3A_249 = tpu.memref_slice %arg16[%dma_wait3A_247, %dma_wait3A_248] : memref<8x128xf32, #tpu.memory_space<vmem>> -> memref<1x128xf32, #tpu.memory_space<vmem>>
          %dma_wait3A_250 = tpu.memref_squeeze %dma_wait3A_249 : memref<1x128xf32, #tpu.memory_space<vmem>> -> memref<128xf32, #tpu.memory_space<vmem>>
          %dma_wait3A_251 = arith.constant 0 : i32
          %dma_wait3A_252 = tpu.memref_slice %arg13[%dma_wait3A_246, %dma_wait3A_251] : memref<8x128xi32, #tpu.memory_space<vmem>> -> memref<1x128xi32, #tpu.memory_space<vmem>>
          %dma_wait3A_253 = tpu.memref_squeeze %dma_wait3A_252 : memref<1x128xi32, #tpu.memory_space<vmem>> -> memref<128xi32, #tpu.memory_space<vmem>>
          %dma_wait3A_254 = arith.constant 0 : i32
          %dma_wait3A_255 = tpu.memref_slice %arg6[%dma_wait3A_254] : memref<50000xf32, #tpu.memory_space<hbm>> -> memref<50000xf32, #tpu.memory_space<hbm>>
          tpu.wait_indirect_dma semaphore(%arg22 : memref<!tpu.dma_semaphore, #tpu.memory_space<semaphore_mem>>) src(%dma_wait3A_255 : memref<50000xf32, #tpu.memory_space<hbm>>) dst(%dma_wait3A_250 : memref<128xf32, #tpu.memory_space<vmem>>)
          %dma_wait3A_256 = arith.constant 2 : i32
          %dma_wait3A_257 = arith.constant 2 : i32
          %dma_wait3A_258 = arith.constant 0 : i32
          %dma_wait3A_259 = tpu.memref_slice %arg15[%dma_wait3A_257, %dma_wait3A_258] : memref<8x128xf32, #tpu.memory_space<vmem>> -> memref<1x128xf32, #tpu.memory_space<vmem>>
          %dma_wait3A_260 = tpu.memref_squeeze %dma_wait3A_259 : memref<1x128xf32, #tpu.memory_space<vmem>> -> memref<128xf32, #tpu.memory_space<vmem>>
          %dma_wait3A_261 = arith.constant 0 : i32
          %dma_wait3A_262 = tpu.memref_slice %arg12[%dma_wait3A_256, %dma_wait3A_261] : memref<8x128xi32, #tpu.memory_space<vmem>> -> memref<1x128xi32, #tpu.memory_space<vmem>>
          %dma_wait3A_263 = tpu.memref_squeeze %dma_wait3A_262 : memref<1x128xi32, #tpu.memory_space<vmem>> -> memref<128xi32, #tpu.memory_space<vmem>>
          %dma_wait3A_264 = arith.constant 0 : i32
          %dma_wait3A_265 = tpu.memref_slice %arg5[%dma_wait3A_264] : memref<12000xf32, #tpu.memory_space<hbm>> -> memref<12000xf32, #tpu.memory_space<hbm>>
          tpu.wait_indirect_dma semaphore(%arg22 : memref<!tpu.dma_semaphore, #tpu.memory_space<semaphore_mem>>) src(%dma_wait3A_265 : memref<12000xf32, #tpu.memory_space<hbm>>) dst(%dma_wait3A_260 : memref<128xf32, #tpu.memory_space<vmem>>)
          %dma_wait3A_266 = arith.constant 2 : i32
          %dma_wait3A_267 = arith.constant 2 : i32
          %dma_wait3A_268 = arith.constant 0 : i32
          %dma_wait3A_269 = tpu.memref_slice %arg16[%dma_wait3A_267, %dma_wait3A_268] : memref<8x128xf32, #tpu.memory_space<vmem>> -> memref<1x128xf32, #tpu.memory_space<vmem>>
          %dma_wait3A_270 = tpu.memref_squeeze %dma_wait3A_269 : memref<1x128xf32, #tpu.memory_space<vmem>> -> memref<128xf32, #tpu.memory_space<vmem>>
          %dma_wait3A_271 = arith.constant 0 : i32
          %dma_wait3A_272 = tpu.memref_slice %arg13[%dma_wait3A_266, %dma_wait3A_271] : memref<8x128xi32, #tpu.memory_space<vmem>> -> memref<1x128xi32, #tpu.memory_space<vmem>>
          %dma_wait3A_273 = tpu.memref_squeeze %dma_wait3A_272 : memref<1x128xi32, #tpu.memory_space<vmem>> -> memref<128xi32, #tpu.memory_space<vmem>>
          %dma_wait3A_274 = arith.constant 0 : i32
          %dma_wait3A_275 = tpu.memref_slice %arg6[%dma_wait3A_274] : memref<50000xf32, #tpu.memory_space<hbm>> -> memref<50000xf32, #tpu.memory_space<hbm>>
          tpu.wait_indirect_dma semaphore(%arg22 : memref<!tpu.dma_semaphore, #tpu.memory_space<semaphore_mem>>) src(%dma_wait3A_275 : memref<50000xf32, #tpu.memory_space<hbm>>) dst(%dma_wait3A_270 : memref<128xf32, #tpu.memory_space<vmem>>)
          %dma_wait3A_276 = arith.constant 3 : i32
          %dma_wait3A_277 = arith.constant 3 : i32
          %dma_wait3A_278 = arith.constant 0 : i32
          %dma_wait3A_279 = tpu.memref_slice %arg15[%dma_wait3A_277, %dma_wait3A_278] : memref<8x128xf32, #tpu.memory_space<vmem>> -> memref<1x128xf32, #tpu.memory_space<vmem>>
          %dma_wait3A_280 = tpu.memref_squeeze %dma_wait3A_279 : memref<1x128xf32, #tpu.memory_space<vmem>> -> memref<128xf32, #tpu.memory_space<vmem>>
          %dma_wait3A_281 = arith.constant 0 : i32
          %dma_wait3A_282 = tpu.memref_slice %arg12[%dma_wait3A_276, %dma_wait3A_281] : memref<8x128xi32, #tpu.memory_space<vmem>> -> memref<1x128xi32, #tpu.memory_space<vmem>>
          %dma_wait3A_283 = tpu.memref_squeeze %dma_wait3A_282 : memref<1x128xi32, #tpu.memory_space<vmem>> -> memref<128xi32, #tpu.memory_space<vmem>>
          %dma_wait3A_284 = arith.constant 0 : i32
          %dma_wait3A_285 = tpu.memref_slice %arg5[%dma_wait3A_284] : memref<12000xf32, #tpu.memory_space<hbm>> -> memref<12000xf32, #tpu.memory_space<hbm>>
          tpu.wait_indirect_dma semaphore(%arg22 : memref<!tpu.dma_semaphore, #tpu.memory_space<semaphore_mem>>) src(%dma_wait3A_285 : memref<12000xf32, #tpu.memory_space<hbm>>) dst(%dma_wait3A_280 : memref<128xf32, #tpu.memory_space<vmem>>)
          %dma_wait3A_286 = arith.constant 3 : i32
          %dma_wait3A_287 = arith.constant 3 : i32
          %dma_wait3A_288 = arith.constant 0 : i32
          %dma_wait3A_289 = tpu.memref_slice %arg16[%dma_wait3A_287, %dma_wait3A_288] : memref<8x128xf32, #tpu.memory_space<vmem>> -> memref<1x128xf32, #tpu.memory_space<vmem>>
          %dma_wait3A_290 = tpu.memref_squeeze %dma_wait3A_289 : memref<1x128xf32, #tpu.memory_space<vmem>> -> memref<128xf32, #tpu.memory_space<vmem>>
          %dma_wait3A_291 = arith.constant 0 : i32
          %dma_wait3A_292 = tpu.memref_slice %arg13[%dma_wait3A_286, %dma_wait3A_291] : memref<8x128xi32, #tpu.memory_space<vmem>> -> memref<1x128xi32, #tpu.memory_space<vmem>>
          %dma_wait3A_293 = tpu.memref_squeeze %dma_wait3A_292 : memref<1x128xi32, #tpu.memory_space<vmem>> -> memref<128xi32, #tpu.memory_space<vmem>>
          %dma_wait3A_294 = arith.constant 0 : i32
          %dma_wait3A_295 = tpu.memref_slice %arg6[%dma_wait3A_294] : memref<50000xf32, #tpu.memory_space<hbm>> -> memref<50000xf32, #tpu.memory_space<hbm>>
          tpu.wait_indirect_dma semaphore(%arg22 : memref<!tpu.dma_semaphore, #tpu.memory_space<semaphore_mem>>) src(%dma_wait3A_295 : memref<50000xf32, #tpu.memory_space<hbm>>) dst(%dma_wait3A_290 : memref<128xf32, #tpu.memory_space<vmem>>)
          %dma_wait3A_296 = arith.constant 4 : i32
          %dma_wait3A_297 = arith.constant 4 : i32
          %dma_wait3A_298 = arith.constant 0 : i32
          %dma_wait3A_299 = tpu.memref_slice %arg15[%dma_wait3A_297, %dma_wait3A_298] : memref<8x128xf32, #tpu.memory_space<vmem>> -> memref<1x128xf32, #tpu.memory_space<vmem>>
          %dma_wait3A_300 = tpu.memref_squeeze %dma_wait3A_299 : memref<1x128xf32, #tpu.memory_space<vmem>> -> memref<128xf32, #tpu.memory_space<vmem>>
          %dma_wait3A_301 = arith.constant 0 : i32
          %dma_wait3A_302 = tpu.memref_slice %arg12[%dma_wait3A_296, %dma_wait3A_301] : memref<8x128xi32, #tpu.memory_space<vmem>> -> memref<1x128xi32, #tpu.memory_space<vmem>>
          %dma_wait3A_303 = tpu.memref_squeeze %dma_wait3A_302 : memref<1x128xi32, #tpu.memory_space<vmem>> -> memref<128xi32, #tpu.memory_space<vmem>>
          %dma_wait3A_304 = arith.constant 0 : i32
          %dma_wait3A_305 = tpu.memref_slice %arg5[%dma_wait3A_304] : memref<12000xf32, #tpu.memory_space<hbm>> -> memref<12000xf32, #tpu.memory_space<hbm>>
          tpu.wait_indirect_dma semaphore(%arg22 : memref<!tpu.dma_semaphore, #tpu.memory_space<semaphore_mem>>) src(%dma_wait3A_305 : memref<12000xf32, #tpu.memory_space<hbm>>) dst(%dma_wait3A_300 : memref<128xf32, #tpu.memory_space<vmem>>)
          %dma_wait3A_306 = arith.constant 4 : i32
          %dma_wait3A_307 = arith.constant 4 : i32
          %dma_wait3A_308 = arith.constant 0 : i32
          %dma_wait3A_309 = tpu.memref_slice %arg16[%dma_wait3A_307, %dma_wait3A_308] : memref<8x128xf32, #tpu.memory_space<vmem>> -> memref<1x128xf32, #tpu.memory_space<vmem>>
          %dma_wait3A_310 = tpu.memref_squeeze %dma_wait3A_309 : memref<1x128xf32, #tpu.memory_space<vmem>> -> memref<128xf32, #tpu.memory_space<vmem>>
          %dma_wait3A_311 = arith.constant 0 : i32
          %dma_wait3A_312 = tpu.memref_slice %arg13[%dma_wait3A_306, %dma_wait3A_311] : memref<8x128xi32, #tpu.memory_space<vmem>> -> memref<1x128xi32, #tpu.memory_space<vmem>>
          %dma_wait3A_313 = tpu.memref_squeeze %dma_wait3A_312 : memref<1x128xi32, #tpu.memory_space<vmem>> -> memref<128xi32, #tpu.memory_space<vmem>>
          %dma_wait3A_314 = arith.constant 0 : i32
          %dma_wait3A_315 = tpu.memref_slice %arg6[%dma_wait3A_314] : memref<50000xf32, #tpu.memory_space<hbm>> -> memref<50000xf32, #tpu.memory_space<hbm>>
          tpu.wait_indirect_dma semaphore(%arg22 : memref<!tpu.dma_semaphore, #tpu.memory_space<semaphore_mem>>) src(%dma_wait3A_315 : memref<50000xf32, #tpu.memory_space<hbm>>) dst(%dma_wait3A_310 : memref<128xf32, #tpu.memory_space<vmem>>)
          %dma_wait3A_316 = arith.constant 5 : i32
          %dma_wait3A_317 = arith.constant 5 : i32
          %dma_wait3A_318 = arith.constant 0 : i32
          %dma_wait3A_319 = tpu.memref_slice %arg15[%dma_wait3A_317, %dma_wait3A_318] : memref<8x128xf32, #tpu.memory_space<vmem>> -> memref<1x128xf32, #tpu.memory_space<vmem>>
          %dma_wait3A_320 = tpu.memref_squeeze %dma_wait3A_319 : memref<1x128xf32, #tpu.memory_space<vmem>> -> memref<128xf32, #tpu.memory_space<vmem>>
          %dma_wait3A_321 = arith.constant 0 : i32
          %dma_wait3A_322 = tpu.memref_slice %arg12[%dma_wait3A_316, %dma_wait3A_321] : memref<8x128xi32, #tpu.memory_space<vmem>> -> memref<1x128xi32, #tpu.memory_space<vmem>>
          %dma_wait3A_323 = tpu.memref_squeeze %dma_wait3A_322 : memref<1x128xi32, #tpu.memory_space<vmem>> -> memref<128xi32, #tpu.memory_space<vmem>>
          %dma_wait3A_324 = arith.constant 0 : i32
          %dma_wait3A_325 = tpu.memref_slice %arg5[%dma_wait3A_324] : memref<12000xf32, #tpu.memory_space<hbm>> -> memref<12000xf32, #tpu.memory_space<hbm>>
          tpu.wait_indirect_dma semaphore(%arg22 : memref<!tpu.dma_semaphore, #tpu.memory_space<semaphore_mem>>) src(%dma_wait3A_325 : memref<12000xf32, #tpu.memory_space<hbm>>) dst(%dma_wait3A_320 : memref<128xf32, #tpu.memory_space<vmem>>)
          %dma_wait3A_326 = arith.constant 5 : i32
          %dma_wait3A_327 = arith.constant 5 : i32
          %dma_wait3A_328 = arith.constant 0 : i32
          %dma_wait3A_329 = tpu.memref_slice %arg16[%dma_wait3A_327, %dma_wait3A_328] : memref<8x128xf32, #tpu.memory_space<vmem>> -> memref<1x128xf32, #tpu.memory_space<vmem>>
          %dma_wait3A_330 = tpu.memref_squeeze %dma_wait3A_329 : memref<1x128xf32, #tpu.memory_space<vmem>> -> memref<128xf32, #tpu.memory_space<vmem>>
          %dma_wait3A_331 = arith.constant 0 : i32
          %dma_wait3A_332 = tpu.memref_slice %arg13[%dma_wait3A_326, %dma_wait3A_331] : memref<8x128xi32, #tpu.memory_space<vmem>> -> memref<1x128xi32, #tpu.memory_space<vmem>>
          %dma_wait3A_333 = tpu.memref_squeeze %dma_wait3A_332 : memref<1x128xi32, #tpu.memory_space<vmem>> -> memref<128xi32, #tpu.memory_space<vmem>>
          %dma_wait3A_334 = arith.constant 0 : i32
          %dma_wait3A_335 = tpu.memref_slice %arg6[%dma_wait3A_334] : memref<50000xf32, #tpu.memory_space<hbm>> -> memref<50000xf32, #tpu.memory_space<hbm>>
          tpu.wait_indirect_dma semaphore(%arg22 : memref<!tpu.dma_semaphore, #tpu.memory_space<semaphore_mem>>) src(%dma_wait3A_335 : memref<50000xf32, #tpu.memory_space<hbm>>) dst(%dma_wait3A_330 : memref<128xf32, #tpu.memory_space<vmem>>)
          %dma_wait3A_336 = arith.constant 6 : i32
          %dma_wait3A_337 = arith.constant 6 : i32
          %dma_wait3A_338 = arith.constant 0 : i32
          %dma_wait3A_339 = tpu.memref_slice %arg15[%dma_wait3A_337, %dma_wait3A_338] : memref<8x128xf32, #tpu.memory_space<vmem>> -> memref<1x128xf32, #tpu.memory_space<vmem>>
          %dma_wait3A_340 = tpu.memref_squeeze %dma_wait3A_339 : memref<1x128xf32, #tpu.memory_space<vmem>> -> memref<128xf32, #tpu.memory_space<vmem>>
          %dma_wait3A_341 = arith.constant 0 : i32
          %dma_wait3A_342 = tpu.memref_slice %arg12[%dma_wait3A_336, %dma_wait3A_341] : memref<8x128xi32, #tpu.memory_space<vmem>> -> memref<1x128xi32, #tpu.memory_space<vmem>>
          %dma_wait3A_343 = tpu.memref_squeeze %dma_wait3A_342 : memref<1x128xi32, #tpu.memory_space<vmem>> -> memref<128xi32, #tpu.memory_space<vmem>>
          %dma_wait3A_344 = arith.constant 0 : i32
          %dma_wait3A_345 = tpu.memref_slice %arg5[%dma_wait3A_344] : memref<12000xf32, #tpu.memory_space<hbm>> -> memref<12000xf32, #tpu.memory_space<hbm>>
          tpu.wait_indirect_dma semaphore(%arg22 : memref<!tpu.dma_semaphore, #tpu.memory_space<semaphore_mem>>) src(%dma_wait3A_345 : memref<12000xf32, #tpu.memory_space<hbm>>) dst(%dma_wait3A_340 : memref<128xf32, #tpu.memory_space<vmem>>)
          %dma_wait3A_346 = arith.constant 6 : i32
          %dma_wait3A_347 = arith.constant 6 : i32
          %dma_wait3A_348 = arith.constant 0 : i32
          %dma_wait3A_349 = tpu.memref_slice %arg16[%dma_wait3A_347, %dma_wait3A_348] : memref<8x128xf32, #tpu.memory_space<vmem>> -> memref<1x128xf32, #tpu.memory_space<vmem>>
          %dma_wait3A_350 = tpu.memref_squeeze %dma_wait3A_349 : memref<1x128xf32, #tpu.memory_space<vmem>> -> memref<128xf32, #tpu.memory_space<vmem>>
          %dma_wait3A_351 = arith.constant 0 : i32
          %dma_wait3A_352 = tpu.memref_slice %arg13[%dma_wait3A_346, %dma_wait3A_351] : memref<8x128xi32, #tpu.memory_space<vmem>> -> memref<1x128xi32, #tpu.memory_space<vmem>>
          %dma_wait3A_353 = tpu.memref_squeeze %dma_wait3A_352 : memref<1x128xi32, #tpu.memory_space<vmem>> -> memref<128xi32, #tpu.memory_space<vmem>>
          %dma_wait3A_354 = arith.constant 0 : i32
          %dma_wait3A_355 = tpu.memref_slice %arg6[%dma_wait3A_354] : memref<50000xf32, #tpu.memory_space<hbm>> -> memref<50000xf32, #tpu.memory_space<hbm>>
          tpu.wait_indirect_dma semaphore(%arg22 : memref<!tpu.dma_semaphore, #tpu.memory_space<semaphore_mem>>) src(%dma_wait3A_355 : memref<50000xf32, #tpu.memory_space<hbm>>) dst(%dma_wait3A_350 : memref<128xf32, #tpu.memory_space<vmem>>)
          %dma_wait3A_356 = arith.constant 7 : i32
          %dma_wait3A_357 = arith.constant 7 : i32
          %dma_wait3A_358 = arith.constant 0 : i32
          %dma_wait3A_359 = tpu.memref_slice %arg15[%dma_wait3A_357, %dma_wait3A_358] : memref<8x128xf32, #tpu.memory_space<vmem>> -> memref<1x128xf32, #tpu.memory_space<vmem>>
          %dma_wait3A_360 = tpu.memref_squeeze %dma_wait3A_359 : memref<1x128xf32, #tpu.memory_space<vmem>> -> memref<128xf32, #tpu.memory_space<vmem>>
          %dma_wait3A_361 = arith.constant 0 : i32
          %dma_wait3A_362 = tpu.memref_slice %arg12[%dma_wait3A_356, %dma_wait3A_361] : memref<8x128xi32, #tpu.memory_space<vmem>> -> memref<1x128xi32, #tpu.memory_space<vmem>>
          %dma_wait3A_363 = tpu.memref_squeeze %dma_wait3A_362 : memref<1x128xi32, #tpu.memory_space<vmem>> -> memref<128xi32, #tpu.memory_space<vmem>>
          %dma_wait3A_364 = arith.constant 0 : i32
          %dma_wait3A_365 = tpu.memref_slice %arg5[%dma_wait3A_364] : memref<12000xf32, #tpu.memory_space<hbm>> -> memref<12000xf32, #tpu.memory_space<hbm>>
          tpu.wait_indirect_dma semaphore(%arg22 : memref<!tpu.dma_semaphore, #tpu.memory_space<semaphore_mem>>) src(%dma_wait3A_365 : memref<12000xf32, #tpu.memory_space<hbm>>) dst(%dma_wait3A_360 : memref<128xf32, #tpu.memory_space<vmem>>)
          %dma_wait3A_366 = arith.constant 7 : i32
          %dma_wait3A_367 = arith.constant 7 : i32
          %dma_wait3A_368 = arith.constant 0 : i32
          %dma_wait3A_369 = tpu.memref_slice %arg16[%dma_wait3A_367, %dma_wait3A_368] : memref<8x128xf32, #tpu.memory_space<vmem>> -> memref<1x128xf32, #tpu.memory_space<vmem>>
          %dma_wait3A_370 = tpu.memref_squeeze %dma_wait3A_369 : memref<1x128xf32, #tpu.memory_space<vmem>> -> memref<128xf32, #tpu.memory_space<vmem>>
          %dma_wait3A_371 = arith.constant 0 : i32
          %dma_wait3A_372 = tpu.memref_slice %arg13[%dma_wait3A_366, %dma_wait3A_371] : memref<8x128xi32, #tpu.memory_space<vmem>> -> memref<1x128xi32, #tpu.memory_space<vmem>>
          %dma_wait3A_373 = tpu.memref_squeeze %dma_wait3A_372 : memref<1x128xi32, #tpu.memory_space<vmem>> -> memref<128xi32, #tpu.memory_space<vmem>>
          %dma_wait3A_374 = arith.constant 0 : i32
          %dma_wait3A_375 = tpu.memref_slice %arg6[%dma_wait3A_374] : memref<50000xf32, #tpu.memory_space<hbm>> -> memref<50000xf32, #tpu.memory_space<hbm>>
          tpu.wait_indirect_dma semaphore(%arg22 : memref<!tpu.dma_semaphore, #tpu.memory_space<semaphore_mem>>) src(%dma_wait3A_375 : memref<50000xf32, #tpu.memory_space<hbm>>) dst(%dma_wait3A_370 : memref<128xf32, #tpu.memory_space<vmem>>)
          %scan3A_376 = arith.constant 0 : i32
          %scan3A_377 = arith.constant 0 : i32
          %scan3A_378 = arith.constant 64 : i32
          %scan3A_379 = arith.addi %scan3A_377, %scan3A_378 : i32
          %scan3A_380 = arith.constant 1 : i32
          scf.for %scan3A_387 = %scan3A_377 to %scan3A_379 step %scan3A_380  : i32 {
            %jit3A = arith.constant 8 : i32
            %div3A = arith.divsi %scan3A_387, %jit3A : i32
            %sign3A = arith.constant 0 : i32
            %sign3A_388 = arith.cmpi sgt, %scan3A_387, %sign3A : i32
            %sign3A_389 = arith.extui %sign3A_388 : i1 to i32
            %sign3A_390 = arith.constant 0 : i32
            %sign3A_391 = arith.cmpi slt, %scan3A_387, %sign3A_390 : i32
            %sign3A_392 = arith.extui %sign3A_391 : i1 to i32
            %sign3A_393 = arith.subi %sign3A_389, %sign3A_392 : i32
            %sign3A_394 = arith.constant 0 : i32
            %sign3A_395 = arith.cmpi sgt, %jit3A, %sign3A_394 : i32
            %sign3A_396 = arith.extui %sign3A_395 : i1 to i32
            %sign3A_397 = arith.constant 0 : i32
            %sign3A_398 = arith.cmpi slt, %jit3A, %sign3A_397 : i32
            %sign3A_399 = arith.extui %sign3A_398 : i1 to i32
            %sign3A_400 = arith.subi %sign3A_396, %sign3A_399 : i32
            %ne3A = arith.cmpi ne, %sign3A_393, %sign3A_400 : i32
            %rem3A = arith.remsi %scan3A_387, %jit3A : i32
            %ne3A_401 = arith.constant 0 : i32
            %ne3A_402 = arith.cmpi ne, %rem3A, %ne3A_401 : i32
            %and3A = arith.andi %ne3A, %ne3A_402 : i1
            %sub3A = arith.constant 1 : i32
            %sub3A_403 = arith.subi %div3A, %sub3A : i32
            %select_n3A = arith.select %and3A, %sub3A_403, %div3A : i32
            %jit3A_404 = arith.constant 8 : i32
            %eq3A_405 = arith.constant 0 : i32
            %eq3A_406 = arith.cmpi eq, %jit3A_404, %eq3A_405 : i32
            %jit3A_407 = arith.constant 1 : i32
            %select_n3A_408 = arith.select %eq3A_406, %jit3A_407, %jit3A_404 : i32
            %rem3A_409 = arith.remsi %scan3A_387, %select_n3A_408 : i32
            %ne3A_410 = arith.constant 0 : i32
            %ne3A_411 = arith.cmpi ne, %rem3A_409, %ne3A_410 : i32
            %lt3A = arith.constant 0 : i32
            %lt3A_412 = arith.cmpi slt, %rem3A_409, %lt3A : i32
            %lt3A_413 = arith.constant 0 : i32
            %lt3A_414 = arith.cmpi slt, %select_n3A_408, %lt3A_413 : i32
            %ne3A_415 = arith.xori %lt3A_412, %lt3A_414 : i1
            %and3A_416 = arith.andi %ne3A_415, %ne3A_411 : i1
            %add3A_417 = arith.addi %rem3A_409, %select_n3A_408 : i32
            %select_n3A_418 = arith.select %and3A_416, %add3A_417, %rem3A_409 : i32
            %mul3A_419 = arith.constant 16 : i32
            %mul3A_420 = arith.muli %select_n3A_418, %mul3A_419 : i32
            %get3A = arith.index_cast %select_n3A : i32 to index
            %get3A_421 = arith.index_cast %mul3A_420 : i32 to index
            %get3A_422 = tpu.vector_load %arg15[%get3A, %get3A_421] {strides = array<i32>} : memref<8x128xf32, #tpu.memory_space<vmem>>, vector<16xf32>,
            %get3A_423 = arith.index_cast %select_n3A : i32 to index
            %get3A_424 = arith.index_cast %mul3A_420 : i32 to index
            %get3A_425 = tpu.vector_load %arg16[%get3A_423, %get3A_424] {strides = array<i32>} : memref<8x128xf32, #tpu.memory_space<vmem>>, vector<16xf32>,
            %add3A_426 = arith.addf %get3A_422, %get3A_425 : vector<16xf32>
            %ge3A = arith.constant 0.000000e+00 : f32
            %ge3A_427 = vector.broadcast %ge3A : f32 to vector<16xf32>
            %ge3A_428 = arith.cmpf oge, %add3A_426, %ge3A_427 : vector<16xf32>
            %mul3A_429 = arith.constant 2.000000e-01 : f32
            %mul3A_430 = vector.broadcast %mul3A_429 : f32 to vector<16xf32>
            %mul3A_431 = arith.mulf %add3A_426, %mul3A_430 : vector<16xf32>
            %select_n3A_432 = arith.select %ge3A_428, %add3A_426, %mul3A_431 : vector<16xi1>, vector<16xf32>
            %exp3A = math.exp %select_n3A_432 : vector<16xf32>
            %swap3A = arith.index_cast %select_n3A : i32 to index
            %swap3A_433 = arith.index_cast %mul3A_420 : i32 to index
            %swap3A_434 = tpu.vector_load %arg14[%swap3A, %swap3A_433] {strides = array<i32>} : memref<8x128xf32, #tpu.memory_space<vmem>>, vector<16xf32>,
            tpu.vector_store %arg14[%swap3A, %swap3A_433], %exp3A {strides = array<i32>} : memref<8x128xf32, #tpu.memory_space<vmem>>, vector<16xf32>,
          }
          %scan3A_381 = arith.constant 64 : i32
          "tpu.region"() ({
            %run_scoped3A = tpu.sem_alloc : memref<!tpu.dma_semaphore, #tpu.memory_space<semaphore_mem>>
            %dma_start3A_387 = arith.constant 0 : i32
            %dma_start3A_388 = tpu.memref_slice %arg11[%add3A_36, %dma_start3A_387] : memref<2560x128xf32, #tpu.memory_space<hbm>> -> memref<8x128xf32, #tpu.memory_space<hbm>>
            %dma_start3A_389 = arith.constant 0 : i32
            %dma_start3A_390 = tpu.memref_slice %arg11[%add3A_36, %dma_start3A_389] : memref<2560x128xf32, #tpu.memory_space<hbm>> -> memref<8x128xf32, #tpu.memory_space<hbm>>
            tpu.enqueue_dma source(%arg14 : memref<8x128xf32, #tpu.memory_space<vmem>>) target(%dma_start3A_390 : memref<8x128xf32, #tpu.memory_space<hbm>>) target_semaphore(%run_scoped3A : memref<!tpu.dma_semaphore, #tpu.memory_space<semaphore_mem>>)
            %dma_wait3A_391 = arith.constant 0 : i32
            %dma_wait3A_392 = tpu.memref_slice %arg11[%add3A_36, %dma_wait3A_391] : memref<2560x128xf32, #tpu.memory_space<hbm>> -> memref<8x128xf32, #tpu.memory_space<hbm>>
            %dma_wait3A_393 = arith.constant 0 : i32
            %dma_wait3A_394 = tpu.memref_slice %arg11[%add3A_36, %dma_wait3A_393] : memref<2560x128xf32, #tpu.memory_space<hbm>> -> memref<8x128xf32, #tpu.memory_space<hbm>>
            tpu.wait_dma2 semaphore(%run_scoped3A : memref<!tpu.dma_semaphore, #tpu.memory_space<semaphore_mem>>) src(%arg14 : memref<8x128xf32, #tpu.memory_space<vmem>>) dst(%dma_wait3A_394 : memref<8x128xf32, #tpu.memory_space<hbm>>)
            tpu.yield
          }) : () -> ()
          %eq3A_382 = arith.constant 0 : i32
          %eq3A_383 = arith.cmpi eq, %arg0, %eq3A_382 : i32
          %convert_element_type3A_384 = arith.extui %eq3A_383 : i1 to i32
          %cond3A_385 = arith.constant 0 : i32
          %cond3A_386 = arith.cmpi ne, %convert_element_type3A_384, %cond3A_385 : i32
          scf.if %cond3A_386 {
            %run_scoped3A = arith.constant 0 : i32
            %run_scoped3A_387 = arith.constant 0 : i32
            "tpu.region"() ({
              %run_scoped3A_402 = tpu.sem_alloc : memref<!tpu.dma_semaphore, #tpu.memory_space<semaphore_mem>>
              %dma_start3A_403 = arith.constant 0 : i32
              %dma_start3A_404 = tpu.memref_slice %arg14[%run_scoped3A, %dma_start3A_403] : memref<8x128xf32, #tpu.memory_space<vmem>> -> memref<1x128xf32, #tpu.memory_space<vmem>>
              %dma_start3A_405 = tpu.memref_squeeze %dma_start3A_404 : memref<1x128xf32, #tpu.memory_space<vmem>> -> memref<128xf32, #tpu.memory_space<vmem>>
              %dma_start3A_406 = arith.constant 0 : i32
              %dma_start3A_407 = tpu.memref_slice %arg13[%run_scoped3A_387, %dma_start3A_406] : memref<8x128xi32, #tpu.memory_space<vmem>> -> memref<1x128xi32, #tpu.memory_space<vmem>>
              %dma_start3A_408 = tpu.memref_squeeze %dma_start3A_407 : memref<1x128xi32, #tpu.memory_space<vmem>> -> memref<128xi32, #tpu.memory_space<vmem>>
              %dma_start3A_409 = arith.constant 0 : i32
              %dma_start3A_410 = tpu.memref_slice %arg21[%dma_start3A_409] : memref<50000xf32, #tpu.memory_space<vmem_shared>> -> memref<50000xf32, #tpu.memory_space<vmem_shared>>
              tpu.enqueue_indirect_dma source(%dma_start3A_405 : memref<128xf32, #tpu.memory_space<vmem>>) target(%dma_start3A_410 : memref<50000xf32, #tpu.memory_space<vmem_shared>>) offsets(%dma_start3A_408 : memref<128xi32, #tpu.memory_space<vmem>>) semaphore(%run_scoped3A_402 : memref<!tpu.dma_semaphore, #tpu.memory_space<semaphore_mem>>) {add = true}
              %dma_wait3A_411 = arith.constant 0 : i32
              %dma_wait3A_412 = tpu.memref_slice %arg14[%run_scoped3A, %dma_wait3A_411] : memref<8x128xf32, #tpu.memory_space<vmem>> -> memref<1x128xf32, #tpu.memory_space<vmem>>
              %dma_wait3A_413 = tpu.memref_squeeze %dma_wait3A_412 : memref<1x128xf32, #tpu.memory_space<vmem>> -> memref<128xf32, #tpu.memory_space<vmem>>
              %dma_wait3A_414 = arith.constant 0 : i32
              %dma_wait3A_415 = tpu.memref_slice %arg13[%run_scoped3A_387, %dma_wait3A_414] : memref<8x128xi32, #tpu.memory_space<vmem>> -> memref<1x128xi32, #tpu.memory_space<vmem>>
              %dma_wait3A_416 = tpu.memref_squeeze %dma_wait3A_415 : memref<1x128xi32, #tpu.memory_space<vmem>> -> memref<128xi32, #tpu.memory_space<vmem>>
              %dma_wait3A_417 = arith.constant 0 : i32
              %dma_wait3A_418 = tpu.memref_slice %arg21[%dma_wait3A_417] : memref<50000xf32, #tpu.memory_space<vmem_shared>> -> memref<50000xf32, #tpu.memory_space<vmem_shared>>
              tpu.wait_indirect_dma semaphore(%run_scoped3A_402 : memref<!tpu.dma_semaphore, #tpu.memory_space<semaphore_mem>>) src(%dma_wait3A_413 : memref<128xf32, #tpu.memory_space<vmem>>) dst(%dma_wait3A_418 : memref<50000xf32, #tpu.memory_space<vmem_shared>>)
              tpu.yield
            }) : () -> ()
            %run_scoped3A_388 = arith.constant 1 : i32
            %run_scoped3A_389 = arith.constant 1 : i32
            "tpu.region"() ({
              %run_scoped3A_402 = tpu.sem_alloc : memref<!tpu.dma_semaphore, #tpu.memory_space<semaphore_mem>>
              %dma_start3A_403 = arith.constant 0 : i32
              %dma_start3A_404 = tpu.memref_slice %arg14[%run_scoped3A_388, %dma_start3A_403] : memref<8x128xf32, #tpu.memory_space<vmem>> -> memref<1x128xf32, #tpu.memory_space<vmem>>
              %dma_start3A_405 = tpu.memref_squeeze %dma_start3A_404 : memref<1x128xf32, #tpu.memory_space<vmem>> -> memref<128xf32, #tpu.memory_space<vmem>>
              %dma_start3A_406 = arith.constant 0 : i32
              %dma_start3A_407 = tpu.memref_slice %arg13[%run_scoped3A_389, %dma_start3A_406] : memref<8x128xi32, #tpu.memory_space<vmem>> -> memref<1x128xi32, #tpu.memory_space<vmem>>
              %dma_start3A_408 = tpu.memref_squeeze %dma_start3A_407 : memref<1x128xi32, #tpu.memory_space<vmem>> -> memref<128xi32, #tpu.memory_space<vmem>>
              %dma_start3A_409 = arith.constant 0 : i32
              %dma_start3A_410 = tpu.memref_slice %arg21[%dma_start3A_409] : memref<50000xf32, #tpu.memory_space<vmem_shared>> -> memref<50000xf32, #tpu.memory_space<vmem_shared>>
              tpu.enqueue_indirect_dma source(%dma_start3A_405 : memref<128xf32, #tpu.memory_space<vmem>>) target(%dma_start3A_410 : memref<50000xf32, #tpu.memory_space<vmem_shared>>) offsets(%dma_start3A_408 : memref<128xi32, #tpu.memory_space<vmem>>) semaphore(%run_scoped3A_402 : memref<!tpu.dma_semaphore, #tpu.memory_space<semaphore_mem>>) {add = true}
              %dma_wait3A_411 = arith.constant 0 : i32
              %dma_wait3A_412 = tpu.memref_slice %arg14[%run_scoped3A_388, %dma_wait3A_411] : memref<8x128xf32, #tpu.memory_space<vmem>> -> memref<1x128xf32, #tpu.memory_space<vmem>>
              %dma_wait3A_413 = tpu.memref_squeeze %dma_wait3A_412 : memref<1x128xf32, #tpu.memory_space<vmem>> -> memref<128xf32, #tpu.memory_space<vmem>>
              %dma_wait3A_414 = arith.constant 0 : i32
              %dma_wait3A_415 = tpu.memref_slice %arg13[%run_scoped3A_389, %dma_wait3A_414] : memref<8x128xi32, #tpu.memory_space<vmem>> -> memref<1x128xi32, #tpu.memory_space<vmem>>
              %dma_wait3A_416 = tpu.memref_squeeze %dma_wait3A_415 : memref<1x128xi32, #tpu.memory_space<vmem>> -> memref<128xi32, #tpu.memory_space<vmem>>
              %dma_wait3A_417 = arith.constant 0 : i32
              %dma_wait3A_418 = tpu.memref_slice %arg21[%dma_wait3A_417] : memref<50000xf32, #tpu.memory_space<vmem_shared>> -> memref<50000xf32, #tpu.memory_space<vmem_shared>>
              tpu.wait_indirect_dma semaphore(%run_scoped3A_402 : memref<!tpu.dma_semaphore, #tpu.memory_space<semaphore_mem>>) src(%dma_wait3A_413 : memref<128xf32, #tpu.memory_space<vmem>>) dst(%dma_wait3A_418 : memref<50000xf32, #tpu.memory_space<vmem_shared>>)
              tpu.yield
            }) : () -> ()
            %run_scoped3A_390 = arith.constant 2 : i32
            %run_scoped3A_391 = arith.constant 2 : i32
            "tpu.region"() ({
              %run_scoped3A_402 = tpu.sem_alloc : memref<!tpu.dma_semaphore, #tpu.memory_space<semaphore_mem>>
              %dma_start3A_403 = arith.constant 0 : i32
              %dma_start3A_404 = tpu.memref_slice %arg14[%run_scoped3A_390, %dma_start3A_403] : memref<8x128xf32, #tpu.memory_space<vmem>> -> memref<1x128xf32, #tpu.memory_space<vmem>>
              %dma_start3A_405 = tpu.memref_squeeze %dma_start3A_404 : memref<1x128xf32, #tpu.memory_space<vmem>> -> memref<128xf32, #tpu.memory_space<vmem>>
              %dma_start3A_406 = arith.constant 0 : i32
              %dma_start3A_407 = tpu.memref_slice %arg13[%run_scoped3A_391, %dma_start3A_406] : memref<8x128xi32, #tpu.memory_space<vmem>> -> memref<1x128xi32, #tpu.memory_space<vmem>>
              %dma_start3A_408 = tpu.memref_squeeze %dma_start3A_407 : memref<1x128xi32, #tpu.memory_space<vmem>> -> memref<128xi32, #tpu.memory_space<vmem>>
              %dma_start3A_409 = arith.constant 0 : i32
              %dma_start3A_410 = tpu.memref_slice %arg21[%dma_start3A_409] : memref<50000xf32, #tpu.memory_space<vmem_shared>> -> memref<50000xf32, #tpu.memory_space<vmem_shared>>
              tpu.enqueue_indirect_dma source(%dma_start3A_405 : memref<128xf32, #tpu.memory_space<vmem>>) target(%dma_start3A_410 : memref<50000xf32, #tpu.memory_space<vmem_shared>>) offsets(%dma_start3A_408 : memref<128xi32, #tpu.memory_space<vmem>>) semaphore(%run_scoped3A_402 : memref<!tpu.dma_semaphore, #tpu.memory_space<semaphore_mem>>) {add = true}
              %dma_wait3A_411 = arith.constant 0 : i32
              %dma_wait3A_412 = tpu.memref_slice %arg14[%run_scoped3A_390, %dma_wait3A_411] : memref<8x128xf32, #tpu.memory_space<vmem>> -> memref<1x128xf32, #tpu.memory_space<vmem>>
              %dma_wait3A_413 = tpu.memref_squeeze %dma_wait3A_412 : memref<1x128xf32, #tpu.memory_space<vmem>> -> memref<128xf32, #tpu.memory_space<vmem>>
              %dma_wait3A_414 = arith.constant 0 : i32
              %dma_wait3A_415 = tpu.memref_slice %arg13[%run_scoped3A_391, %dma_wait3A_414] : memref<8x128xi32, #tpu.memory_space<vmem>> -> memref<1x128xi32, #tpu.memory_space<vmem>>
              %dma_wait3A_416 = tpu.memref_squeeze %dma_wait3A_415 : memref<1x128xi32, #tpu.memory_space<vmem>> -> memref<128xi32, #tpu.memory_space<vmem>>
              %dma_wait3A_417 = arith.constant 0 : i32
              %dma_wait3A_418 = tpu.memref_slice %arg21[%dma_wait3A_417] : memref<50000xf32, #tpu.memory_space<vmem_shared>> -> memref<50000xf32, #tpu.memory_space<vmem_shared>>
              tpu.wait_indirect_dma semaphore(%run_scoped3A_402 : memref<!tpu.dma_semaphore, #tpu.memory_space<semaphore_mem>>) src(%dma_wait3A_413 : memref<128xf32, #tpu.memory_space<vmem>>) dst(%dma_wait3A_418 : memref<50000xf32, #tpu.memory_space<vmem_shared>>)
              tpu.yield
            }) : () -> ()
            %run_scoped3A_392 = arith.constant 3 : i32
            %run_scoped3A_393 = arith.constant 3 : i32
            "tpu.region"() ({
              %run_scoped3A_402 = tpu.sem_alloc : memref<!tpu.dma_semaphore, #tpu.memory_space<semaphore_mem>>
              %dma_start3A_403 = arith.constant 0 : i32
              %dma_start3A_404 = tpu.memref_slice %arg14[%run_scoped3A_392, %dma_start3A_403] : memref<8x128xf32, #tpu.memory_space<vmem>> -> memref<1x128xf32, #tpu.memory_space<vmem>>
              %dma_start3A_405 = tpu.memref_squeeze %dma_start3A_404 : memref<1x128xf32, #tpu.memory_space<vmem>> -> memref<128xf32, #tpu.memory_space<vmem>>
              %dma_start3A_406 = arith.constant 0 : i32
              %dma_start3A_407 = tpu.memref_slice %arg13[%run_scoped3A_393, %dma_start3A_406] : memref<8x128xi32, #tpu.memory_space<vmem>> -> memref<1x128xi32, #tpu.memory_space<vmem>>
              %dma_start3A_408 = tpu.memref_squeeze %dma_start3A_407 : memref<1x128xi32, #tpu.memory_space<vmem>> -> memref<128xi32, #tpu.memory_space<vmem>>
              %dma_start3A_409 = arith.constant 0 : i32
              %dma_start3A_410 = tpu.memref_slice %arg21[%dma_start3A_409] : memref<50000xf32, #tpu.memory_space<vmem_shared>> -> memref<50000xf32, #tpu.memory_space<vmem_shared>>
              tpu.enqueue_indirect_dma source(%dma_start3A_405 : memref<128xf32, #tpu.memory_space<vmem>>) target(%dma_start3A_410 : memref<50000xf32, #tpu.memory_space<vmem_shared>>) offsets(%dma_start3A_408 : memref<128xi32, #tpu.memory_space<vmem>>) semaphore(%run_scoped3A_402 : memref<!tpu.dma_semaphore, #tpu.memory_space<semaphore_mem>>) {add = true}
              %dma_wait3A_411 = arith.constant 0 : i32
              %dma_wait3A_412 = tpu.memref_slice %arg14[%run_scoped3A_392, %dma_wait3A_411] : memref<8x128xf32, #tpu.memory_space<vmem>> -> memref<1x128xf32, #tpu.memory_space<vmem>>
              %dma_wait3A_413 = tpu.memref_squeeze %dma_wait3A_412 : memref<1x128xf32, #tpu.memory_space<vmem>> -> memref<128xf32, #tpu.memory_space<vmem>>
              %dma_wait3A_414 = arith.constant 0 : i32
              %dma_wait3A_415 = tpu.memref_slice %arg13[%run_scoped3A_393, %dma_wait3A_414] : memref<8x128xi32, #tpu.memory_space<vmem>> -> memref<1x128xi32, #tpu.memory_space<vmem>>
              %dma_wait3A_416 = tpu.memref_squeeze %dma_wait3A_415 : memref<1x128xi32, #tpu.memory_space<vmem>> -> memref<128xi32, #tpu.memory_space<vmem>>
              %dma_wait3A_417 = arith.constant 0 : i32
              %dma_wait3A_418 = tpu.memref_slice %arg21[%dma_wait3A_417] : memref<50000xf32, #tpu.memory_space<vmem_shared>> -> memref<50000xf32, #tpu.memory_space<vmem_shared>>
              tpu.wait_indirect_dma semaphore(%run_scoped3A_402 : memref<!tpu.dma_semaphore, #tpu.memory_space<semaphore_mem>>) src(%dma_wait3A_413 : memref<128xf32, #tpu.memory_space<vmem>>) dst(%dma_wait3A_418 : memref<50000xf32, #tpu.memory_space<vmem_shared>>)
              tpu.yield
            }) : () -> ()
            %run_scoped3A_394 = arith.constant 4 : i32
            %run_scoped3A_395 = arith.constant 4 : i32
            "tpu.region"() ({
              %run_scoped3A_402 = tpu.sem_alloc : memref<!tpu.dma_semaphore, #tpu.memory_space<semaphore_mem>>
              %dma_start3A_403 = arith.constant 0 : i32
              %dma_start3A_404 = tpu.memref_slice %arg14[%run_scoped3A_394, %dma_start3A_403] : memref<8x128xf32, #tpu.memory_space<vmem>> -> memref<1x128xf32, #tpu.memory_space<vmem>>
              %dma_start3A_405 = tpu.memref_squeeze %dma_start3A_404 : memref<1x128xf32, #tpu.memory_space<vmem>> -> memref<128xf32, #tpu.memory_space<vmem>>
              %dma_start3A_406 = arith.constant 0 : i32
              %dma_start3A_407 = tpu.memref_slice %arg13[%run_scoped3A_395, %dma_start3A_406] : memref<8x128xi32, #tpu.memory_space<vmem>> -> memref<1x128xi32, #tpu.memory_space<vmem>>
              %dma_start3A_408 = tpu.memref_squeeze %dma_start3A_407 : memref<1x128xi32, #tpu.memory_space<vmem>> -> memref<128xi32, #tpu.memory_space<vmem>>
              %dma_start3A_409 = arith.constant 0 : i32
              %dma_start3A_410 = tpu.memref_slice %arg21[%dma_start3A_409] : memref<50000xf32, #tpu.memory_space<vmem_shared>> -> memref<50000xf32, #tpu.memory_space<vmem_shared>>
              tpu.enqueue_indirect_dma source(%dma_start3A_405 : memref<128xf32, #tpu.memory_space<vmem>>) target(%dma_start3A_410 : memref<50000xf32, #tpu.memory_space<vmem_shared>>) offsets(%dma_start3A_408 : memref<128xi32, #tpu.memory_space<vmem>>) semaphore(%run_scoped3A_402 : memref<!tpu.dma_semaphore, #tpu.memory_space<semaphore_mem>>) {add = true}
              %dma_wait3A_411 = arith.constant 0 : i32
              %dma_wait3A_412 = tpu.memref_slice %arg14[%run_scoped3A_394, %dma_wait3A_411] : memref<8x128xf32, #tpu.memory_space<vmem>> -> memref<1x128xf32, #tpu.memory_space<vmem>>
              %dma_wait3A_413 = tpu.memref_squeeze %dma_wait3A_412 : memref<1x128xf32, #tpu.memory_space<vmem>> -> memref<128xf32, #tpu.memory_space<vmem>>
              %dma_wait3A_414 = arith.constant 0 : i32
              %dma_wait3A_415 = tpu.memref_slice %arg13[%run_scoped3A_395, %dma_wait3A_414] : memref<8x128xi32, #tpu.memory_space<vmem>> -> memref<1x128xi32, #tpu.memory_space<vmem>>
              %dma_wait3A_416 = tpu.memref_squeeze %dma_wait3A_415 : memref<1x128xi32, #tpu.memory_space<vmem>> -> memref<128xi32, #tpu.memory_space<vmem>>
              %dma_wait3A_417 = arith.constant 0 : i32
              %dma_wait3A_418 = tpu.memref_slice %arg21[%dma_wait3A_417] : memref<50000xf32, #tpu.memory_space<vmem_shared>> -> memref<50000xf32, #tpu.memory_space<vmem_shared>>
              tpu.wait_indirect_dma semaphore(%run_scoped3A_402 : memref<!tpu.dma_semaphore, #tpu.memory_space<semaphore_mem>>) src(%dma_wait3A_413 : memref<128xf32, #tpu.memory_space<vmem>>) dst(%dma_wait3A_418 : memref<50000xf32, #tpu.memory_space<vmem_shared>>)
              tpu.yield
            }) : () -> ()
            %run_scoped3A_396 = arith.constant 5 : i32
            %run_scoped3A_397 = arith.constant 5 : i32
            "tpu.region"() ({
              %run_scoped3A_402 = tpu.sem_alloc : memref<!tpu.dma_semaphore, #tpu.memory_space<semaphore_mem>>
              %dma_start3A_403 = arith.constant 0 : i32
              %dma_start3A_404 = tpu.memref_slice %arg14[%run_scoped3A_396, %dma_start3A_403] : memref<8x128xf32, #tpu.memory_space<vmem>> -> memref<1x128xf32, #tpu.memory_space<vmem>>
              %dma_start3A_405 = tpu.memref_squeeze %dma_start3A_404 : memref<1x128xf32, #tpu.memory_space<vmem>> -> memref<128xf32, #tpu.memory_space<vmem>>
              %dma_start3A_406 = arith.constant 0 : i32
              %dma_start3A_407 = tpu.memref_slice %arg13[%run_scoped3A_397, %dma_start3A_406] : memref<8x128xi32, #tpu.memory_space<vmem>> -> memref<1x128xi32, #tpu.memory_space<vmem>>
              %dma_start3A_408 = tpu.memref_squeeze %dma_start3A_407 : memref<1x128xi32, #tpu.memory_space<vmem>> -> memref<128xi32, #tpu.memory_space<vmem>>
              %dma_start3A_409 = arith.constant 0 : i32
              %dma_start3A_410 = tpu.memref_slice %arg21[%dma_start3A_409] : memref<50000xf32, #tpu.memory_space<vmem_shared>> -> memref<50000xf32, #tpu.memory_space<vmem_shared>>
              tpu.enqueue_indirect_dma source(%dma_start3A_405 : memref<128xf32, #tpu.memory_space<vmem>>) target(%dma_start3A_410 : memref<50000xf32, #tpu.memory_space<vmem_shared>>) offsets(%dma_start3A_408 : memref<128xi32, #tpu.memory_space<vmem>>) semaphore(%run_scoped3A_402 : memref<!tpu.dma_semaphore, #tpu.memory_space<semaphore_mem>>) {add = true}
              %dma_wait3A_411 = arith.constant 0 : i32
              %dma_wait3A_412 = tpu.memref_slice %arg14[%run_scoped3A_396, %dma_wait3A_411] : memref<8x128xf32, #tpu.memory_space<vmem>> -> memref<1x128xf32, #tpu.memory_space<vmem>>
              %dma_wait3A_413 = tpu.memref_squeeze %dma_wait3A_412 : memref<1x128xf32, #tpu.memory_space<vmem>> -> memref<128xf32, #tpu.memory_space<vmem>>
              %dma_wait3A_414 = arith.constant 0 : i32
              %dma_wait3A_415 = tpu.memref_slice %arg13[%run_scoped3A_397, %dma_wait3A_414] : memref<8x128xi32, #tpu.memory_space<vmem>> -> memref<1x128xi32, #tpu.memory_space<vmem>>
              %dma_wait3A_416 = tpu.memref_squeeze %dma_wait3A_415 : memref<1x128xi32, #tpu.memory_space<vmem>> -> memref<128xi32, #tpu.memory_space<vmem>>
              %dma_wait3A_417 = arith.constant 0 : i32
              %dma_wait3A_418 = tpu.memref_slice %arg21[%dma_wait3A_417] : memref<50000xf32, #tpu.memory_space<vmem_shared>> -> memref<50000xf32, #tpu.memory_space<vmem_shared>>
              tpu.wait_indirect_dma semaphore(%run_scoped3A_402 : memref<!tpu.dma_semaphore, #tpu.memory_space<semaphore_mem>>) src(%dma_wait3A_413 : memref<128xf32, #tpu.memory_space<vmem>>) dst(%dma_wait3A_418 : memref<50000xf32, #tpu.memory_space<vmem_shared>>)
              tpu.yield
            }) : () -> ()
            %run_scoped3A_398 = arith.constant 6 : i32
            %run_scoped3A_399 = arith.constant 6 : i32
            "tpu.region"() ({
              %run_scoped3A_402 = tpu.sem_alloc : memref<!tpu.dma_semaphore, #tpu.memory_space<semaphore_mem>>
              %dma_start3A_403 = arith.constant 0 : i32
              %dma_start3A_404 = tpu.memref_slice %arg14[%run_scoped3A_398, %dma_start3A_403] : memref<8x128xf32, #tpu.memory_space<vmem>> -> memref<1x128xf32, #tpu.memory_space<vmem>>
              %dma_start3A_405 = tpu.memref_squeeze %dma_start3A_404 : memref<1x128xf32, #tpu.memory_space<vmem>> -> memref<128xf32, #tpu.memory_space<vmem>>
              %dma_start3A_406 = arith.constant 0 : i32
              %dma_start3A_407 = tpu.memref_slice %arg13[%run_scoped3A_399, %dma_start3A_406] : memref<8x128xi32, #tpu.memory_space<vmem>> -> memref<1x128xi32, #tpu.memory_space<vmem>>
              %dma_start3A_408 = tpu.memref_squeeze %dma_start3A_407 : memref<1x128xi32, #tpu.memory_space<vmem>> -> memref<128xi32, #tpu.memory_space<vmem>>
              %dma_start3A_409 = arith.constant 0 : i32
              %dma_start3A_410 = tpu.memref_slice %arg21[%dma_start3A_409] : memref<50000xf32, #tpu.memory_space<vmem_shared>> -> memref<50000xf32, #tpu.memory_space<vmem_shared>>
              tpu.enqueue_indirect_dma source(%dma_start3A_405 : memref<128xf32, #tpu.memory_space<vmem>>) target(%dma_start3A_410 : memref<50000xf32, #tpu.memory_space<vmem_shared>>) offsets(%dma_start3A_408 : memref<128xi32, #tpu.memory_space<vmem>>) semaphore(%run_scoped3A_402 : memref<!tpu.dma_semaphore, #tpu.memory_space<semaphore_mem>>) {add = true}
              %dma_wait3A_411 = arith.constant 0 : i32
              %dma_wait3A_412 = tpu.memref_slice %arg14[%run_scoped3A_398, %dma_wait3A_411] : memref<8x128xf32, #tpu.memory_space<vmem>> -> memref<1x128xf32, #tpu.memory_space<vmem>>
              %dma_wait3A_413 = tpu.memref_squeeze %dma_wait3A_412 : memref<1x128xf32, #tpu.memory_space<vmem>> -> memref<128xf32, #tpu.memory_space<vmem>>
              %dma_wait3A_414 = arith.constant 0 : i32
              %dma_wait3A_415 = tpu.memref_slice %arg13[%run_scoped3A_399, %dma_wait3A_414] : memref<8x128xi32, #tpu.memory_space<vmem>> -> memref<1x128xi32, #tpu.memory_space<vmem>>
              %dma_wait3A_416 = tpu.memref_squeeze %dma_wait3A_415 : memref<1x128xi32, #tpu.memory_space<vmem>> -> memref<128xi32, #tpu.memory_space<vmem>>
              %dma_wait3A_417 = arith.constant 0 : i32
              %dma_wait3A_418 = tpu.memref_slice %arg21[%dma_wait3A_417] : memref<50000xf32, #tpu.memory_space<vmem_shared>> -> memref<50000xf32, #tpu.memory_space<vmem_shared>>
              tpu.wait_indirect_dma semaphore(%run_scoped3A_402 : memref<!tpu.dma_semaphore, #tpu.memory_space<semaphore_mem>>) src(%dma_wait3A_413 : memref<128xf32, #tpu.memory_space<vmem>>) dst(%dma_wait3A_418 : memref<50000xf32, #tpu.memory_space<vmem_shared>>)
              tpu.yield
            }) : () -> ()
            %run_scoped3A_400 = arith.constant 7 : i32
            %run_scoped3A_401 = arith.constant 7 : i32
            "tpu.region"() ({
              %run_scoped3A_402 = tpu.sem_alloc : memref<!tpu.dma_semaphore, #tpu.memory_space<semaphore_mem>>
              %dma_start3A_403 = arith.constant 0 : i32
              %dma_start3A_404 = tpu.memref_slice %arg14[%run_scoped3A_400, %dma_start3A_403] : memref<8x128xf32, #tpu.memory_space<vmem>> -> memref<1x128xf32, #tpu.memory_space<vmem>>
              %dma_start3A_405 = tpu.memref_squeeze %dma_start3A_404 : memref<1x128xf32, #tpu.memory_space<vmem>> -> memref<128xf32, #tpu.memory_space<vmem>>
              %dma_start3A_406 = arith.constant 0 : i32
              %dma_start3A_407 = tpu.memref_slice %arg13[%run_scoped3A_401, %dma_start3A_406] : memref<8x128xi32, #tpu.memory_space<vmem>> -> memref<1x128xi32, #tpu.memory_space<vmem>>
              %dma_start3A_408 = tpu.memref_squeeze %dma_start3A_407 : memref<1x128xi32, #tpu.memory_space<vmem>> -> memref<128xi32, #tpu.memory_space<vmem>>
              %dma_start3A_409 = arith.constant 0 : i32
              %dma_start3A_410 = tpu.memref_slice %arg21[%dma_start3A_409] : memref<50000xf32, #tpu.memory_space<vmem_shared>> -> memref<50000xf32, #tpu.memory_space<vmem_shared>>
              tpu.enqueue_indirect_dma source(%dma_start3A_405 : memref<128xf32, #tpu.memory_space<vmem>>) target(%dma_start3A_410 : memref<50000xf32, #tpu.memory_space<vmem_shared>>) offsets(%dma_start3A_408 : memref<128xi32, #tpu.memory_space<vmem>>) semaphore(%run_scoped3A_402 : memref<!tpu.dma_semaphore, #tpu.memory_space<semaphore_mem>>) {add = true}
              %dma_wait3A_411 = arith.constant 0 : i32
              %dma_wait3A_412 = tpu.memref_slice %arg14[%run_scoped3A_400, %dma_wait3A_411] : memref<8x128xf32, #tpu.memory_space<vmem>> -> memref<1x128xf32, #tpu.memory_space<vmem>>
              %dma_wait3A_413 = tpu.memref_squeeze %dma_wait3A_412 : memref<1x128xf32, #tpu.memory_space<vmem>> -> memref<128xf32, #tpu.memory_space<vmem>>
              %dma_wait3A_414 = arith.constant 0 : i32
              %dma_wait3A_415 = tpu.memref_slice %arg13[%run_scoped3A_401, %dma_wait3A_414] : memref<8x128xi32, #tpu.memory_space<vmem>> -> memref<1x128xi32, #tpu.memory_space<vmem>>
              %dma_wait3A_416 = tpu.memref_squeeze %dma_wait3A_415 : memref<1x128xi32, #tpu.memory_space<vmem>> -> memref<128xi32, #tpu.memory_space<vmem>>
              %dma_wait3A_417 = arith.constant 0 : i32
              %dma_wait3A_418 = tpu.memref_slice %arg21[%dma_wait3A_417] : memref<50000xf32, #tpu.memory_space<vmem_shared>> -> memref<50000xf32, #tpu.memory_space<vmem_shared>>
              tpu.wait_indirect_dma semaphore(%run_scoped3A_402 : memref<!tpu.dma_semaphore, #tpu.memory_space<semaphore_mem>>) src(%dma_wait3A_413 : memref<128xf32, #tpu.memory_space<vmem>>) dst(%dma_wait3A_418 : memref<50000xf32, #tpu.memory_space<vmem_shared>>)
              tpu.yield
            }) : () -> ()
          } else {
          }
        } else {
        }
        %gt3A = arith.constant 0 : i32
        %gt3A_42 = arith.cmpi sgt, %scan3A_5, %gt3A : i32
        %convert_element_type3A_43 = arith.extui %gt3A_42 : i1 to i32
        %cond3A_44 = arith.constant 0 : i32
        %cond3A_45 = arith.cmpi ne, %convert_element_type3A_43, %cond3A_44 : i32
        scf.if %cond3A_45 {
          "tpu.region"() ({
            %run_scoped3A = tpu.sem_alloc : memref<!tpu.dma_semaphore, #tpu.memory_space<semaphore_mem>>
            %dma_start3A = arith.constant 0 : i32
            %dma_start3A_58 = tpu.memref_slice %arg11[%add3A_36, %dma_start3A] : memref<2560x128xf32, #tpu.memory_space<hbm>> -> memref<8x128xf32, #tpu.memory_space<hbm>>
            %dma_start3A_59 = arith.constant 0 : i32
            %dma_start3A_60 = tpu.memref_slice %arg11[%add3A_36, %dma_start3A_59] : memref<2560x128xf32, #tpu.memory_space<hbm>> -> memref<8x128xf32, #tpu.memory_space<hbm>>
            tpu.enqueue_dma source(%dma_start3A_60 : memref<8x128xf32, #tpu.memory_space<hbm>>) target(%arg14 : memref<8x128xf32, #tpu.memory_space<vmem>>) target_semaphore(%run_scoped3A : memref<!tpu.dma_semaphore, #tpu.memory_space<semaphore_mem>>)
            %dma_wait3A = arith.constant 0 : i32
            %dma_wait3A_61 = tpu.memref_slice %arg11[%add3A_36, %dma_wait3A] : memref<2560x128xf32, #tpu.memory_space<hbm>> -> memref<8x128xf32, #tpu.memory_space<hbm>>
            %dma_wait3A_62 = arith.constant 0 : i32
            %dma_wait3A_63 = tpu.memref_slice %arg11[%add3A_36, %dma_wait3A_62] : memref<2560x128xf32, #tpu.memory_space<hbm>> -> memref<8x128xf32, #tpu.memory_space<hbm>>
            tpu.wait_dma2 semaphore(%run_scoped3A : memref<!tpu.dma_semaphore, #tpu.memory_space<semaphore_mem>>) src(%dma_wait3A_63 : memref<8x128xf32, #tpu.memory_space<hbm>>) dst(%arg14 : memref<8x128xf32, #tpu.memory_space<vmem>>)
            tpu.yield
          }) : () -> ()
        } else {
        }
        %scan3A_46 = arith.constant 0 : i32
        %scan3A_47 = arith.constant 0 : i32
        %scan3A_48 = arith.constant 64 : i32
        %scan3A_49 = arith.addi %scan3A_47, %scan3A_48 : i32
        %scan3A_50 = arith.constant 1 : i32
        scf.for %scan3A_58 = %scan3A_47 to %scan3A_49 step %scan3A_50  : i32 {
          %jit3A = arith.constant 8 : i32
          %div3A = arith.divsi %scan3A_58, %jit3A : i32
          %sign3A = arith.constant 0 : i32
          %sign3A_59 = arith.cmpi sgt, %scan3A_58, %sign3A : i32
          %sign3A_60 = arith.extui %sign3A_59 : i1 to i32
          %sign3A_61 = arith.constant 0 : i32
          %sign3A_62 = arith.cmpi slt, %scan3A_58, %sign3A_61 : i32
          %sign3A_63 = arith.extui %sign3A_62 : i1 to i32
          %sign3A_64 = arith.subi %sign3A_60, %sign3A_63 : i32
          %sign3A_65 = arith.constant 0 : i32
          %sign3A_66 = arith.cmpi sgt, %jit3A, %sign3A_65 : i32
          %sign3A_67 = arith.extui %sign3A_66 : i1 to i32
          %sign3A_68 = arith.constant 0 : i32
          %sign3A_69 = arith.cmpi slt, %jit3A, %sign3A_68 : i32
          %sign3A_70 = arith.extui %sign3A_69 : i1 to i32
          %sign3A_71 = arith.subi %sign3A_67, %sign3A_70 : i32
          %ne3A = arith.cmpi ne, %sign3A_64, %sign3A_71 : i32
          %rem3A = arith.remsi %scan3A_58, %jit3A : i32
          %ne3A_72 = arith.constant 0 : i32
          %ne3A_73 = arith.cmpi ne, %rem3A, %ne3A_72 : i32
          %and3A = arith.andi %ne3A, %ne3A_73 : i1
          %sub3A = arith.constant 1 : i32
          %sub3A_74 = arith.subi %div3A, %sub3A : i32
          %select_n3A = arith.select %and3A, %sub3A_74, %div3A : i32
          %jit3A_75 = arith.constant 8 : i32
          %eq3A_76 = arith.constant 0 : i32
          %eq3A_77 = arith.cmpi eq, %jit3A_75, %eq3A_76 : i32
          %jit3A_78 = arith.constant 1 : i32
          %select_n3A_79 = arith.select %eq3A_77, %jit3A_78, %jit3A_75 : i32
          %rem3A_80 = arith.remsi %scan3A_58, %select_n3A_79 : i32
          %ne3A_81 = arith.constant 0 : i32
          %ne3A_82 = arith.cmpi ne, %rem3A_80, %ne3A_81 : i32
          %lt3A = arith.constant 0 : i32
          %lt3A_83 = arith.cmpi slt, %rem3A_80, %lt3A : i32
          %lt3A_84 = arith.constant 0 : i32
          %lt3A_85 = arith.cmpi slt, %select_n3A_79, %lt3A_84 : i32
          %ne3A_86 = arith.xori %lt3A_83, %lt3A_85 : i1
          %and3A_87 = arith.andi %ne3A_86, %ne3A_82 : i1
          %add3A_88 = arith.addi %rem3A_80, %select_n3A_79 : i32
          %select_n3A_89 = arith.select %and3A_87, %add3A_88, %rem3A_80 : i32
          %mul3A_90 = arith.constant 16 : i32
          %mul3A_91 = arith.muli %select_n3A_89, %mul3A_90 : i32
          %get3A = arith.index_cast %select_n3A : i32 to index
          %get3A_92 = arith.index_cast %mul3A_91 : i32 to index
          %get3A_93 = tpu.vector_load %arg12[%get3A, %get3A_92] {strides = array<i32>} : memref<8x128xi32, #tpu.memory_space<vmem>>, vector<16xi32>,
          %min3A = arith.constant 9999 : i32
          %min3A_94 = vector.broadcast %min3A : i32 to vector<16xi32>
          %min3A_95 = arith.minsi %get3A_93, %min3A_94 : vector<16xi32>
          %add3A_96 = vector.broadcast %mul3A_8 : i32 to vector<16xi32>
          %add3A_97 = arith.addi %min3A_95, %add3A_96 : vector<16xi32>
          %swap3A = arith.index_cast %select_n3A : i32 to index
          %swap3A_98 = arith.index_cast %mul3A_91 : i32 to index
          %swap3A_99 = tpu.vector_load %arg12[%swap3A, %swap3A_98] {strides = array<i32>} : memref<8x128xi32, #tpu.memory_space<vmem>>, vector<16xi32>,
          tpu.vector_store %arg12[%swap3A, %swap3A_98], %add3A_97 {strides = array<i32>} : memref<8x128xi32, #tpu.memory_space<vmem>>, vector<16xi32>,
        }
        %scan3A_51 = arith.constant 64 : i32
        %scan3A_52 = arith.constant 0 : i32
        %scan3A_53 = arith.constant 0 : i32
        %scan3A_54 = arith.constant 2 : i32
        %scan3A_55 = arith.addi %scan3A_53, %scan3A_54 : i32
        %scan3A_56 = arith.constant 1 : i32
        scf.for %scan3A_58 = %scan3A_53 to %scan3A_55 step %scan3A_56  : i32 {
          %mul3A_59 = arith.constant 4 : i32
          %mul3A_60 = arith.muli %scan3A_58, %mul3A_59 : i32
          %add3A_61 = arith.constant 0 : i32
          %add3A_62 = arith.addi %mul3A_60, %add3A_61 : i32
          %dma_start3A = arith.constant 0 : i32
          %dma_start3A_63 = arith.constant 0 : i32
          %dma_start3A_64 = arith.constant 0 : i32
          %dma_start3A_65 = tpu.memref_slice %arg17[%dma_start3A, %dma_start3A_63, %dma_start3A_64] : memref<4x128x32xf32, #tpu.memory_space<vmem>> -> memref<1x128x32xf32, #tpu.memory_space<vmem>>
          %dma_start3A_66 = tpu.memref_squeeze %dma_start3A_65 : memref<1x128x32xf32, #tpu.memory_space<vmem>> -> memref<128x32xf32, #tpu.memory_space<vmem>>
          %dma_start3A_67 = arith.constant 0 : i32
          %dma_start3A_68 = tpu.memref_slice %arg12[%add3A_62, %dma_start3A_67] : memref<8x128xi32, #tpu.memory_space<vmem>> -> memref<1x128xi32, #tpu.memory_space<vmem>>
          %dma_start3A_69 = tpu.memref_squeeze %dma_start3A_68 : memref<1x128xi32, #tpu.memory_space<vmem>> -> memref<128xi32, #tpu.memory_space<vmem>>
          %dma_start3A_70 = arith.constant 0 : i32
          %dma_start3A_71 = arith.constant 0 : i32
          %dma_start3A_72 = tpu.memref_slice %arg4[%dma_start3A_70, %dma_start3A_71] : memref<40000x32xf32, #tpu.memory_space<hbm>> -> memref<40000x32xf32, #tpu.memory_space<hbm>>
          tpu.enqueue_indirect_dma source(%dma_start3A_72 : memref<40000x32xf32, #tpu.memory_space<hbm>>) target(%dma_start3A_66 : memref<128x32xf32, #tpu.memory_space<vmem>>) offsets(%dma_start3A_69 : memref<128xi32, #tpu.memory_space<vmem>>) semaphore(%arg22 : memref<!tpu.dma_semaphore, #tpu.memory_space<semaphore_mem>>)
          %mul3A_73 = arith.constant 4 : i32
          %mul3A_74 = arith.muli %scan3A_58, %mul3A_73 : i32
          %add3A_75 = arith.constant 1 : i32
          %add3A_76 = arith.addi %mul3A_74, %add3A_75 : i32
          %dma_start3A_77 = arith.constant 1 : i32
          %dma_start3A_78 = arith.constant 0 : i32
          %dma_start3A_79 = arith.constant 0 : i32
          %dma_start3A_80 = tpu.memref_slice %arg17[%dma_start3A_77, %dma_start3A_78, %dma_start3A_79] : memref<4x128x32xf32, #tpu.memory_space<vmem>> -> memref<1x128x32xf32, #tpu.memory_space<vmem>>
          %dma_start3A_81 = tpu.memref_squeeze %dma_start3A_80 : memref<1x128x32xf32, #tpu.memory_space<vmem>> -> memref<128x32xf32, #tpu.memory_space<vmem>>
          %dma_start3A_82 = arith.constant 0 : i32
          %dma_start3A_83 = tpu.memref_slice %arg12[%add3A_76, %dma_start3A_82] : memref<8x128xi32, #tpu.memory_space<vmem>> -> memref<1x128xi32, #tpu.memory_space<vmem>>
          %dma_start3A_84 = tpu.memref_squeeze %dma_start3A_83 : memref<1x128xi32, #tpu.memory_space<vmem>> -> memref<128xi32, #tpu.memory_space<vmem>>
          %dma_start3A_85 = arith.constant 0 : i32
          %dma_start3A_86 = arith.constant 0 : i32
          %dma_start3A_87 = tpu.memref_slice %arg4[%dma_start3A_85, %dma_start3A_86] : memref<40000x32xf32, #tpu.memory_space<hbm>> -> memref<40000x32xf32, #tpu.memory_space<hbm>>
          tpu.enqueue_indirect_dma source(%dma_start3A_87 : memref<40000x32xf32, #tpu.memory_space<hbm>>) target(%dma_start3A_81 : memref<128x32xf32, #tpu.memory_space<vmem>>) offsets(%dma_start3A_84 : memref<128xi32, #tpu.memory_space<vmem>>) semaphore(%arg22 : memref<!tpu.dma_semaphore, #tpu.memory_space<semaphore_mem>>)
          %mul3A_88 = arith.constant 4 : i32
          %mul3A_89 = arith.muli %scan3A_58, %mul3A_88 : i32
          %add3A_90 = arith.constant 2 : i32
          %add3A_91 = arith.addi %mul3A_89, %add3A_90 : i32
          %dma_start3A_92 = arith.constant 2 : i32
          %dma_start3A_93 = arith.constant 0 : i32
          %dma_start3A_94 = arith.constant 0 : i32
          %dma_start3A_95 = tpu.memref_slice %arg17[%dma_start3A_92, %dma_start3A_93, %dma_start3A_94] : memref<4x128x32xf32, #tpu.memory_space<vmem>> -> memref<1x128x32xf32, #tpu.memory_space<vmem>>
          %dma_start3A_96 = tpu.memref_squeeze %dma_start3A_95 : memref<1x128x32xf32, #tpu.memory_space<vmem>> -> memref<128x32xf32, #tpu.memory_space<vmem>>
          %dma_start3A_97 = arith.constant 0 : i32
          %dma_start3A_98 = tpu.memref_slice %arg12[%add3A_91, %dma_start3A_97] : memref<8x128xi32, #tpu.memory_space<vmem>> -> memref<1x128xi32, #tpu.memory_space<vmem>>
          %dma_start3A_99 = tpu.memref_squeeze %dma_start3A_98 : memref<1x128xi32, #tpu.memory_space<vmem>> -> memref<128xi32, #tpu.memory_space<vmem>>
          %dma_start3A_100 = arith.constant 0 : i32
          %dma_start3A_101 = arith.constant 0 : i32
          %dma_start3A_102 = tpu.memref_slice %arg4[%dma_start3A_100, %dma_start3A_101] : memref<40000x32xf32, #tpu.memory_space<hbm>> -> memref<40000x32xf32, #tpu.memory_space<hbm>>
          tpu.enqueue_indirect_dma source(%dma_start3A_102 : memref<40000x32xf32, #tpu.memory_space<hbm>>) target(%dma_start3A_96 : memref<128x32xf32, #tpu.memory_space<vmem>>) offsets(%dma_start3A_99 : memref<128xi32, #tpu.memory_space<vmem>>) semaphore(%arg22 : memref<!tpu.dma_semaphore, #tpu.memory_space<semaphore_mem>>)
          %mul3A_103 = arith.constant 4 : i32
          %mul3A_104 = arith.muli %scan3A_58, %mul3A_103 : i32
          %add3A_105 = arith.constant 3 : i32
          %add3A_106 = arith.addi %mul3A_104, %add3A_105 : i32
          %dma_start3A_107 = arith.constant 3 : i32
          %dma_start3A_108 = arith.constant 0 : i32
          %dma_start3A_109 = arith.constant 0 : i32
          %dma_start3A_110 = tpu.memref_slice %arg17[%dma_start3A_107, %dma_start3A_108, %dma_start3A_109] : memref<4x128x32xf32, #tpu.memory_space<vmem>> -> memref<1x128x32xf32, #tpu.memory_space<vmem>>
          %dma_start3A_111 = tpu.memref_squeeze %dma_start3A_110 : memref<1x128x32xf32, #tpu.memory_space<vmem>> -> memref<128x32xf32, #tpu.memory_space<vmem>>
          %dma_start3A_112 = arith.constant 0 : i32
          %dma_start3A_113 = tpu.memref_slice %arg12[%add3A_106, %dma_start3A_112] : memref<8x128xi32, #tpu.memory_space<vmem>> -> memref<1x128xi32, #tpu.memory_space<vmem>>
          %dma_start3A_114 = tpu.memref_squeeze %dma_start3A_113 : memref<1x128xi32, #tpu.memory_space<vmem>> -> memref<128xi32, #tpu.memory_space<vmem>>
          %dma_start3A_115 = arith.constant 0 : i32
          %dma_start3A_116 = arith.constant 0 : i32
          %dma_start3A_117 = tpu.memref_slice %arg4[%dma_start3A_115, %dma_start3A_116] : memref<40000x32xf32, #tpu.memory_space<hbm>> -> memref<40000x32xf32, #tpu.memory_space<hbm>>
          tpu.enqueue_indirect_dma source(%dma_start3A_117 : memref<40000x32xf32, #tpu.memory_space<hbm>>) target(%dma_start3A_111 : memref<128x32xf32, #tpu.memory_space<vmem>>) offsets(%dma_start3A_114 : memref<128xi32, #tpu.memory_space<vmem>>) semaphore(%arg22 : memref<!tpu.dma_semaphore, #tpu.memory_space<semaphore_mem>>)
          %dma_wait3A = arith.constant 0 : i32
          %dma_wait3A_118 = arith.constant 0 : i32
          %dma_wait3A_119 = arith.constant 0 : i32
          %dma_wait3A_120 = tpu.memref_slice %arg17[%dma_wait3A, %dma_wait3A_118, %dma_wait3A_119] : memref<4x128x32xf32, #tpu.memory_space<vmem>> -> memref<1x128x32xf32, #tpu.memory_space<vmem>>
          %dma_wait3A_121 = tpu.memref_squeeze %dma_wait3A_120 : memref<1x128x32xf32, #tpu.memory_space<vmem>> -> memref<128x32xf32, #tpu.memory_space<vmem>>
          %dma_wait3A_122 = arith.constant 0 : i32
          %dma_wait3A_123 = tpu.memref_slice %arg12[%add3A_62, %dma_wait3A_122] : memref<8x128xi32, #tpu.memory_space<vmem>> -> memref<1x128xi32, #tpu.memory_space<vmem>>
          %dma_wait3A_124 = tpu.memref_squeeze %dma_wait3A_123 : memref<1x128xi32, #tpu.memory_space<vmem>> -> memref<128xi32, #tpu.memory_space<vmem>>
          %dma_wait3A_125 = arith.constant 0 : i32
          %dma_wait3A_126 = arith.constant 0 : i32
          %dma_wait3A_127 = tpu.memref_slice %arg4[%dma_wait3A_125, %dma_wait3A_126] : memref<40000x32xf32, #tpu.memory_space<hbm>> -> memref<40000x32xf32, #tpu.memory_space<hbm>>
          tpu.wait_indirect_dma semaphore(%arg22 : memref<!tpu.dma_semaphore, #tpu.memory_space<semaphore_mem>>) src(%dma_wait3A_127 : memref<40000x32xf32, #tpu.memory_space<hbm>>) dst(%dma_wait3A_121 : memref<128x32xf32, #tpu.memory_space<vmem>>)
          %dma_wait3A_128 = arith.constant 1 : i32
          %dma_wait3A_129 = arith.constant 0 : i32
          %dma_wait3A_130 = arith.constant 0 : i32
          %dma_wait3A_131 = tpu.memref_slice %arg17[%dma_wait3A_128, %dma_wait3A_129, %dma_wait3A_130] : memref<4x128x32xf32, #tpu.memory_space<vmem>> -> memref<1x128x32xf32, #tpu.memory_space<vmem>>
          %dma_wait3A_132 = tpu.memref_squeeze %dma_wait3A_131 : memref<1x128x32xf32, #tpu.memory_space<vmem>> -> memref<128x32xf32, #tpu.memory_space<vmem>>
          %dma_wait3A_133 = arith.constant 0 : i32
          %dma_wait3A_134 = tpu.memref_slice %arg12[%add3A_76, %dma_wait3A_133] : memref<8x128xi32, #tpu.memory_space<vmem>> -> memref<1x128xi32, #tpu.memory_space<vmem>>
          %dma_wait3A_135 = tpu.memref_squeeze %dma_wait3A_134 : memref<1x128xi32, #tpu.memory_space<vmem>> -> memref<128xi32, #tpu.memory_space<vmem>>
          %dma_wait3A_136 = arith.constant 0 : i32
          %dma_wait3A_137 = arith.constant 0 : i32
          %dma_wait3A_138 = tpu.memref_slice %arg4[%dma_wait3A_136, %dma_wait3A_137] : memref<40000x32xf32, #tpu.memory_space<hbm>> -> memref<40000x32xf32, #tpu.memory_space<hbm>>
          tpu.wait_indirect_dma semaphore(%arg22 : memref<!tpu.dma_semaphore, #tpu.memory_space<semaphore_mem>>) src(%dma_wait3A_138 : memref<40000x32xf32, #tpu.memory_space<hbm>>) dst(%dma_wait3A_132 : memref<128x32xf32, #tpu.memory_space<vmem>>)
          %dma_wait3A_139 = arith.constant 2 : i32
          %dma_wait3A_140 = arith.constant 0 : i32
          %dma_wait3A_141 = arith.constant 0 : i32
          %dma_wait3A_142 = tpu.memref_slice %arg17[%dma_wait3A_139, %dma_wait3A_140, %dma_wait3A_141] : memref<4x128x32xf32, #tpu.memory_space<vmem>> -> memref<1x128x32xf32, #tpu.memory_space<vmem>>
          %dma_wait3A_143 = tpu.memref_squeeze %dma_wait3A_142 : memref<1x128x32xf32, #tpu.memory_space<vmem>> -> memref<128x32xf32, #tpu.memory_space<vmem>>
          %dma_wait3A_144 = arith.constant 0 : i32
          %dma_wait3A_145 = tpu.memref_slice %arg12[%add3A_91, %dma_wait3A_144] : memref<8x128xi32, #tpu.memory_space<vmem>> -> memref<1x128xi32, #tpu.memory_space<vmem>>
          %dma_wait3A_146 = tpu.memref_squeeze %dma_wait3A_145 : memref<1x128xi32, #tpu.memory_space<vmem>> -> memref<128xi32, #tpu.memory_space<vmem>>
          %dma_wait3A_147 = arith.constant 0 : i32
          %dma_wait3A_148 = arith.constant 0 : i32
          %dma_wait3A_149 = tpu.memref_slice %arg4[%dma_wait3A_147, %dma_wait3A_148] : memref<40000x32xf32, #tpu.memory_space<hbm>> -> memref<40000x32xf32, #tpu.memory_space<hbm>>
          tpu.wait_indirect_dma semaphore(%arg22 : memref<!tpu.dma_semaphore, #tpu.memory_space<semaphore_mem>>) src(%dma_wait3A_149 : memref<40000x32xf32, #tpu.memory_space<hbm>>) dst(%dma_wait3A_143 : memref<128x32xf32, #tpu.memory_space<vmem>>)
          %dma_wait3A_150 = arith.constant 3 : i32
          %dma_wait3A_151 = arith.constant 0 : i32
          %dma_wait3A_152 = arith.constant 0 : i32
          %dma_wait3A_153 = tpu.memref_slice %arg17[%dma_wait3A_150, %dma_wait3A_151, %dma_wait3A_152] : memref<4x128x32xf32, #tpu.memory_space<vmem>> -> memref<1x128x32xf32, #tpu.memory_space<vmem>>
          %dma_wait3A_154 = tpu.memref_squeeze %dma_wait3A_153 : memref<1x128x32xf32, #tpu.memory_space<vmem>> -> memref<128x32xf32, #tpu.memory_space<vmem>>
          %dma_wait3A_155 = arith.constant 0 : i32
          %dma_wait3A_156 = tpu.memref_slice %arg12[%add3A_106, %dma_wait3A_155] : memref<8x128xi32, #tpu.memory_space<vmem>> -> memref<1x128xi32, #tpu.memory_space<vmem>>
          %dma_wait3A_157 = tpu.memref_squeeze %dma_wait3A_156 : memref<1x128xi32, #tpu.memory_space<vmem>> -> memref<128xi32, #tpu.memory_space<vmem>>
          %dma_wait3A_158 = arith.constant 0 : i32
          %dma_wait3A_159 = arith.constant 0 : i32
          %dma_wait3A_160 = tpu.memref_slice %arg4[%dma_wait3A_158, %dma_wait3A_159] : memref<40000x32xf32, #tpu.memory_space<hbm>> -> memref<40000x32xf32, #tpu.memory_space<hbm>>
          tpu.wait_indirect_dma semaphore(%arg22 : memref<!tpu.dma_semaphore, #tpu.memory_space<semaphore_mem>>) src(%dma_wait3A_160 : memref<40000x32xf32, #tpu.memory_space<hbm>>) dst(%dma_wait3A_154 : memref<128x32xf32, #tpu.memory_space<vmem>>)
          %scan3A_161 = arith.constant 0 : i32
          %scan3A_162 = arith.constant 0 : i32
          %scan3A_163 = arith.constant 32 : i32
          %scan3A_164 = arith.addi %scan3A_162, %scan3A_163 : i32
          %scan3A_165 = arith.constant 1 : i32
          scf.for %scan3A_271 = %scan3A_162 to %scan3A_164 step %scan3A_165  : i32 {
            %jit3A = arith.constant 8 : i32
            %div3A = arith.divsi %scan3A_271, %jit3A : i32
            %sign3A = arith.constant 0 : i32
            %sign3A_272 = arith.cmpi sgt, %scan3A_271, %sign3A : i32
            %sign3A_273 = arith.extui %sign3A_272 : i1 to i32
            %sign3A_274 = arith.constant 0 : i32
            %sign3A_275 = arith.cmpi slt, %scan3A_271, %sign3A_274 : i32
            %sign3A_276 = arith.extui %sign3A_275 : i1 to i32
            %sign3A_277 = arith.subi %sign3A_273, %sign3A_276 : i32
            %sign3A_278 = arith.constant 0 : i32
            %sign3A_279 = arith.cmpi sgt, %jit3A, %sign3A_278 : i32
            %sign3A_280 = arith.extui %sign3A_279 : i1 to i32
            %sign3A_281 = arith.constant 0 : i32
            %sign3A_282 = arith.cmpi slt, %jit3A, %sign3A_281 : i32
            %sign3A_283 = arith.extui %sign3A_282 : i1 to i32
            %sign3A_284 = arith.subi %sign3A_280, %sign3A_283 : i32
            %ne3A = arith.cmpi ne, %sign3A_277, %sign3A_284 : i32
            %rem3A = arith.remsi %scan3A_271, %jit3A : i32
            %ne3A_285 = arith.constant 0 : i32
            %ne3A_286 = arith.cmpi ne, %rem3A, %ne3A_285 : i32
            %and3A = arith.andi %ne3A, %ne3A_286 : i1
            %sub3A = arith.constant 1 : i32
            %sub3A_287 = arith.subi %div3A, %sub3A : i32
            %select_n3A = arith.select %and3A, %sub3A_287, %div3A : i32
            %jit3A_288 = arith.constant 8 : i32
            %eq3A_289 = arith.constant 0 : i32
            %eq3A_290 = arith.cmpi eq, %jit3A_288, %eq3A_289 : i32
            %jit3A_291 = arith.constant 1 : i32
            %select_n3A_292 = arith.select %eq3A_290, %jit3A_291, %jit3A_288 : i32
            %rem3A_293 = arith.remsi %scan3A_271, %select_n3A_292 : i32
            %ne3A_294 = arith.constant 0 : i32
            %ne3A_295 = arith.cmpi ne, %rem3A_293, %ne3A_294 : i32
            %lt3A = arith.constant 0 : i32
            %lt3A_296 = arith.cmpi slt, %rem3A_293, %lt3A : i32
            %lt3A_297 = arith.constant 0 : i32
            %lt3A_298 = arith.cmpi slt, %select_n3A_292, %lt3A_297 : i32
            %ne3A_299 = arith.xori %lt3A_296, %lt3A_298 : i1
            %and3A_300 = arith.andi %ne3A_299, %ne3A_295 : i1
            %add3A_301 = arith.addi %rem3A_293, %select_n3A_292 : i32
            %select_n3A_302 = arith.select %and3A_300, %add3A_301, %rem3A_293 : i32
            %mul3A_303 = arith.constant 16 : i32
            %mul3A_304 = arith.muli %select_n3A_302, %mul3A_303 : i32
            %mul3A_305 = arith.constant 4 : i32
            %mul3A_306 = arith.muli %scan3A_58, %mul3A_305 : i32
            %add3A_307 = arith.addi %mul3A_306, %select_n3A : i32
            %get3A = arith.index_cast %add3A_307 : i32 to index
            %get3A_308 = arith.index_cast %mul3A_304 : i32 to index
            %get3A_309 = tpu.vector_load %arg14[%get3A, %get3A_308] {strides = array<i32>} : memref<8x128xf32, #tpu.memory_space<vmem>>, vector<16xf32>,
            %broadcast_in_dim3A = arith.constant 0 : i32
            %broadcast_in_dim3A_310 = vector.broadcast %broadcast_in_dim3A : i32 to vector<16xi32>
            %lt3A_311 = arith.constant 0 : i32
            %lt3A_312 = vector.broadcast %lt3A_311 : i32 to vector<16xi32>
            %lt3A_313 = arith.cmpi slt, %broadcast_in_dim3A_310, %lt3A_312 : vector<16xi32>
            %add3A_314 = arith.constant 16 : i32
            %add3A_315 = vector.broadcast %add3A_314 : i32 to vector<16xi32>
            %add3A_316 = arith.addi %broadcast_in_dim3A_310, %add3A_315 : vector<16xi32>
            %select_n3A_317 = arith.select %lt3A_313, %add3A_316, %broadcast_in_dim3A_310 : vector<16xi1>, vector<16xi32>
            %broadcast_in_dim3A_318 = vector.shape_cast %select_n3A_317 : vector<16xi32> to vector<16x1xi32>
            %gather3A = vector.shape_cast %broadcast_in_dim3A_318 : vector<16x1xi32> to vector<16xi32>
            %gather3A_319 = tpu.dynamic_gather %get3A_309[%gather3A] in [0] : vector<16xf32>, vector<16xi32> -> vector<16xf32>
            %add3A_320 = arith.constant 0 : i32
            %add3A_321 = arith.addi %mul3A_304, %add3A_320 : i32
            %get3A_322 = arith.index_cast %select_n3A : i32 to index
            %get3A_323 = arith.index_cast %add3A_321 : i32 to index
            %get3A_324 = arith.constant 0 : index
            %get3A_325 = tpu.vector_load %arg17[%get3A_322, %get3A_323, %get3A_324] {strides = array<i32>} : memref<4x128x32xf32, #tpu.memory_space<vmem>>, vector<16xf32>,
            %mul3A_326 = arith.mulf %get3A_325, %gather3A_319 : vector<16xf32>
            %add3A_327 = arith.constant 0 : i32
            %add3A_328 = arith.addi %mul3A_304, %add3A_327 : i32
            %swap3A = arith.index_cast %select_n3A : i32 to index
            %swap3A_329 = arith.index_cast %add3A_328 : i32 to index
            %swap3A_330 = arith.constant 0 : index
            %swap3A_331 = tpu.vector_load %arg17[%swap3A, %swap3A_329, %swap3A_330] {strides = array<i32>} : memref<4x128x32xf32, #tpu.memory_space<vmem>>, vector<16xf32>,
            tpu.vector_store %arg17[%swap3A, %swap3A_329, %swap3A_330], %mul3A_326 {strides = array<i32>} : memref<4x128x32xf32, #tpu.memory_space<vmem>>, vector<16xf32>,
            %add3A_332 = arith.constant 0 : i32
            %add3A_333 = arith.addi %mul3A_304, %add3A_332 : i32
            %get3A_334 = arith.index_cast %select_n3A : i32 to index
            %get3A_335 = arith.index_cast %add3A_333 : i32 to index
            %get3A_336 = arith.constant 16 : index
            %get3A_337 = tpu.vector_load %arg17[%get3A_334, %get3A_335, %get3A_336] {strides = array<i32>} : memref<4x128x32xf32, #tpu.memory_space<vmem>>, vector<16xf32>,
            %mul3A_338 = arith.mulf %get3A_337, %gather3A_319 : vector<16xf32>
            %add3A_339 = arith.constant 0 : i32
            %add3A_340 = arith.addi %mul3A_304, %add3A_339 : i32
            %swap3A_341 = arith.index_cast %select_n3A : i32 to index
            %swap3A_342 = arith.index_cast %add3A_340 : i32 to index
            %swap3A_343 = arith.constant 16 : index
            %swap3A_344 = tpu.vector_load %arg17[%swap3A_341, %swap3A_342, %swap3A_343] {strides = array<i32>} : memref<4x128x32xf32, #tpu.memory_space<vmem>>, vector<16xf32>,
            tpu.vector_store %arg17[%swap3A_341, %swap3A_342, %swap3A_343], %mul3A_338 {strides = array<i32>} : memref<4x128x32xf32, #tpu.memory_space<vmem>>, vector<16xf32>,
            %broadcast_in_dim3A_345 = arith.constant 1 : i32
            %broadcast_in_dim3A_346 = vector.broadcast %broadcast_in_dim3A_345 : i32 to vector<16xi32>
            %lt3A_347 = arith.constant 0 : i32
            %lt3A_348 = vector.broadcast %lt3A_347 : i32 to vector<16xi32>
            %lt3A_349 = arith.cmpi slt, %broadcast_in_dim3A_346, %lt3A_348 : vector<16xi32>
            %add3A_350 = arith.constant 16 : i32
            %add3A_351 = vector.broadcast %add3A_350 : i32 to vector<16xi32>
            %add3A_352 = arith.addi %broadcast_in_dim3A_346, %add3A_351 : vector<16xi32>
            %select_n3A_353 = arith.select %lt3A_349, %add3A_352, %broadcast_in_dim3A_346 : vector<16xi1>, vector<16xi32>
            %broadcast_in_dim3A_354 = vector.shape_cast %select_n3A_353 : vector<16xi32> to vector<16x1xi32>
            %gather3A_355 = vector.shape_cast %broadcast_in_dim3A_354 : vector<16x1xi32> to vector<16xi32>
            %gather3A_356 = tpu.dynamic_gather %get3A_309[%gather3A_355] in [0] : vector<16xf32>, vector<16xi32> -> vector<16xf32>
            %add3A_357 = arith.constant 1 : i32
            %add3A_358 = arith.addi %mul3A_304, %add3A_357 : i32
            %get3A_359 = arith.index_cast %select_n3A : i32 to index
            %get3A_360 = arith.index_cast %add3A_358 : i32 to index
            %get3A_361 = arith.constant 0 : index
            %get3A_362 = tpu.vector_load %arg17[%get3A_359, %get3A_360, %get3A_361] {strides = array<i32>} : memref<4x128x32xf32, #tpu.memory_space<vmem>>, vector<16xf32>,
            %mul3A_363 = arith.mulf %get3A_362, %gather3A_356 : vector<16xf32>
            %add3A_364 = arith.constant 1 : i32
            %add3A_365 = arith.addi %mul3A_304, %add3A_364 : i32
            %swap3A_366 = arith.index_cast %select_n3A : i32 to index
            %swap3A_367 = arith.index_cast %add3A_365 : i32 to index
            %swap3A_368 = arith.constant 0 : index
            %swap3A_369 = tpu.vector_load %arg17[%swap3A_366, %swap3A_367, %swap3A_368] {strides = array<i32>} : memref<4x128x32xf32, #tpu.memory_space<vmem>>, vector<16xf32>,
            tpu.vector_store %arg17[%swap3A_366, %swap3A_367, %swap3A_368], %mul3A_363 {strides = array<i32>} : memref<4x128x32xf32, #tpu.memory_space<vmem>>, vector<16xf32>,
            %add3A_370 = arith.constant 1 : i32
            %add3A_371 = arith.addi %mul3A_304, %add3A_370 : i32
            %get3A_372 = arith.index_cast %select_n3A : i32 to index
            %get3A_373 = arith.index_cast %add3A_371 : i32 to index
            %get3A_374 = arith.constant 16 : index
            %get3A_375 = tpu.vector_load %arg17[%get3A_372, %get3A_373, %get3A_374] {strides = array<i32>} : memref<4x128x32xf32, #tpu.memory_space<vmem>>, vector<16xf32>,
            %mul3A_376 = arith.mulf %get3A_375, %gather3A_356 : vector<16xf32>
            %add3A_377 = arith.constant 1 : i32
            %add3A_378 = arith.addi %mul3A_304, %add3A_377 : i32
            %swap3A_379 = arith.index_cast %select_n3A : i32 to index
            %swap3A_380 = arith.index_cast %add3A_378 : i32 to index
            %swap3A_381 = arith.constant 16 : index
            %swap3A_382 = tpu.vector_load %arg17[%swap3A_379, %swap3A_380, %swap3A_381] {strides = array<i32>} : memref<4x128x32xf32, #tpu.memory_space<vmem>>, vector<16xf32>,
            tpu.vector_store %arg17[%swap3A_379, %swap3A_380, %swap3A_381], %mul3A_376 {strides = array<i32>} : memref<4x128x32xf32, #tpu.memory_space<vmem>>, vector<16xf32>,
            %broadcast_in_dim3A_383 = arith.constant 2 : i32
            %broadcast_in_dim3A_384 = vector.broadcast %broadcast_in_dim3A_383 : i32 to vector<16xi32>
            %lt3A_385 = arith.constant 0 : i32
            %lt3A_386 = vector.broadcast %lt3A_385 : i32 to vector<16xi32>
            %lt3A_387 = arith.cmpi slt, %broadcast_in_dim3A_384, %lt3A_386 : vector<16xi32>
            %add3A_388 = arith.constant 16 : i32
            %add3A_389 = vector.broadcast %add3A_388 : i32 to vector<16xi32>
            %add3A_390 = arith.addi %broadcast_in_dim3A_384, %add3A_389 : vector<16xi32>
            %select_n3A_391 = arith.select %lt3A_387, %add3A_390, %broadcast_in_dim3A_384 : vector<16xi1>, vector<16xi32>
            %broadcast_in_dim3A_392 = vector.shape_cast %select_n3A_391 : vector<16xi32> to vector<16x1xi32>
            %gather3A_393 = vector.shape_cast %broadcast_in_dim3A_392 : vector<16x1xi32> to vector<16xi32>
            %gather3A_394 = tpu.dynamic_gather %get3A_309[%gather3A_393] in [0] : vector<16xf32>, vector<16xi32> -> vector<16xf32>
            %add3A_395 = arith.constant 2 : i32
            %add3A_396 = arith.addi %mul3A_304, %add3A_395 : i32
            %get3A_397 = arith.index_cast %select_n3A : i32 to index
            %get3A_398 = arith.index_cast %add3A_396 : i32 to index
            %get3A_399 = arith.constant 0 : index
            %get3A_400 = tpu.vector_load %arg17[%get3A_397, %get3A_398, %get3A_399] {strides = array<i32>} : memref<4x128x32xf32, #tpu.memory_space<vmem>>, vector<16xf32>,
            %mul3A_401 = arith.mulf %get3A_400, %gather3A_394 : vector<16xf32>
            %add3A_402 = arith.constant 2 : i32
            %add3A_403 = arith.addi %mul3A_304, %add3A_402 : i32
            %swap3A_404 = arith.index_cast %select_n3A : i32 to index
            %swap3A_405 = arith.index_cast %add3A_403 : i32 to index
            %swap3A_406 = arith.constant 0 : index
            %swap3A_407 = tpu.vector_load %arg17[%swap3A_404, %swap3A_405, %swap3A_406] {strides = array<i32>} : memref<4x128x32xf32, #tpu.memory_space<vmem>>, vector<16xf32>,
            tpu.vector_store %arg17[%swap3A_404, %swap3A_405, %swap3A_406], %mul3A_401 {strides = array<i32>} : memref<4x128x32xf32, #tpu.memory_space<vmem>>, vector<16xf32>,
            %add3A_408 = arith.constant 2 : i32
            %add3A_409 = arith.addi %mul3A_304, %add3A_408 : i32
            %get3A_410 = arith.index_cast %select_n3A : i32 to index
            %get3A_411 = arith.index_cast %add3A_409 : i32 to index
            %get3A_412 = arith.constant 16 : index
            %get3A_413 = tpu.vector_load %arg17[%get3A_410, %get3A_411, %get3A_412] {strides = array<i32>} : memref<4x128x32xf32, #tpu.memory_space<vmem>>, vector<16xf32>,
            %mul3A_414 = arith.mulf %get3A_413, %gather3A_394 : vector<16xf32>
            %add3A_415 = arith.constant 2 : i32
            %add3A_416 = arith.addi %mul3A_304, %add3A_415 : i32
            %swap3A_417 = arith.index_cast %select_n3A : i32 to index
            %swap3A_418 = arith.index_cast %add3A_416 : i32 to index
            %swap3A_419 = arith.constant 16 : index
            %swap3A_420 = tpu.vector_load %arg17[%swap3A_417, %swap3A_418, %swap3A_419] {strides = array<i32>} : memref<4x128x32xf32, #tpu.memory_space<vmem>>, vector<16xf32>,
            tpu.vector_store %arg17[%swap3A_417, %swap3A_418, %swap3A_419], %mul3A_414 {strides = array<i32>} : memref<4x128x32xf32, #tpu.memory_space<vmem>>, vector<16xf32>,
            %broadcast_in_dim3A_421 = arith.constant 3 : i32
            %broadcast_in_dim3A_422 = vector.broadcast %broadcast_in_dim3A_421 : i32 to vector<16xi32>
            %lt3A_423 = arith.constant 0 : i32
            %lt3A_424 = vector.broadcast %lt3A_423 : i32 to vector<16xi32>
            %lt3A_425 = arith.cmpi slt, %broadcast_in_dim3A_422, %lt3A_424 : vector<16xi32>
            %add3A_426 = arith.constant 16 : i32
            %add3A_427 = vector.broadcast %add3A_426 : i32 to vector<16xi32>
            %add3A_428 = arith.addi %broadcast_in_dim3A_422, %add3A_427 : vector<16xi32>
            %select_n3A_429 = arith.select %lt3A_425, %add3A_428, %broadcast_in_dim3A_422 : vector<16xi1>, vector<16xi32>
            %broadcast_in_dim3A_430 = vector.shape_cast %select_n3A_429 : vector<16xi32> to vector<16x1xi32>
            %gather3A_431 = vector.shape_cast %broadcast_in_dim3A_430 : vector<16x1xi32> to vector<16xi32>
            %gather3A_432 = tpu.dynamic_gather %get3A_309[%gather3A_431] in [0] : vector<16xf32>, vector<16xi32> -> vector<16xf32>
            %add3A_433 = arith.constant 3 : i32
            %add3A_434 = arith.addi %mul3A_304, %add3A_433 : i32
            %get3A_435 = arith.index_cast %select_n3A : i32 to index
            %get3A_436 = arith.index_cast %add3A_434 : i32 to index
            %get3A_437 = arith.constant 0 : index
            %get3A_438 = tpu.vector_load %arg17[%get3A_435, %get3A_436, %get3A_437] {strides = array<i32>} : memref<4x128x32xf32, #tpu.memory_space<vmem>>, vector<16xf32>,
            %mul3A_439 = arith.mulf %get3A_438, %gather3A_432 : vector<16xf32>
            %add3A_440 = arith.constant 3 : i32
            %add3A_441 = arith.addi %mul3A_304, %add3A_440 : i32
            %swap3A_442 = arith.index_cast %select_n3A : i32 to index
            %swap3A_443 = arith.index_cast %add3A_441 : i32 to index
            %swap3A_444 = arith.constant 0 : index
            %swap3A_445 = tpu.vector_load %arg17[%swap3A_442, %swap3A_443, %swap3A_444] {strides = array<i32>} : memref<4x128x32xf32, #tpu.memory_space<vmem>>, vector<16xf32>,
            tpu.vector_store %arg17[%swap3A_442, %swap3A_443, %swap3A_444], %mul3A_439 {strides = array<i32>} : memref<4x128x32xf32, #tpu.memory_space<vmem>>, vector<16xf32>,
            %add3A_446 = arith.constant 3 : i32
            %add3A_447 = arith.addi %mul3A_304, %add3A_446 : i32
            %get3A_448 = arith.index_cast %select_n3A : i32 to index
            %get3A_449 = arith.index_cast %add3A_447 : i32 to index
            %get3A_450 = arith.constant 16 : index
            %get3A_451 = tpu.vector_load %arg17[%get3A_448, %get3A_449, %get3A_450] {strides = array<i32>} : memref<4x128x32xf32, #tpu.memory_space<vmem>>, vector<16xf32>,
            %mul3A_452 = arith.mulf %get3A_451, %gather3A_432 : vector<16xf32>
            %add3A_453 = arith.constant 3 : i32
            %add3A_454 = arith.addi %mul3A_304, %add3A_453 : i32
            %swap3A_455 = arith.index_cast %select_n3A : i32 to index
            %swap3A_456 = arith.index_cast %add3A_454 : i32 to index
            %swap3A_457 = arith.constant 16 : index
            %swap3A_458 = tpu.vector_load %arg17[%swap3A_455, %swap3A_456, %swap3A_457] {strides = array<i32>} : memref<4x128x32xf32, #tpu.memory_space<vmem>>, vector<16xf32>,
            tpu.vector_store %arg17[%swap3A_455, %swap3A_456, %swap3A_457], %mul3A_452 {strides = array<i32>} : memref<4x128x32xf32, #tpu.memory_space<vmem>>, vector<16xf32>,
            %broadcast_in_dim3A_459 = arith.constant 4 : i32
            %broadcast_in_dim3A_460 = vector.broadcast %broadcast_in_dim3A_459 : i32 to vector<16xi32>
            %lt3A_461 = arith.constant 0 : i32
            %lt3A_462 = vector.broadcast %lt3A_461 : i32 to vector<16xi32>
            %lt3A_463 = arith.cmpi slt, %broadcast_in_dim3A_460, %lt3A_462 : vector<16xi32>
            %add3A_464 = arith.constant 16 : i32
            %add3A_465 = vector.broadcast %add3A_464 : i32 to vector<16xi32>
            %add3A_466 = arith.addi %broadcast_in_dim3A_460, %add3A_465 : vector<16xi32>
            %select_n3A_467 = arith.select %lt3A_463, %add3A_466, %broadcast_in_dim3A_460 : vector<16xi1>, vector<16xi32>
            %broadcast_in_dim3A_468 = vector.shape_cast %select_n3A_467 : vector<16xi32> to vector<16x1xi32>
            %gather3A_469 = vector.shape_cast %broadcast_in_dim3A_468 : vector<16x1xi32> to vector<16xi32>
            %gather3A_470 = tpu.dynamic_gather %get3A_309[%gather3A_469] in [0] : vector<16xf32>, vector<16xi32> -> vector<16xf32>
            %add3A_471 = arith.constant 4 : i32
            %add3A_472 = arith.addi %mul3A_304, %add3A_471 : i32
            %get3A_473 = arith.index_cast %select_n3A : i32 to index
            %get3A_474 = arith.index_cast %add3A_472 : i32 to index
            %get3A_475 = arith.constant 0 : index
            %get3A_476 = tpu.vector_load %arg17[%get3A_473, %get3A_474, %get3A_475] {strides = array<i32>} : memref<4x128x32xf32, #tpu.memory_space<vmem>>, vector<16xf32>,
            %mul3A_477 = arith.mulf %get3A_476, %gather3A_470 : vector<16xf32>
            %add3A_478 = arith.constant 4 : i32
            %add3A_479 = arith.addi %mul3A_304, %add3A_478 : i32
            %swap3A_480 = arith.index_cast %select_n3A : i32 to index
            %swap3A_481 = arith.index_cast %add3A_479 : i32 to index
            %swap3A_482 = arith.constant 0 : index
            %swap3A_483 = tpu.vector_load %arg17[%swap3A_480, %swap3A_481, %swap3A_482] {strides = array<i32>} : memref<4x128x32xf32, #tpu.memory_space<vmem>>, vector<16xf32>,
            tpu.vector_store %arg17[%swap3A_480, %swap3A_481, %swap3A_482], %mul3A_477 {strides = array<i32>} : memref<4x128x32xf32, #tpu.memory_space<vmem>>, vector<16xf32>,
            %add3A_484 = arith.constant 4 : i32
            %add3A_485 = arith.addi %mul3A_304, %add3A_484 : i32
            %get3A_486 = arith.index_cast %select_n3A : i32 to index
            %get3A_487 = arith.index_cast %add3A_485 : i32 to index
            %get3A_488 = arith.constant 16 : index
            %get3A_489 = tpu.vector_load %arg17[%get3A_486, %get3A_487, %get3A_488] {strides = array<i32>} : memref<4x128x32xf32, #tpu.memory_space<vmem>>, vector<16xf32>,
            %mul3A_490 = arith.mulf %get3A_489, %gather3A_470 : vector<16xf32>
            %add3A_491 = arith.constant 4 : i32
            %add3A_492 = arith.addi %mul3A_304, %add3A_491 : i32
            %swap3A_493 = arith.index_cast %select_n3A : i32 to index
            %swap3A_494 = arith.index_cast %add3A_492 : i32 to index
            %swap3A_495 = arith.constant 16 : index
            %swap3A_496 = tpu.vector_load %arg17[%swap3A_493, %swap3A_494, %swap3A_495] {strides = array<i32>} : memref<4x128x32xf32, #tpu.memory_space<vmem>>, vector<16xf32>,
            tpu.vector_store %arg17[%swap3A_493, %swap3A_494, %swap3A_495], %mul3A_490 {strides = array<i32>} : memref<4x128x32xf32, #tpu.memory_space<vmem>>, vector<16xf32>,
            %broadcast_in_dim3A_497 = arith.constant 5 : i32
            %broadcast_in_dim3A_498 = vector.broadcast %broadcast_in_dim3A_497 : i32 to vector<16xi32>
            %lt3A_499 = arith.constant 0 : i32
            %lt3A_500 = vector.broadcast %lt3A_499 : i32 to vector<16xi32>
            %lt3A_501 = arith.cmpi slt, %broadcast_in_dim3A_498, %lt3A_500 : vector<16xi32>
            %add3A_502 = arith.constant 16 : i32
            %add3A_503 = vector.broadcast %add3A_502 : i32 to vector<16xi32>
            %add3A_504 = arith.addi %broadcast_in_dim3A_498, %add3A_503 : vector<16xi32>
            %select_n3A_505 = arith.select %lt3A_501, %add3A_504, %broadcast_in_dim3A_498 : vector<16xi1>, vector<16xi32>
            %broadcast_in_dim3A_506 = vector.shape_cast %select_n3A_505 : vector<16xi32> to vector<16x1xi32>
            %gather3A_507 = vector.shape_cast %broadcast_in_dim3A_506 : vector<16x1xi32> to vector<16xi32>
            %gather3A_508 = tpu.dynamic_gather %get3A_309[%gather3A_507] in [0] : vector<16xf32>, vector<16xi32> -> vector<16xf32>
            %add3A_509 = arith.constant 5 : i32
            %add3A_510 = arith.addi %mul3A_304, %add3A_509 : i32
            %get3A_511 = arith.index_cast %select_n3A : i32 to index
            %get3A_512 = arith.index_cast %add3A_510 : i32 to index
            %get3A_513 = arith.constant 0 : index
            %get3A_514 = tpu.vector_load %arg17[%get3A_511, %get3A_512, %get3A_513] {strides = array<i32>} : memref<4x128x32xf32, #tpu.memory_space<vmem>>, vector<16xf32>,
            %mul3A_515 = arith.mulf %get3A_514, %gather3A_508 : vector<16xf32>
            %add3A_516 = arith.constant 5 : i32
            %add3A_517 = arith.addi %mul3A_304, %add3A_516 : i32
            %swap3A_518 = arith.index_cast %select_n3A : i32 to index
            %swap3A_519 = arith.index_cast %add3A_517 : i32 to index
            %swap3A_520 = arith.constant 0 : index
            %swap3A_521 = tpu.vector_load %arg17[%swap3A_518, %swap3A_519, %swap3A_520] {strides = array<i32>} : memref<4x128x32xf32, #tpu.memory_space<vmem>>, vector<16xf32>,
            tpu.vector_store %arg17[%swap3A_518, %swap3A_519, %swap3A_520], %mul3A_515 {strides = array<i32>} : memref<4x128x32xf32, #tpu.memory_space<vmem>>, vector<16xf32>,
            %add3A_522 = arith.constant 5 : i32
            %add3A_523 = arith.addi %mul3A_304, %add3A_522 : i32
            %get3A_524 = arith.index_cast %select_n3A : i32 to index
            %get3A_525 = arith.index_cast %add3A_523 : i32 to index
            %get3A_526 = arith.constant 16 : index
            %get3A_527 = tpu.vector_load %arg17[%get3A_524, %get3A_525, %get3A_526] {strides = array<i32>} : memref<4x128x32xf32, #tpu.memory_space<vmem>>, vector<16xf32>,
            %mul3A_528 = arith.mulf %get3A_527, %gather3A_508 : vector<16xf32>
            %add3A_529 = arith.constant 5 : i32
            %add3A_530 = arith.addi %mul3A_304, %add3A_529 : i32
            %swap3A_531 = arith.index_cast %select_n3A : i32 to index
            %swap3A_532 = arith.index_cast %add3A_530 : i32 to index
            %swap3A_533 = arith.constant 16 : index
            %swap3A_534 = tpu.vector_load %arg17[%swap3A_531, %swap3A_532, %swap3A_533] {strides = array<i32>} : memref<4x128x32xf32, #tpu.memory_space<vmem>>, vector<16xf32>,
            tpu.vector_store %arg17[%swap3A_531, %swap3A_532, %swap3A_533], %mul3A_528 {strides = array<i32>} : memref<4x128x32xf32, #tpu.memory_space<vmem>>, vector<16xf32>,
            %broadcast_in_dim3A_535 = arith.constant 6 : i32
            %broadcast_in_dim3A_536 = vector.broadcast %broadcast_in_dim3A_535 : i32 to vector<16xi32>
            %lt3A_537 = arith.constant 0 : i32
            %lt3A_538 = vector.broadcast %lt3A_537 : i32 to vector<16xi32>
            %lt3A_539 = arith.cmpi slt, %broadcast_in_dim3A_536, %lt3A_538 : vector<16xi32>
            %add3A_540 = arith.constant 16 : i32
            %add3A_541 = vector.broadcast %add3A_540 : i32 to vector<16xi32>
            %add3A_542 = arith.addi %broadcast_in_dim3A_536, %add3A_541 : vector<16xi32>
            %select_n3A_543 = arith.select %lt3A_539, %add3A_542, %broadcast_in_dim3A_536 : vector<16xi1>, vector<16xi32>
            %broadcast_in_dim3A_544 = vector.shape_cast %select_n3A_543 : vector<16xi32> to vector<16x1xi32>
            %gather3A_545 = vector.shape_cast %broadcast_in_dim3A_544 : vector<16x1xi32> to vector<16xi32>
            %gather3A_546 = tpu.dynamic_gather %get3A_309[%gather3A_545] in [0] : vector<16xf32>, vector<16xi32> -> vector<16xf32>
            %add3A_547 = arith.constant 6 : i32
            %add3A_548 = arith.addi %mul3A_304, %add3A_547 : i32
            %get3A_549 = arith.index_cast %select_n3A : i32 to index
            %get3A_550 = arith.index_cast %add3A_548 : i32 to index
            %get3A_551 = arith.constant 0 : index
            %get3A_552 = tpu.vector_load %arg17[%get3A_549, %get3A_550, %get3A_551] {strides = array<i32>} : memref<4x128x32xf32, #tpu.memory_space<vmem>>, vector<16xf32>,
            %mul3A_553 = arith.mulf %get3A_552, %gather3A_546 : vector<16xf32>
            %add3A_554 = arith.constant 6 : i32
            %add3A_555 = arith.addi %mul3A_304, %add3A_554 : i32
            %swap3A_556 = arith.index_cast %select_n3A : i32 to index
            %swap3A_557 = arith.index_cast %add3A_555 : i32 to index
            %swap3A_558 = arith.constant 0 : index
            %swap3A_559 = tpu.vector_load %arg17[%swap3A_556, %swap3A_557, %swap3A_558] {strides = array<i32>} : memref<4x128x32xf32, #tpu.memory_space<vmem>>, vector<16xf32>,
            tpu.vector_store %arg17[%swap3A_556, %swap3A_557, %swap3A_558], %mul3A_553 {strides = array<i32>} : memref<4x128x32xf32, #tpu.memory_space<vmem>>, vector<16xf32>,
            %add3A_560 = arith.constant 6 : i32
            %add3A_561 = arith.addi %mul3A_304, %add3A_560 : i32
            %get3A_562 = arith.index_cast %select_n3A : i32 to index
            %get3A_563 = arith.index_cast %add3A_561 : i32 to index
            %get3A_564 = arith.constant 16 : index
            %get3A_565 = tpu.vector_load %arg17[%get3A_562, %get3A_563, %get3A_564] {strides = array<i32>} : memref<4x128x32xf32, #tpu.memory_space<vmem>>, vector<16xf32>,
            %mul3A_566 = arith.mulf %get3A_565, %gather3A_546 : vector<16xf32>
            %add3A_567 = arith.constant 6 : i32
            %add3A_568 = arith.addi %mul3A_304, %add3A_567 : i32
            %swap3A_569 = arith.index_cast %select_n3A : i32 to index
            %swap3A_570 = arith.index_cast %add3A_568 : i32 to index
            %swap3A_571 = arith.constant 16 : index
            %swap3A_572 = tpu.vector_load %arg17[%swap3A_569, %swap3A_570, %swap3A_571] {strides = array<i32>} : memref<4x128x32xf32, #tpu.memory_space<vmem>>, vector<16xf32>,
            tpu.vector_store %arg17[%swap3A_569, %swap3A_570, %swap3A_571], %mul3A_566 {strides = array<i32>} : memref<4x128x32xf32, #tpu.memory_space<vmem>>, vector<16xf32>,
            %broadcast_in_dim3A_573 = arith.constant 7 : i32
            %broadcast_in_dim3A_574 = vector.broadcast %broadcast_in_dim3A_573 : i32 to vector<16xi32>
            %lt3A_575 = arith.constant 0 : i32
            %lt3A_576 = vector.broadcast %lt3A_575 : i32 to vector<16xi32>
            %lt3A_577 = arith.cmpi slt, %broadcast_in_dim3A_574, %lt3A_576 : vector<16xi32>
            %add3A_578 = arith.constant 16 : i32
            %add3A_579 = vector.broadcast %add3A_578 : i32 to vector<16xi32>
            %add3A_580 = arith.addi %broadcast_in_dim3A_574, %add3A_579 : vector<16xi32>
            %select_n3A_581 = arith.select %lt3A_577, %add3A_580, %broadcast_in_dim3A_574 : vector<16xi1>, vector<16xi32>
            %broadcast_in_dim3A_582 = vector.shape_cast %select_n3A_581 : vector<16xi32> to vector<16x1xi32>
            %gather3A_583 = vector.shape_cast %broadcast_in_dim3A_582 : vector<16x1xi32> to vector<16xi32>
            %gather3A_584 = tpu.dynamic_gather %get3A_309[%gather3A_583] in [0] : vector<16xf32>, vector<16xi32> -> vector<16xf32>
            %add3A_585 = arith.constant 7 : i32
            %add3A_586 = arith.addi %mul3A_304, %add3A_585 : i32
            %get3A_587 = arith.index_cast %select_n3A : i32 to index
            %get3A_588 = arith.index_cast %add3A_586 : i32 to index
            %get3A_589 = arith.constant 0 : index
            %get3A_590 = tpu.vector_load %arg17[%get3A_587, %get3A_588, %get3A_589] {strides = array<i32>} : memref<4x128x32xf32, #tpu.memory_space<vmem>>, vector<16xf32>,
            %mul3A_591 = arith.mulf %get3A_590, %gather3A_584 : vector<16xf32>
            %add3A_592 = arith.constant 7 : i32
            %add3A_593 = arith.addi %mul3A_304, %add3A_592 : i32
            %swap3A_594 = arith.index_cast %select_n3A : i32 to index
            %swap3A_595 = arith.index_cast %add3A_593 : i32 to index
            %swap3A_596 = arith.constant 0 : index
            %swap3A_597 = tpu.vector_load %arg17[%swap3A_594, %swap3A_595, %swap3A_596] {strides = array<i32>} : memref<4x128x32xf32, #tpu.memory_space<vmem>>, vector<16xf32>,
            tpu.vector_store %arg17[%swap3A_594, %swap3A_595, %swap3A_596], %mul3A_591 {strides = array<i32>} : memref<4x128x32xf32, #tpu.memory_space<vmem>>, vector<16xf32>,
            %add3A_598 = arith.constant 7 : i32
            %add3A_599 = arith.addi %mul3A_304, %add3A_598 : i32
            %get3A_600 = arith.index_cast %select_n3A : i32 to index
            %get3A_601 = arith.index_cast %add3A_599 : i32 to index
            %get3A_602 = arith.constant 16 : index
            %get3A_603 = tpu.vector_load %arg17[%get3A_600, %get3A_601, %get3A_602] {strides = array<i32>} : memref<4x128x32xf32, #tpu.memory_space<vmem>>, vector<16xf32>,
            %mul3A_604 = arith.mulf %get3A_603, %gather3A_584 : vector<16xf32>
            %add3A_605 = arith.constant 7 : i32
            %add3A_606 = arith.addi %mul3A_304, %add3A_605 : i32
            %swap3A_607 = arith.index_cast %select_n3A : i32 to index
            %swap3A_608 = arith.index_cast %add3A_606 : i32 to index
            %swap3A_609 = arith.constant 16 : index
            %swap3A_610 = tpu.vector_load %arg17[%swap3A_607, %swap3A_608, %swap3A_609] {strides = array<i32>} : memref<4x128x32xf32, #tpu.memory_space<vmem>>, vector<16xf32>,
            tpu.vector_store %arg17[%swap3A_607, %swap3A_608, %swap3A_609], %mul3A_604 {strides = array<i32>} : memref<4x128x32xf32, #tpu.memory_space<vmem>>, vector<16xf32>,
            %broadcast_in_dim3A_611 = arith.constant 8 : i32
            %broadcast_in_dim3A_612 = vector.broadcast %broadcast_in_dim3A_611 : i32 to vector<16xi32>
            %lt3A_613 = arith.constant 0 : i32
            %lt3A_614 = vector.broadcast %lt3A_613 : i32 to vector<16xi32>
            %lt3A_615 = arith.cmpi slt, %broadcast_in_dim3A_612, %lt3A_614 : vector<16xi32>
            %add3A_616 = arith.constant 16 : i32
            %add3A_617 = vector.broadcast %add3A_616 : i32 to vector<16xi32>
            %add3A_618 = arith.addi %broadcast_in_dim3A_612, %add3A_617 : vector<16xi32>
            %select_n3A_619 = arith.select %lt3A_615, %add3A_618, %broadcast_in_dim3A_612 : vector<16xi1>, vector<16xi32>
            %broadcast_in_dim3A_620 = vector.shape_cast %select_n3A_619 : vector<16xi32> to vector<16x1xi32>
            %gather3A_621 = vector.shape_cast %broadcast_in_dim3A_620 : vector<16x1xi32> to vector<16xi32>
            %gather3A_622 = tpu.dynamic_gather %get3A_309[%gather3A_621] in [0] : vector<16xf32>, vector<16xi32> -> vector<16xf32>
            %add3A_623 = arith.constant 8 : i32
            %add3A_624 = arith.addi %mul3A_304, %add3A_623 : i32
            %get3A_625 = arith.index_cast %select_n3A : i32 to index
            %get3A_626 = arith.index_cast %add3A_624 : i32 to index
            %get3A_627 = arith.constant 0 : index
            %get3A_628 = tpu.vector_load %arg17[%get3A_625, %get3A_626, %get3A_627] {strides = array<i32>} : memref<4x128x32xf32, #tpu.memory_space<vmem>>, vector<16xf32>,
            %mul3A_629 = arith.mulf %get3A_628, %gather3A_622 : vector<16xf32>
            %add3A_630 = arith.constant 8 : i32
            %add3A_631 = arith.addi %mul3A_304, %add3A_630 : i32
            %swap3A_632 = arith.index_cast %select_n3A : i32 to index
            %swap3A_633 = arith.index_cast %add3A_631 : i32 to index
            %swap3A_634 = arith.constant 0 : index
            %swap3A_635 = tpu.vector_load %arg17[%swap3A_632, %swap3A_633, %swap3A_634] {strides = array<i32>} : memref<4x128x32xf32, #tpu.memory_space<vmem>>, vector<16xf32>,
            tpu.vector_store %arg17[%swap3A_632, %swap3A_633, %swap3A_634], %mul3A_629 {strides = array<i32>} : memref<4x128x32xf32, #tpu.memory_space<vmem>>, vector<16xf32>,
            %add3A_636 = arith.constant 8 : i32
            %add3A_637 = arith.addi %mul3A_304, %add3A_636 : i32
            %get3A_638 = arith.index_cast %select_n3A : i32 to index
            %get3A_639 = arith.index_cast %add3A_637 : i32 to index
            %get3A_640 = arith.constant 16 : index
            %get3A_641 = tpu.vector_load %arg17[%get3A_638, %get3A_639, %get3A_640] {strides = array<i32>} : memref<4x128x32xf32, #tpu.memory_space<vmem>>, vector<16xf32>,
            %mul3A_642 = arith.mulf %get3A_641, %gather3A_622 : vector<16xf32>
            %add3A_643 = arith.constant 8 : i32
            %add3A_644 = arith.addi %mul3A_304, %add3A_643 : i32
            %swap3A_645 = arith.index_cast %select_n3A : i32 to index
            %swap3A_646 = arith.index_cast %add3A_644 : i32 to index
            %swap3A_647 = arith.constant 16 : index
            %swap3A_648 = tpu.vector_load %arg17[%swap3A_645, %swap3A_646, %swap3A_647] {strides = array<i32>} : memref<4x128x32xf32, #tpu.memory_space<vmem>>, vector<16xf32>,
            tpu.vector_store %arg17[%swap3A_645, %swap3A_646, %swap3A_647], %mul3A_642 {strides = array<i32>} : memref<4x128x32xf32, #tpu.memory_space<vmem>>, vector<16xf32>,
            %broadcast_in_dim3A_649 = arith.constant 9 : i32
            %broadcast_in_dim3A_650 = vector.broadcast %broadcast_in_dim3A_649 : i32 to vector<16xi32>
            %lt3A_651 = arith.constant 0 : i32
            %lt3A_652 = vector.broadcast %lt3A_651 : i32 to vector<16xi32>
            %lt3A_653 = arith.cmpi slt, %broadcast_in_dim3A_650, %lt3A_652 : vector<16xi32>
            %add3A_654 = arith.constant 16 : i32
            %add3A_655 = vector.broadcast %add3A_654 : i32 to vector<16xi32>
            %add3A_656 = arith.addi %broadcast_in_dim3A_650, %add3A_655 : vector<16xi32>
            %select_n3A_657 = arith.select %lt3A_653, %add3A_656, %broadcast_in_dim3A_650 : vector<16xi1>, vector<16xi32>
            %broadcast_in_dim3A_658 = vector.shape_cast %select_n3A_657 : vector<16xi32> to vector<16x1xi32>
            %gather3A_659 = vector.shape_cast %broadcast_in_dim3A_658 : vector<16x1xi32> to vector<16xi32>
            %gather3A_660 = tpu.dynamic_gather %get3A_309[%gather3A_659] in [0] : vector<16xf32>, vector<16xi32> -> vector<16xf32>
            %add3A_661 = arith.constant 9 : i32
            %add3A_662 = arith.addi %mul3A_304, %add3A_661 : i32
            %get3A_663 = arith.index_cast %select_n3A : i32 to index
            %get3A_664 = arith.index_cast %add3A_662 : i32 to index
            %get3A_665 = arith.constant 0 : index
            %get3A_666 = tpu.vector_load %arg17[%get3A_663, %get3A_664, %get3A_665] {strides = array<i32>} : memref<4x128x32xf32, #tpu.memory_space<vmem>>, vector<16xf32>,
            %mul3A_667 = arith.mulf %get3A_666, %gather3A_660 : vector<16xf32>
            %add3A_668 = arith.constant 9 : i32
            %add3A_669 = arith.addi %mul3A_304, %add3A_668 : i32
            %swap3A_670 = arith.index_cast %select_n3A : i32 to index
            %swap3A_671 = arith.index_cast %add3A_669 : i32 to index
            %swap3A_672 = arith.constant 0 : index
            %swap3A_673 = tpu.vector_load %arg17[%swap3A_670, %swap3A_671, %swap3A_672] {strides = array<i32>} : memref<4x128x32xf32, #tpu.memory_space<vmem>>, vector<16xf32>,
            tpu.vector_store %arg17[%swap3A_670, %swap3A_671, %swap3A_672], %mul3A_667 {strides = array<i32>} : memref<4x128x32xf32, #tpu.memory_space<vmem>>, vector<16xf32>,
            %add3A_674 = arith.constant 9 : i32
            %add3A_675 = arith.addi %mul3A_304, %add3A_674 : i32
            %get3A_676 = arith.index_cast %select_n3A : i32 to index
            %get3A_677 = arith.index_cast %add3A_675 : i32 to index
            %get3A_678 = arith.constant 16 : index
            %get3A_679 = tpu.vector_load %arg17[%get3A_676, %get3A_677, %get3A_678] {strides = array<i32>} : memref<4x128x32xf32, #tpu.memory_space<vmem>>, vector<16xf32>,
            %mul3A_680 = arith.mulf %get3A_679, %gather3A_660 : vector<16xf32>
            %add3A_681 = arith.constant 9 : i32
            %add3A_682 = arith.addi %mul3A_304, %add3A_681 : i32
            %swap3A_683 = arith.index_cast %select_n3A : i32 to index
            %swap3A_684 = arith.index_cast %add3A_682 : i32 to index
            %swap3A_685 = arith.constant 16 : index
            %swap3A_686 = tpu.vector_load %arg17[%swap3A_683, %swap3A_684, %swap3A_685] {strides = array<i32>} : memref<4x128x32xf32, #tpu.memory_space<vmem>>, vector<16xf32>,
            tpu.vector_store %arg17[%swap3A_683, %swap3A_684, %swap3A_685], %mul3A_680 {strides = array<i32>} : memref<4x128x32xf32, #tpu.memory_space<vmem>>, vector<16xf32>,
            %broadcast_in_dim3A_687 = arith.constant 10 : i32
            %broadcast_in_dim3A_688 = vector.broadcast %broadcast_in_dim3A_687 : i32 to vector<16xi32>
            %lt3A_689 = arith.constant 0 : i32
            %lt3A_690 = vector.broadcast %lt3A_689 : i32 to vector<16xi32>
            %lt3A_691 = arith.cmpi slt, %broadcast_in_dim3A_688, %lt3A_690 : vector<16xi32>
            %add3A_692 = arith.constant 16 : i32
            %add3A_693 = vector.broadcast %add3A_692 : i32 to vector<16xi32>
            %add3A_694 = arith.addi %broadcast_in_dim3A_688, %add3A_693 : vector<16xi32>
            %select_n3A_695 = arith.select %lt3A_691, %add3A_694, %broadcast_in_dim3A_688 : vector<16xi1>, vector<16xi32>
            %broadcast_in_dim3A_696 = vector.shape_cast %select_n3A_695 : vector<16xi32> to vector<16x1xi32>
            %gather3A_697 = vector.shape_cast %broadcast_in_dim3A_696 : vector<16x1xi32> to vector<16xi32>
            %gather3A_698 = tpu.dynamic_gather %get3A_309[%gather3A_697] in [0] : vector<16xf32>, vector<16xi32> -> vector<16xf32>
            %add3A_699 = arith.constant 10 : i32
            %add3A_700 = arith.addi %mul3A_304, %add3A_699 : i32
            %get3A_701 = arith.index_cast %select_n3A : i32 to index
            %get3A_702 = arith.index_cast %add3A_700 : i32 to index
            %get3A_703 = arith.constant 0 : index
            %get3A_704 = tpu.vector_load %arg17[%get3A_701, %get3A_702, %get3A_703] {strides = array<i32>} : memref<4x128x32xf32, #tpu.memory_space<vmem>>, vector<16xf32>,
            %mul3A_705 = arith.mulf %get3A_704, %gather3A_698 : vector<16xf32>
            %add3A_706 = arith.constant 10 : i32
            %add3A_707 = arith.addi %mul3A_304, %add3A_706 : i32
            %swap3A_708 = arith.index_cast %select_n3A : i32 to index
            %swap3A_709 = arith.index_cast %add3A_707 : i32 to index
            %swap3A_710 = arith.constant 0 : index
            %swap3A_711 = tpu.vector_load %arg17[%swap3A_708, %swap3A_709, %swap3A_710] {strides = array<i32>} : memref<4x128x32xf32, #tpu.memory_space<vmem>>, vector<16xf32>,
            tpu.vector_store %arg17[%swap3A_708, %swap3A_709, %swap3A_710], %mul3A_705 {strides = array<i32>} : memref<4x128x32xf32, #tpu.memory_space<vmem>>, vector<16xf32>,
            %add3A_712 = arith.constant 10 : i32
            %add3A_713 = arith.addi %mul3A_304, %add3A_712 : i32
            %get3A_714 = arith.index_cast %select_n3A : i32 to index
            %get3A_715 = arith.index_cast %add3A_713 : i32 to index
            %get3A_716 = arith.constant 16 : index
            %get3A_717 = tpu.vector_load %arg17[%get3A_714, %get3A_715, %get3A_716] {strides = array<i32>} : memref<4x128x32xf32, #tpu.memory_space<vmem>>, vector<16xf32>,
            %mul3A_718 = arith.mulf %get3A_717, %gather3A_698 : vector<16xf32>
            %add3A_719 = arith.constant 10 : i32
            %add3A_720 = arith.addi %mul3A_304, %add3A_719 : i32
            %swap3A_721 = arith.index_cast %select_n3A : i32 to index
            %swap3A_722 = arith.index_cast %add3A_720 : i32 to index
            %swap3A_723 = arith.constant 16 : index
            %swap3A_724 = tpu.vector_load %arg17[%swap3A_721, %swap3A_722, %swap3A_723] {strides = array<i32>} : memref<4x128x32xf32, #tpu.memory_space<vmem>>, vector<16xf32>,
            tpu.vector_store %arg17[%swap3A_721, %swap3A_722, %swap3A_723], %mul3A_718 {strides = array<i32>} : memref<4x128x32xf32, #tpu.memory_space<vmem>>, vector<16xf32>,
            %broadcast_in_dim3A_725 = arith.constant 11 : i32
            %broadcast_in_dim3A_726 = vector.broadcast %broadcast_in_dim3A_725 : i32 to vector<16xi32>
            %lt3A_727 = arith.constant 0 : i32
            %lt3A_728 = vector.broadcast %lt3A_727 : i32 to vector<16xi32>
            %lt3A_729 = arith.cmpi slt, %broadcast_in_dim3A_726, %lt3A_728 : vector<16xi32>
            %add3A_730 = arith.constant 16 : i32
            %add3A_731 = vector.broadcast %add3A_730 : i32 to vector<16xi32>
            %add3A_732 = arith.addi %broadcast_in_dim3A_726, %add3A_731 : vector<16xi32>
            %select_n3A_733 = arith.select %lt3A_729, %add3A_732, %broadcast_in_dim3A_726 : vector<16xi1>, vector<16xi32>
            %broadcast_in_dim3A_734 = vector.shape_cast %select_n3A_733 : vector<16xi32> to vector<16x1xi32>
            %gather3A_735 = vector.shape_cast %broadcast_in_dim3A_734 : vector<16x1xi32> to vector<16xi32>
            %gather3A_736 = tpu.dynamic_gather %get3A_309[%gather3A_735] in [0] : vector<16xf32>, vector<16xi32> -> vector<16xf32>
            %add3A_737 = arith.constant 11 : i32
            %add3A_738 = arith.addi %mul3A_304, %add3A_737 : i32
            %get3A_739 = arith.index_cast %select_n3A : i32 to index
            %get3A_740 = arith.index_cast %add3A_738 : i32 to index
            %get3A_741 = arith.constant 0 : index
            %get3A_742 = tpu.vector_load %arg17[%get3A_739, %get3A_740, %get3A_741] {strides = array<i32>} : memref<4x128x32xf32, #tpu.memory_space<vmem>>, vector<16xf32>,
            %mul3A_743 = arith.mulf %get3A_742, %gather3A_736 : vector<16xf32>
            %add3A_744 = arith.constant 11 : i32
            %add3A_745 = arith.addi %mul3A_304, %add3A_744 : i32
            %swap3A_746 = arith.index_cast %select_n3A : i32 to index
            %swap3A_747 = arith.index_cast %add3A_745 : i32 to index
            %swap3A_748 = arith.constant 0 : index
            %swap3A_749 = tpu.vector_load %arg17[%swap3A_746, %swap3A_747, %swap3A_748] {strides = array<i32>} : memref<4x128x32xf32, #tpu.memory_space<vmem>>, vector<16xf32>,
            tpu.vector_store %arg17[%swap3A_746, %swap3A_747, %swap3A_748], %mul3A_743 {strides = array<i32>} : memref<4x128x32xf32, #tpu.memory_space<vmem>>, vector<16xf32>,
            %add3A_750 = arith.constant 11 : i32
            %add3A_751 = arith.addi %mul3A_304, %add3A_750 : i32
            %get3A_752 = arith.index_cast %select_n3A : i32 to index
            %get3A_753 = arith.index_cast %add3A_751 : i32 to index
            %get3A_754 = arith.constant 16 : index
            %get3A_755 = tpu.vector_load %arg17[%get3A_752, %get3A_753, %get3A_754] {strides = array<i32>} : memref<4x128x32xf32, #tpu.memory_space<vmem>>, vector<16xf32>,
            %mul3A_756 = arith.mulf %get3A_755, %gather3A_736 : vector<16xf32>
            %add3A_757 = arith.constant 11 : i32
            %add3A_758 = arith.addi %mul3A_304, %add3A_757 : i32
            %swap3A_759 = arith.index_cast %select_n3A : i32 to index
            %swap3A_760 = arith.index_cast %add3A_758 : i32 to index
            %swap3A_761 = arith.constant 16 : index
            %swap3A_762 = tpu.vector_load %arg17[%swap3A_759, %swap3A_760, %swap3A_761] {strides = array<i32>} : memref<4x128x32xf32, #tpu.memory_space<vmem>>, vector<16xf32>,
            tpu.vector_store %arg17[%swap3A_759, %swap3A_760, %swap3A_761], %mul3A_756 {strides = array<i32>} : memref<4x128x32xf32, #tpu.memory_space<vmem>>, vector<16xf32>,
            %broadcast_in_dim3A_763 = arith.constant 12 : i32
            %broadcast_in_dim3A_764 = vector.broadcast %broadcast_in_dim3A_763 : i32 to vector<16xi32>
            %lt3A_765 = arith.constant 0 : i32
            %lt3A_766 = vector.broadcast %lt3A_765 : i32 to vector<16xi32>
            %lt3A_767 = arith.cmpi slt, %broadcast_in_dim3A_764, %lt3A_766 : vector<16xi32>
            %add3A_768 = arith.constant 16 : i32
            %add3A_769 = vector.broadcast %add3A_768 : i32 to vector<16xi32>
            %add3A_770 = arith.addi %broadcast_in_dim3A_764, %add3A_769 : vector<16xi32>
            %select_n3A_771 = arith.select %lt3A_767, %add3A_770, %broadcast_in_dim3A_764 : vector<16xi1>, vector<16xi32>
            %broadcast_in_dim3A_772 = vector.shape_cast %select_n3A_771 : vector<16xi32> to vector<16x1xi32>
            %gather3A_773 = vector.shape_cast %broadcast_in_dim3A_772 : vector<16x1xi32> to vector<16xi32>
            %gather3A_774 = tpu.dynamic_gather %get3A_309[%gather3A_773] in [0] : vector<16xf32>, vector<16xi32> -> vector<16xf32>
            %add3A_775 = arith.constant 12 : i32
            %add3A_776 = arith.addi %mul3A_304, %add3A_775 : i32
            %get3A_777 = arith.index_cast %select_n3A : i32 to index
            %get3A_778 = arith.index_cast %add3A_776 : i32 to index
            %get3A_779 = arith.constant 0 : index
            %get3A_780 = tpu.vector_load %arg17[%get3A_777, %get3A_778, %get3A_779] {strides = array<i32>} : memref<4x128x32xf32, #tpu.memory_space<vmem>>, vector<16xf32>,
            %mul3A_781 = arith.mulf %get3A_780, %gather3A_774 : vector<16xf32>
            %add3A_782 = arith.constant 12 : i32
            %add3A_783 = arith.addi %mul3A_304, %add3A_782 : i32
            %swap3A_784 = arith.index_cast %select_n3A : i32 to index
            %swap3A_785 = arith.index_cast %add3A_783 : i32 to index
            %swap3A_786 = arith.constant 0 : index
            %swap3A_787 = tpu.vector_load %arg17[%swap3A_784, %swap3A_785, %swap3A_786] {strides = array<i32>} : memref<4x128x32xf32, #tpu.memory_space<vmem>>, vector<16xf32>,
            tpu.vector_store %arg17[%swap3A_784, %swap3A_785, %swap3A_786], %mul3A_781 {strides = array<i32>} : memref<4x128x32xf32, #tpu.memory_space<vmem>>, vector<16xf32>,
            %add3A_788 = arith.constant 12 : i32
            %add3A_789 = arith.addi %mul3A_304, %add3A_788 : i32
            %get3A_790 = arith.index_cast %select_n3A : i32 to index
            %get3A_791 = arith.index_cast %add3A_789 : i32 to index
            %get3A_792 = arith.constant 16 : index
            %get3A_793 = tpu.vector_load %arg17[%get3A_790, %get3A_791, %get3A_792] {strides = array<i32>} : memref<4x128x32xf32, #tpu.memory_space<vmem>>, vector<16xf32>,
            %mul3A_794 = arith.mulf %get3A_793, %gather3A_774 : vector<16xf32>
            %add3A_795 = arith.constant 12 : i32
            %add3A_796 = arith.addi %mul3A_304, %add3A_795 : i32
            %swap3A_797 = arith.index_cast %select_n3A : i32 to index
            %swap3A_798 = arith.index_cast %add3A_796 : i32 to index
            %swap3A_799 = arith.constant 16 : index
            %swap3A_800 = tpu.vector_load %arg17[%swap3A_797, %swap3A_798, %swap3A_799] {strides = array<i32>} : memref<4x128x32xf32, #tpu.memory_space<vmem>>, vector<16xf32>,
            tpu.vector_store %arg17[%swap3A_797, %swap3A_798, %swap3A_799], %mul3A_794 {strides = array<i32>} : memref<4x128x32xf32, #tpu.memory_space<vmem>>, vector<16xf32>,
            %broadcast_in_dim3A_801 = arith.constant 13 : i32
            %broadcast_in_dim3A_802 = vector.broadcast %broadcast_in_dim3A_801 : i32 to vector<16xi32>
            %lt3A_803 = arith.constant 0 : i32
            %lt3A_804 = vector.broadcast %lt3A_803 : i32 to vector<16xi32>
            %lt3A_805 = arith.cmpi slt, %broadcast_in_dim3A_802, %lt3A_804 : vector<16xi32>
            %add3A_806 = arith.constant 16 : i32
            %add3A_807 = vector.broadcast %add3A_806 : i32 to vector<16xi32>
            %add3A_808 = arith.addi %broadcast_in_dim3A_802, %add3A_807 : vector<16xi32>
            %select_n3A_809 = arith.select %lt3A_805, %add3A_808, %broadcast_in_dim3A_802 : vector<16xi1>, vector<16xi32>
            %broadcast_in_dim3A_810 = vector.shape_cast %select_n3A_809 : vector<16xi32> to vector<16x1xi32>
            %gather3A_811 = vector.shape_cast %broadcast_in_dim3A_810 : vector<16x1xi32> to vector<16xi32>
            %gather3A_812 = tpu.dynamic_gather %get3A_309[%gather3A_811] in [0] : vector<16xf32>, vector<16xi32> -> vector<16xf32>
            %add3A_813 = arith.constant 13 : i32
            %add3A_814 = arith.addi %mul3A_304, %add3A_813 : i32
            %get3A_815 = arith.index_cast %select_n3A : i32 to index
            %get3A_816 = arith.index_cast %add3A_814 : i32 to index
            %get3A_817 = arith.constant 0 : index
            %get3A_818 = tpu.vector_load %arg17[%get3A_815, %get3A_816, %get3A_817] {strides = array<i32>} : memref<4x128x32xf32, #tpu.memory_space<vmem>>, vector<16xf32>,
            %mul3A_819 = arith.mulf %get3A_818, %gather3A_812 : vector<16xf32>
            %add3A_820 = arith.constant 13 : i32
            %add3A_821 = arith.addi %mul3A_304, %add3A_820 : i32
            %swap3A_822 = arith.index_cast %select_n3A : i32 to index
            %swap3A_823 = arith.index_cast %add3A_821 : i32 to index
            %swap3A_824 = arith.constant 0 : index
            %swap3A_825 = tpu.vector_load %arg17[%swap3A_822, %swap3A_823, %swap3A_824] {strides = array<i32>} : memref<4x128x32xf32, #tpu.memory_space<vmem>>, vector<16xf32>,
            tpu.vector_store %arg17[%swap3A_822, %swap3A_823, %swap3A_824], %mul3A_819 {strides = array<i32>} : memref<4x128x32xf32, #tpu.memory_space<vmem>>, vector<16xf32>,
            %add3A_826 = arith.constant 13 : i32
            %add3A_827 = arith.addi %mul3A_304, %add3A_826 : i32
            %get3A_828 = arith.index_cast %select_n3A : i32 to index
            %get3A_829 = arith.index_cast %add3A_827 : i32 to index
            %get3A_830 = arith.constant 16 : index
            %get3A_831 = tpu.vector_load %arg17[%get3A_828, %get3A_829, %get3A_830] {strides = array<i32>} : memref<4x128x32xf32, #tpu.memory_space<vmem>>, vector<16xf32>,
            %mul3A_832 = arith.mulf %get3A_831, %gather3A_812 : vector<16xf32>
            %add3A_833 = arith.constant 13 : i32
            %add3A_834 = arith.addi %mul3A_304, %add3A_833 : i32
            %swap3A_835 = arith.index_cast %select_n3A : i32 to index
            %swap3A_836 = arith.index_cast %add3A_834 : i32 to index
            %swap3A_837 = arith.constant 16 : index
            %swap3A_838 = tpu.vector_load %arg17[%swap3A_835, %swap3A_836, %swap3A_837] {strides = array<i32>} : memref<4x128x32xf32, #tpu.memory_space<vmem>>, vector<16xf32>,
            tpu.vector_store %arg17[%swap3A_835, %swap3A_836, %swap3A_837], %mul3A_832 {strides = array<i32>} : memref<4x128x32xf32, #tpu.memory_space<vmem>>, vector<16xf32>,
            %broadcast_in_dim3A_839 = arith.constant 14 : i32
            %broadcast_in_dim3A_840 = vector.broadcast %broadcast_in_dim3A_839 : i32 to vector<16xi32>
            %lt3A_841 = arith.constant 0 : i32
            %lt3A_842 = vector.broadcast %lt3A_841 : i32 to vector<16xi32>
            %lt3A_843 = arith.cmpi slt, %broadcast_in_dim3A_840, %lt3A_842 : vector<16xi32>
            %add3A_844 = arith.constant 16 : i32
            %add3A_845 = vector.broadcast %add3A_844 : i32 to vector<16xi32>
            %add3A_846 = arith.addi %broadcast_in_dim3A_840, %add3A_845 : vector<16xi32>
            %select_n3A_847 = arith.select %lt3A_843, %add3A_846, %broadcast_in_dim3A_840 : vector<16xi1>, vector<16xi32>
            %broadcast_in_dim3A_848 = vector.shape_cast %select_n3A_847 : vector<16xi32> to vector<16x1xi32>
            %gather3A_849 = vector.shape_cast %broadcast_in_dim3A_848 : vector<16x1xi32> to vector<16xi32>
            %gather3A_850 = tpu.dynamic_gather %get3A_309[%gather3A_849] in [0] : vector<16xf32>, vector<16xi32> -> vector<16xf32>
            %add3A_851 = arith.constant 14 : i32
            %add3A_852 = arith.addi %mul3A_304, %add3A_851 : i32
            %get3A_853 = arith.index_cast %select_n3A : i32 to index
            %get3A_854 = arith.index_cast %add3A_852 : i32 to index
            %get3A_855 = arith.constant 0 : index
            %get3A_856 = tpu.vector_load %arg17[%get3A_853, %get3A_854, %get3A_855] {strides = array<i32>} : memref<4x128x32xf32, #tpu.memory_space<vmem>>, vector<16xf32>,
            %mul3A_857 = arith.mulf %get3A_856, %gather3A_850 : vector<16xf32>
            %add3A_858 = arith.constant 14 : i32
            %add3A_859 = arith.addi %mul3A_304, %add3A_858 : i32
            %swap3A_860 = arith.index_cast %select_n3A : i32 to index
            %swap3A_861 = arith.index_cast %add3A_859 : i32 to index
            %swap3A_862 = arith.constant 0 : index
            %swap3A_863 = tpu.vector_load %arg17[%swap3A_860, %swap3A_861, %swap3A_862] {strides = array<i32>} : memref<4x128x32xf32, #tpu.memory_space<vmem>>, vector<16xf32>,
            tpu.vector_store %arg17[%swap3A_860, %swap3A_861, %swap3A_862], %mul3A_857 {strides = array<i32>} : memref<4x128x32xf32, #tpu.memory_space<vmem>>, vector<16xf32>,
            %add3A_864 = arith.constant 14 : i32
            %add3A_865 = arith.addi %mul3A_304, %add3A_864 : i32
            %get3A_866 = arith.index_cast %select_n3A : i32 to index
            %get3A_867 = arith.index_cast %add3A_865 : i32 to index
            %get3A_868 = arith.constant 16 : index
            %get3A_869 = tpu.vector_load %arg17[%get3A_866, %get3A_867, %get3A_868] {strides = array<i32>} : memref<4x128x32xf32, #tpu.memory_space<vmem>>, vector<16xf32>,
            %mul3A_870 = arith.mulf %get3A_869, %gather3A_850 : vector<16xf32>
            %add3A_871 = arith.constant 14 : i32
            %add3A_872 = arith.addi %mul3A_304, %add3A_871 : i32
            %swap3A_873 = arith.index_cast %select_n3A : i32 to index
            %swap3A_874 = arith.index_cast %add3A_872 : i32 to index
            %swap3A_875 = arith.constant 16 : index
            %swap3A_876 = tpu.vector_load %arg17[%swap3A_873, %swap3A_874, %swap3A_875] {strides = array<i32>} : memref<4x128x32xf32, #tpu.memory_space<vmem>>, vector<16xf32>,
            tpu.vector_store %arg17[%swap3A_873, %swap3A_874, %swap3A_875], %mul3A_870 {strides = array<i32>} : memref<4x128x32xf32, #tpu.memory_space<vmem>>, vector<16xf32>,
            %broadcast_in_dim3A_877 = arith.constant 15 : i32
            %broadcast_in_dim3A_878 = vector.broadcast %broadcast_in_dim3A_877 : i32 to vector<16xi32>
            %lt3A_879 = arith.constant 0 : i32
            %lt3A_880 = vector.broadcast %lt3A_879 : i32 to vector<16xi32>
            %lt3A_881 = arith.cmpi slt, %broadcast_in_dim3A_878, %lt3A_880 : vector<16xi32>
            %add3A_882 = arith.constant 16 : i32
            %add3A_883 = vector.broadcast %add3A_882 : i32 to vector<16xi32>
            %add3A_884 = arith.addi %broadcast_in_dim3A_878, %add3A_883 : vector<16xi32>
            %select_n3A_885 = arith.select %lt3A_881, %add3A_884, %broadcast_in_dim3A_878 : vector<16xi1>, vector<16xi32>
            %broadcast_in_dim3A_886 = vector.shape_cast %select_n3A_885 : vector<16xi32> to vector<16x1xi32>
            %gather3A_887 = vector.shape_cast %broadcast_in_dim3A_886 : vector<16x1xi32> to vector<16xi32>
            %gather3A_888 = tpu.dynamic_gather %get3A_309[%gather3A_887] in [0] : vector<16xf32>, vector<16xi32> -> vector<16xf32>
            %add3A_889 = arith.constant 15 : i32
            %add3A_890 = arith.addi %mul3A_304, %add3A_889 : i32
            %get3A_891 = arith.index_cast %select_n3A : i32 to index
            %get3A_892 = arith.index_cast %add3A_890 : i32 to index
            %get3A_893 = arith.constant 0 : index
            %get3A_894 = tpu.vector_load %arg17[%get3A_891, %get3A_892, %get3A_893] {strides = array<i32>} : memref<4x128x32xf32, #tpu.memory_space<vmem>>, vector<16xf32>,
            %mul3A_895 = arith.mulf %get3A_894, %gather3A_888 : vector<16xf32>
            %add3A_896 = arith.constant 15 : i32
            %add3A_897 = arith.addi %mul3A_304, %add3A_896 : i32
            %swap3A_898 = arith.index_cast %select_n3A : i32 to index
            %swap3A_899 = arith.index_cast %add3A_897 : i32 to index
            %swap3A_900 = arith.constant 0 : index
            %swap3A_901 = tpu.vector_load %arg17[%swap3A_898, %swap3A_899, %swap3A_900] {strides = array<i32>} : memref<4x128x32xf32, #tpu.memory_space<vmem>>, vector<16xf32>,
            tpu.vector_store %arg17[%swap3A_898, %swap3A_899, %swap3A_900], %mul3A_895 {strides = array<i32>} : memref<4x128x32xf32, #tpu.memory_space<vmem>>, vector<16xf32>,
            %add3A_902 = arith.constant 15 : i32
            %add3A_903 = arith.addi %mul3A_304, %add3A_902 : i32
            %get3A_904 = arith.index_cast %select_n3A : i32 to index
            %get3A_905 = arith.index_cast %add3A_903 : i32 to index
            %get3A_906 = arith.constant 16 : index
            %get3A_907 = tpu.vector_load %arg17[%get3A_904, %get3A_905, %get3A_906] {strides = array<i32>} : memref<4x128x32xf32, #tpu.memory_space<vmem>>, vector<16xf32>,
            %mul3A_908 = arith.mulf %get3A_907, %gather3A_888 : vector<16xf32>
            %add3A_909 = arith.constant 15 : i32
            %add3A_910 = arith.addi %mul3A_304, %add3A_909 : i32
            %swap3A_911 = arith.index_cast %select_n3A : i32 to index
            %swap3A_912 = arith.index_cast %add3A_910 : i32 to index
            %swap3A_913 = arith.constant 16 : index
            %swap3A_914 = tpu.vector_load %arg17[%swap3A_911, %swap3A_912, %swap3A_913] {strides = array<i32>} : memref<4x128x32xf32, #tpu.memory_space<vmem>>, vector<16xf32>,
            tpu.vector_store %arg17[%swap3A_911, %swap3A_912, %swap3A_913], %mul3A_908 {strides = array<i32>} : memref<4x128x32xf32, #tpu.memory_space<vmem>>, vector<16xf32>,
          }
          %scan3A_166 = arith.constant 32 : i32
          %mul3A_167 = arith.constant 4 : i32
          %mul3A_168 = arith.muli %scan3A_58, %mul3A_167 : i32
          %add3A_169 = arith.constant 0 : i32
          %add3A_170 = arith.addi %mul3A_168, %add3A_169 : i32
          %dma_start3A_171 = arith.constant 0 : i32
          %dma_start3A_172 = arith.constant 0 : i32
          %dma_start3A_173 = arith.constant 0 : i32
          %dma_start3A_174 = tpu.memref_slice %arg17[%dma_start3A_171, %dma_start3A_172, %dma_start3A_173] : memref<4x128x32xf32, #tpu.memory_space<vmem>> -> memref<1x128x32xf32, #tpu.memory_space<vmem>>
          %dma_start3A_175 = tpu.memref_squeeze %dma_start3A_174 : memref<1x128x32xf32, #tpu.memory_space<vmem>> -> memref<128x32xf32, #tpu.memory_space<vmem>>
          %dma_start3A_176 = arith.constant 0 : i32
          %dma_start3A_177 = tpu.memref_slice %arg13[%add3A_170, %dma_start3A_176] : memref<8x128xi32, #tpu.memory_space<vmem>> -> memref<1x128xi32, #tpu.memory_space<vmem>>
          %dma_start3A_178 = tpu.memref_squeeze %dma_start3A_177 : memref<1x128xi32, #tpu.memory_space<vmem>> -> memref<128xi32, #tpu.memory_space<vmem>>
          %dma_start3A_179 = arith.constant 0 : i32
          %dma_start3A_180 = arith.constant 0 : i32
          %dma_start3A_181 = tpu.memref_slice %arg20[%dma_start3A_179, %dma_start3A_180] : memref<50000x32xf32, #tpu.memory_space<vmem_shared>> -> memref<50000x32xf32, #tpu.memory_space<vmem_shared>>
          tpu.enqueue_indirect_dma source(%dma_start3A_175 : memref<128x32xf32, #tpu.memory_space<vmem>>) target(%dma_start3A_181 : memref<50000x32xf32, #tpu.memory_space<vmem_shared>>) offsets(%dma_start3A_178 : memref<128xi32, #tpu.memory_space<vmem>>) semaphore(%arg22 : memref<!tpu.dma_semaphore, #tpu.memory_space<semaphore_mem>>) {add = true}
          %mul3A_182 = arith.constant 4 : i32
          %mul3A_183 = arith.muli %scan3A_58, %mul3A_182 : i32
          %add3A_184 = arith.constant 1 : i32
          %add3A_185 = arith.addi %mul3A_183, %add3A_184 : i32
          %dma_start3A_186 = arith.constant 1 : i32
          %dma_start3A_187 = arith.constant 0 : i32
          %dma_start3A_188 = arith.constant 0 : i32
          %dma_start3A_189 = tpu.memref_slice %arg17[%dma_start3A_186, %dma_start3A_187, %dma_start3A_188] : memref<4x128x32xf32, #tpu.memory_space<vmem>> -> memref<1x128x32xf32, #tpu.memory_space<vmem>>
          %dma_start3A_190 = tpu.memref_squeeze %dma_start3A_189 : memref<1x128x32xf32, #tpu.memory_space<vmem>> -> memref<128x32xf32, #tpu.memory_space<vmem>>
          %dma_start3A_191 = arith.constant 0 : i32
          %dma_start3A_192 = tpu.memref_slice %arg13[%add3A_185, %dma_start3A_191] : memref<8x128xi32, #tpu.memory_space<vmem>> -> memref<1x128xi32, #tpu.memory_space<vmem>>
          %dma_start3A_193 = tpu.memref_squeeze %dma_start3A_192 : memref<1x128xi32, #tpu.memory_space<vmem>> -> memref<128xi32, #tpu.memory_space<vmem>>
          %dma_start3A_194 = arith.constant 0 : i32
          %dma_start3A_195 = arith.constant 0 : i32
          %dma_start3A_196 = tpu.memref_slice %arg20[%dma_start3A_194, %dma_start3A_195] : memref<50000x32xf32, #tpu.memory_space<vmem_shared>> -> memref<50000x32xf32, #tpu.memory_space<vmem_shared>>
          tpu.enqueue_indirect_dma source(%dma_start3A_190 : memref<128x32xf32, #tpu.memory_space<vmem>>) target(%dma_start3A_196 : memref<50000x32xf32, #tpu.memory_space<vmem_shared>>) offsets(%dma_start3A_193 : memref<128xi32, #tpu.memory_space<vmem>>) semaphore(%arg22 : memref<!tpu.dma_semaphore, #tpu.memory_space<semaphore_mem>>) {add = true}
          %mul3A_197 = arith.constant 4 : i32
          %mul3A_198 = arith.muli %scan3A_58, %mul3A_197 : i32
          %add3A_199 = arith.constant 2 : i32
          %add3A_200 = arith.addi %mul3A_198, %add3A_199 : i32
          %dma_start3A_201 = arith.constant 2 : i32
          %dma_start3A_202 = arith.constant 0 : i32
          %dma_start3A_203 = arith.constant 0 : i32
          %dma_start3A_204 = tpu.memref_slice %arg17[%dma_start3A_201, %dma_start3A_202, %dma_start3A_203] : memref<4x128x32xf32, #tpu.memory_space<vmem>> -> memref<1x128x32xf32, #tpu.memory_space<vmem>>
          %dma_start3A_205 = tpu.memref_squeeze %dma_start3A_204 : memref<1x128x32xf32, #tpu.memory_space<vmem>> -> memref<128x32xf32, #tpu.memory_space<vmem>>
          %dma_start3A_206 = arith.constant 0 : i32
          %dma_start3A_207 = tpu.memref_slice %arg13[%add3A_200, %dma_start3A_206] : memref<8x128xi32, #tpu.memory_space<vmem>> -> memref<1x128xi32, #tpu.memory_space<vmem>>
          %dma_start3A_208 = tpu.memref_squeeze %dma_start3A_207 : memref<1x128xi32, #tpu.memory_space<vmem>> -> memref<128xi32, #tpu.memory_space<vmem>>
          %dma_start3A_209 = arith.constant 0 : i32
          %dma_start3A_210 = arith.constant 0 : i32
          %dma_start3A_211 = tpu.memref_slice %arg20[%dma_start3A_209, %dma_start3A_210] : memref<50000x32xf32, #tpu.memory_space<vmem_shared>> -> memref<50000x32xf32, #tpu.memory_space<vmem_shared>>
          tpu.enqueue_indirect_dma source(%dma_start3A_205 : memref<128x32xf32, #tpu.memory_space<vmem>>) target(%dma_start3A_211 : memref<50000x32xf32, #tpu.memory_space<vmem_shared>>) offsets(%dma_start3A_208 : memref<128xi32, #tpu.memory_space<vmem>>) semaphore(%arg22 : memref<!tpu.dma_semaphore, #tpu.memory_space<semaphore_mem>>) {add = true}
          %mul3A_212 = arith.constant 4 : i32
          %mul3A_213 = arith.muli %scan3A_58, %mul3A_212 : i32
          %add3A_214 = arith.constant 3 : i32
          %add3A_215 = arith.addi %mul3A_213, %add3A_214 : i32
          %dma_start3A_216 = arith.constant 3 : i32
          %dma_start3A_217 = arith.constant 0 : i32
          %dma_start3A_218 = arith.constant 0 : i32
          %dma_start3A_219 = tpu.memref_slice %arg17[%dma_start3A_216, %dma_start3A_217, %dma_start3A_218] : memref<4x128x32xf32, #tpu.memory_space<vmem>> -> memref<1x128x32xf32, #tpu.memory_space<vmem>>
          %dma_start3A_220 = tpu.memref_squeeze %dma_start3A_219 : memref<1x128x32xf32, #tpu.memory_space<vmem>> -> memref<128x32xf32, #tpu.memory_space<vmem>>
          %dma_start3A_221 = arith.constant 0 : i32
          %dma_start3A_222 = tpu.memref_slice %arg13[%add3A_215, %dma_start3A_221] : memref<8x128xi32, #tpu.memory_space<vmem>> -> memref<1x128xi32, #tpu.memory_space<vmem>>
          %dma_start3A_223 = tpu.memref_squeeze %dma_start3A_222 : memref<1x128xi32, #tpu.memory_space<vmem>> -> memref<128xi32, #tpu.memory_space<vmem>>
          %dma_start3A_224 = arith.constant 0 : i32
          %dma_start3A_225 = arith.constant 0 : i32
          %dma_start3A_226 = tpu.memref_slice %arg20[%dma_start3A_224, %dma_start3A_225] : memref<50000x32xf32, #tpu.memory_space<vmem_shared>> -> memref<50000x32xf32, #tpu.memory_space<vmem_shared>>
          tpu.enqueue_indirect_dma source(%dma_start3A_220 : memref<128x32xf32, #tpu.memory_space<vmem>>) target(%dma_start3A_226 : memref<50000x32xf32, #tpu.memory_space<vmem_shared>>) offsets(%dma_start3A_223 : memref<128xi32, #tpu.memory_space<vmem>>) semaphore(%arg22 : memref<!tpu.dma_semaphore, #tpu.memory_space<semaphore_mem>>) {add = true}
          %dma_wait3A_227 = arith.constant 0 : i32
          %dma_wait3A_228 = arith.constant 0 : i32
          %dma_wait3A_229 = arith.constant 0 : i32
          %dma_wait3A_230 = tpu.memref_slice %arg17[%dma_wait3A_227, %dma_wait3A_228, %dma_wait3A_229] : memref<4x128x32xf32, #tpu.memory_space<vmem>> -> memref<1x128x32xf32, #tpu.memory_space<vmem>>
          %dma_wait3A_231 = tpu.memref_squeeze %dma_wait3A_230 : memref<1x128x32xf32, #tpu.memory_space<vmem>> -> memref<128x32xf32, #tpu.memory_space<vmem>>
          %dma_wait3A_232 = arith.constant 0 : i32
          %dma_wait3A_233 = tpu.memref_slice %arg13[%add3A_170, %dma_wait3A_232] : memref<8x128xi32, #tpu.memory_space<vmem>> -> memref<1x128xi32, #tpu.memory_space<vmem>>
          %dma_wait3A_234 = tpu.memref_squeeze %dma_wait3A_233 : memref<1x128xi32, #tpu.memory_space<vmem>> -> memref<128xi32, #tpu.memory_space<vmem>>
          %dma_wait3A_235 = arith.constant 0 : i32
          %dma_wait3A_236 = arith.constant 0 : i32
          %dma_wait3A_237 = tpu.memref_slice %arg20[%dma_wait3A_235, %dma_wait3A_236] : memref<50000x32xf32, #tpu.memory_space<vmem_shared>> -> memref<50000x32xf32, #tpu.memory_space<vmem_shared>>
          tpu.wait_indirect_dma semaphore(%arg22 : memref<!tpu.dma_semaphore, #tpu.memory_space<semaphore_mem>>) src(%dma_wait3A_231 : memref<128x32xf32, #tpu.memory_space<vmem>>) dst(%dma_wait3A_237 : memref<50000x32xf32, #tpu.memory_space<vmem_shared>>)
          %dma_wait3A_238 = arith.constant 1 : i32
          %dma_wait3A_239 = arith.constant 0 : i32
          %dma_wait3A_240 = arith.constant 0 : i32
          %dma_wait3A_241 = tpu.memref_slice %arg17[%dma_wait3A_238, %dma_wait3A_239, %dma_wait3A_240] : memref<4x128x32xf32, #tpu.memory_space<vmem>> -> memref<1x128x32xf32, #tpu.memory_space<vmem>>
          %dma_wait3A_242 = tpu.memref_squeeze %dma_wait3A_241 : memref<1x128x32xf32, #tpu.memory_space<vmem>> -> memref<128x32xf32, #tpu.memory_space<vmem>>
          %dma_wait3A_243 = arith.constant 0 : i32
          %dma_wait3A_244 = tpu.memref_slice %arg13[%add3A_185, %dma_wait3A_243] : memref<8x128xi32, #tpu.memory_space<vmem>> -> memref<1x128xi32, #tpu.memory_space<vmem>>
          %dma_wait3A_245 = tpu.memref_squeeze %dma_wait3A_244 : memref<1x128xi32, #tpu.memory_space<vmem>> -> memref<128xi32, #tpu.memory_space<vmem>>
          %dma_wait3A_246 = arith.constant 0 : i32
          %dma_wait3A_247 = arith.constant 0 : i32
          %dma_wait3A_248 = tpu.memref_slice %arg20[%dma_wait3A_246, %dma_wait3A_247] : memref<50000x32xf32, #tpu.memory_space<vmem_shared>> -> memref<50000x32xf32, #tpu.memory_space<vmem_shared>>
          tpu.wait_indirect_dma semaphore(%arg22 : memref<!tpu.dma_semaphore, #tpu.memory_space<semaphore_mem>>) src(%dma_wait3A_242 : memref<128x32xf32, #tpu.memory_space<vmem>>) dst(%dma_wait3A_248 : memref<50000x32xf32, #tpu.memory_space<vmem_shared>>)
          %dma_wait3A_249 = arith.constant 2 : i32
          %dma_wait3A_250 = arith.constant 0 : i32
          %dma_wait3A_251 = arith.constant 0 : i32
          %dma_wait3A_252 = tpu.memref_slice %arg17[%dma_wait3A_249, %dma_wait3A_250, %dma_wait3A_251] : memref<4x128x32xf32, #tpu.memory_space<vmem>> -> memref<1x128x32xf32, #tpu.memory_space<vmem>>
          %dma_wait3A_253 = tpu.memref_squeeze %dma_wait3A_252 : memref<1x128x32xf32, #tpu.memory_space<vmem>> -> memref<128x32xf32, #tpu.memory_space<vmem>>
          %dma_wait3A_254 = arith.constant 0 : i32
          %dma_wait3A_255 = tpu.memref_slice %arg13[%add3A_200, %dma_wait3A_254] : memref<8x128xi32, #tpu.memory_space<vmem>> -> memref<1x128xi32, #tpu.memory_space<vmem>>
          %dma_wait3A_256 = tpu.memref_squeeze %dma_wait3A_255 : memref<1x128xi32, #tpu.memory_space<vmem>> -> memref<128xi32, #tpu.memory_space<vmem>>
          %dma_wait3A_257 = arith.constant 0 : i32
          %dma_wait3A_258 = arith.constant 0 : i32
          %dma_wait3A_259 = tpu.memref_slice %arg20[%dma_wait3A_257, %dma_wait3A_258] : memref<50000x32xf32, #tpu.memory_space<vmem_shared>> -> memref<50000x32xf32, #tpu.memory_space<vmem_shared>>
          tpu.wait_indirect_dma semaphore(%arg22 : memref<!tpu.dma_semaphore, #tpu.memory_space<semaphore_mem>>) src(%dma_wait3A_253 : memref<128x32xf32, #tpu.memory_space<vmem>>) dst(%dma_wait3A_259 : memref<50000x32xf32, #tpu.memory_space<vmem_shared>>)
          %dma_wait3A_260 = arith.constant 3 : i32
          %dma_wait3A_261 = arith.constant 0 : i32
          %dma_wait3A_262 = arith.constant 0 : i32
          %dma_wait3A_263 = tpu.memref_slice %arg17[%dma_wait3A_260, %dma_wait3A_261, %dma_wait3A_262] : memref<4x128x32xf32, #tpu.memory_space<vmem>> -> memref<1x128x32xf32, #tpu.memory_space<vmem>>
          %dma_wait3A_264 = tpu.memref_squeeze %dma_wait3A_263 : memref<1x128x32xf32, #tpu.memory_space<vmem>> -> memref<128x32xf32, #tpu.memory_space<vmem>>
          %dma_wait3A_265 = arith.constant 0 : i32
          %dma_wait3A_266 = tpu.memref_slice %arg13[%add3A_215, %dma_wait3A_265] : memref<8x128xi32, #tpu.memory_space<vmem>> -> memref<1x128xi32, #tpu.memory_space<vmem>>
          %dma_wait3A_267 = tpu.memref_squeeze %dma_wait3A_266 : memref<1x128xi32, #tpu.memory_space<vmem>> -> memref<128xi32, #tpu.memory_space<vmem>>
          %dma_wait3A_268 = arith.constant 0 : i32
          %dma_wait3A_269 = arith.constant 0 : i32
          %dma_wait3A_270 = tpu.memref_slice %arg20[%dma_wait3A_268, %dma_wait3A_269] : memref<50000x32xf32, #tpu.memory_space<vmem_shared>> -> memref<50000x32xf32, #tpu.memory_space<vmem_shared>>
          tpu.wait_indirect_dma semaphore(%arg22 : memref<!tpu.dma_semaphore, #tpu.memory_space<semaphore_mem>>) src(%dma_wait3A_264 : memref<128x32xf32, #tpu.memory_space<vmem>>) dst(%dma_wait3A_270 : memref<50000x32xf32, #tpu.memory_space<vmem_shared>>)
        }
        %scan3A_57 = arith.constant 2 : i32
      }
      %scan3A_24 = arith.constant 20 : i32
      %barrier3A_25 = arith.constant 0 : index
      tpu.barrier barrier_id(%barrier3A_25)
      %scan3A_26 = arith.constant 0 : i32
      %scan3A_27 = arith.constant 0 : i32
      %scan3A_28 = arith.constant 25 : i32
      %scan3A_29 = arith.addi %scan3A_27, %scan3A_28 : i32
      %scan3A_30 = arith.constant 1 : i32
      scf.for %scan3A_33 = %scan3A_27 to %scan3A_29 step %scan3A_30  : i32 {
        %jit3A = arith.constant 16 : i32
        %eq3A_34 = arith.constant 0 : i32
        %eq3A_35 = arith.cmpi eq, %jit3A, %eq3A_34 : i32
        %jit3A_36 = arith.constant 1 : i32
        %select_n3A = arith.select %eq3A_35, %jit3A_36, %jit3A : i32
        %rem3A = arith.remsi %scan3A_33, %select_n3A : i32
        %ne3A = arith.constant 0 : i32
        %ne3A_37 = arith.cmpi ne, %rem3A, %ne3A : i32
        %lt3A = arith.constant 0 : i32
        %lt3A_38 = arith.cmpi slt, %rem3A, %lt3A : i32
        %lt3A_39 = arith.constant 0 : i32
        %lt3A_40 = arith.cmpi slt, %select_n3A, %lt3A_39 : i32
        %ne3A_41 = arith.xori %lt3A_38, %lt3A_40 : i1
        %and3A = arith.andi %ne3A_41, %ne3A_37 : i1
        %add3A_42 = arith.addi %rem3A, %select_n3A : i32
        %select_n3A_43 = arith.select %and3A, %add3A_42, %rem3A : i32
        %eq3A_44 = arith.cmpi eq, %arg1, %select_n3A_43 : i32
        %convert_element_type3A_45 = arith.extui %eq3A_44 : i1 to i32
        %cond3A_46 = arith.constant 0 : i32
        %cond3A_47 = arith.cmpi ne, %convert_element_type3A_45, %cond3A_46 : i32
        scf.if %cond3A_47 {
          %scan3A_48 = arith.constant 0 : i32
          %scan3A_49 = arith.constant 0 : i32
          %scan3A_50 = arith.constant 25 : i32
          %scan3A_51 = arith.addi %scan3A_49, %scan3A_50 : i32
          %scan3A_52 = arith.constant 1 : i32
          scf.for %scan3A_62 = %scan3A_49 to %scan3A_51 step %scan3A_52  : i32 {
            %mul3A_63 = arith.constant 2000 : i32
            %mul3A_64 = arith.muli %scan3A_33, %mul3A_63 : i32
            %mul3A_65 = arith.constant 80 : i32
            %mul3A_66 = arith.muli %scan3A_62, %mul3A_65 : i32
            %add3A_67 = arith.addi %mul3A_64, %mul3A_66 : i32
            "tpu.region"() ({
              %run_scoped3A = tpu.sem_alloc : memref<!tpu.dma_semaphore, #tpu.memory_space<semaphore_mem>>
              %dma_start3A = arith.constant 0 : i32
              %dma_start3A_76 = tpu.memref_slice %arg20[%add3A_67, %dma_start3A] : memref<50000x32xf32, #tpu.memory_space<vmem_shared>> -> memref<80x32xf32, #tpu.memory_space<vmem_shared>>
              %dma_start3A_77 = arith.constant 0 : i32
              %dma_start3A_78 = tpu.memref_slice %arg20[%add3A_67, %dma_start3A_77] : memref<50000x32xf32, #tpu.memory_space<vmem_shared>> -> memref<80x32xf32, #tpu.memory_space<vmem_shared>>
              tpu.enqueue_dma source(%dma_start3A_78 : memref<80x32xf32, #tpu.memory_space<vmem_shared>>) target(%arg18 : memref<80x32xf32, #tpu.memory_space<vmem>>) target_semaphore(%run_scoped3A : memref<!tpu.dma_semaphore, #tpu.memory_space<semaphore_mem>>)
              %dma_wait3A = arith.constant 0 : i32
              %dma_wait3A_79 = tpu.memref_slice %arg20[%add3A_67, %dma_wait3A] : memref<50000x32xf32, #tpu.memory_space<vmem_shared>> -> memref<80x32xf32, #tpu.memory_space<vmem_shared>>
              %dma_wait3A_80 = arith.constant 0 : i32
              %dma_wait3A_81 = tpu.memref_slice %arg20[%add3A_67, %dma_wait3A_80] : memref<50000x32xf32, #tpu.memory_space<vmem_shared>> -> memref<80x32xf32, #tpu.memory_space<vmem_shared>>
              tpu.wait_dma2 semaphore(%run_scoped3A : memref<!tpu.dma_semaphore, #tpu.memory_space<semaphore_mem>>) src(%dma_wait3A_81 : memref<80x32xf32, #tpu.memory_space<vmem_shared>>) dst(%arg18 : memref<80x32xf32, #tpu.memory_space<vmem>>)
              tpu.yield
            }) : () -> ()
            %mul3A_68 = arith.constant 50000 : i32
            %mul3A_69 = arith.muli %add3A, %mul3A_68 : i32
            %mul3A_70 = arith.constant 2000 : i32
            %mul3A_71 = arith.muli %scan3A_33, %mul3A_70 : i32
            %add3A_72 = arith.addi %mul3A_69, %mul3A_71 : i32
            %mul3A_73 = arith.constant 80 : i32
            %mul3A_74 = arith.muli %scan3A_62, %mul3A_73 : i32
            %add3A_75 = arith.addi %add3A_72, %mul3A_74 : i32
            "tpu.region"() ({
              %run_scoped3A = tpu.sem_alloc : memref<!tpu.dma_semaphore, #tpu.memory_space<semaphore_mem>>
              %dma_start3A = arith.constant 0 : i32
              %dma_start3A_76 = tpu.memref_slice %arg9[%add3A_75, %dma_start3A] : memref<200000x32xf32, #tpu.memory_space<hbm>> -> memref<80x32xf32, #tpu.memory_space<hbm>>
              %dma_start3A_77 = arith.constant 0 : i32
              %dma_start3A_78 = tpu.memref_slice %arg9[%add3A_75, %dma_start3A_77] : memref<200000x32xf32, #tpu.memory_space<hbm>> -> memref<80x32xf32, #tpu.memory_space<hbm>>
              tpu.enqueue_dma source(%arg18 : memref<80x32xf32, #tpu.memory_space<vmem>>) target(%dma_start3A_78 : memref<80x32xf32, #tpu.memory_space<hbm>>) target_semaphore(%run_scoped3A : memref<!tpu.dma_semaphore, #tpu.memory_space<semaphore_mem>>)
              %dma_wait3A = arith.constant 0 : i32
              %dma_wait3A_79 = tpu.memref_slice %arg9[%add3A_75, %dma_wait3A] : memref<200000x32xf32, #tpu.memory_space<hbm>> -> memref<80x32xf32, #tpu.memory_space<hbm>>
              %dma_wait3A_80 = arith.constant 0 : i32
              %dma_wait3A_81 = tpu.memref_slice %arg9[%add3A_75, %dma_wait3A_80] : memref<200000x32xf32, #tpu.memory_space<hbm>> -> memref<80x32xf32, #tpu.memory_space<hbm>>
              tpu.wait_dma2 semaphore(%run_scoped3A : memref<!tpu.dma_semaphore, #tpu.memory_space<semaphore_mem>>) src(%arg18 : memref<80x32xf32, #tpu.memory_space<vmem>>) dst(%dma_wait3A_81 : memref<80x32xf32, #tpu.memory_space<hbm>>)
              tpu.yield
            }) : () -> ()
          }
          %scan3A_53 = arith.constant 25 : i32
          %eq3A_54 = arith.constant 0 : i32
          %eq3A_55 = arith.cmpi eq, %scan3A_5, %eq3A_54 : i32
          %eq3A_56 = arith.constant 0 : i32
          %eq3A_57 = arith.cmpi eq, %arg0, %eq3A_56 : i32
          %and3A_58 = arith.andi %eq3A_55, %eq3A_57 : i1
          %convert_element_type3A_59 = arith.extui %and3A_58 : i1 to i32
          %cond3A_60 = arith.constant 0 : i32
          %cond3A_61 = arith.cmpi ne, %convert_element_type3A_59, %cond3A_60 : i32
          scf.if %cond3A_61 {
            %mul3A_62 = arith.constant 2000 : i32
            %mul3A_63 = arith.muli %scan3A_33, %mul3A_62 : i32
            "tpu.region"() ({
              %run_scoped3A = tpu.sem_alloc : memref<!tpu.dma_semaphore, #tpu.memory_space<semaphore_mem>>
              %dma_start3A = tpu.memref_slice %arg21[%mul3A_63] : memref<50000xf32, #tpu.memory_space<vmem_shared>> -> memref<2000xf32, #tpu.memory_space<vmem_shared>>
              %dma_start3A_66 = tpu.memref_slice %arg21[%mul3A_63] : memref<50000xf32, #tpu.memory_space<vmem_shared>> -> memref<2000xf32, #tpu.memory_space<vmem_shared>>
              tpu.enqueue_dma source(%dma_start3A_66 : memref<2000xf32, #tpu.memory_space<vmem_shared>>) target(%arg19 : memref<2000xf32, #tpu.memory_space<vmem>>) target_semaphore(%run_scoped3A : memref<!tpu.dma_semaphore, #tpu.memory_space<semaphore_mem>>)
              %dma_wait3A = tpu.memref_slice %arg21[%mul3A_63] : memref<50000xf32, #tpu.memory_space<vmem_shared>> -> memref<2000xf32, #tpu.memory_space<vmem_shared>>
              %dma_wait3A_67 = tpu.memref_slice %arg21[%mul3A_63] : memref<50000xf32, #tpu.memory_space<vmem_shared>> -> memref<2000xf32, #tpu.memory_space<vmem_shared>>
              tpu.wait_dma2 semaphore(%run_scoped3A : memref<!tpu.dma_semaphore, #tpu.memory_space<semaphore_mem>>) src(%dma_wait3A_67 : memref<2000xf32, #tpu.memory_space<vmem_shared>>) dst(%arg19 : memref<2000xf32, #tpu.memory_space<vmem>>)
              tpu.yield
            }) : () -> ()
            %mul3A_64 = arith.constant 2000 : i32
            %mul3A_65 = arith.muli %scan3A_33, %mul3A_64 : i32
            "tpu.region"() ({
              %run_scoped3A = tpu.sem_alloc : memref<!tpu.dma_semaphore, #tpu.memory_space<semaphore_mem>>
              %dma_start3A = tpu.memref_slice %arg10[%mul3A_65] : memref<50000xf32, #tpu.memory_space<hbm>> -> memref<2000xf32, #tpu.memory_space<hbm>>
              %dma_start3A_66 = tpu.memref_slice %arg10[%mul3A_65] : memref<50000xf32, #tpu.memory_space<hbm>> -> memref<2000xf32, #tpu.memory_space<hbm>>
              tpu.enqueue_dma source(%arg19 : memref<2000xf32, #tpu.memory_space<vmem>>) target(%dma_start3A_66 : memref<2000xf32, #tpu.memory_space<hbm>>) target_semaphore(%run_scoped3A : memref<!tpu.dma_semaphore, #tpu.memory_space<semaphore_mem>>)
              %dma_wait3A = tpu.memref_slice %arg10[%mul3A_65] : memref<50000xf32, #tpu.memory_space<hbm>> -> memref<2000xf32, #tpu.memory_space<hbm>>
              %dma_wait3A_67 = tpu.memref_slice %arg10[%mul3A_65] : memref<50000xf32, #tpu.memory_space<hbm>> -> memref<2000xf32, #tpu.memory_space<hbm>>
              tpu.wait_dma2 semaphore(%run_scoped3A : memref<!tpu.dma_semaphore, #tpu.memory_space<semaphore_mem>>) src(%arg19 : memref<2000xf32, #tpu.memory_space<vmem>>) dst(%dma_wait3A_67 : memref<2000xf32, #tpu.memory_space<hbm>>)
              tpu.yield
            }) : () -> ()
          } else {
          }
        } else {
        }
      }
      %scan3A_31 = arith.constant 25 : i32
      %barrier3A_32 = arith.constant 0 : index
      tpu.barrier barrier_id(%barrier3A_32)
    }
    %scan3A_4 = arith.constant 2 : i32
    return
  }
}

module attributes {stable_mosaic.version = 14 : i64} {
  func.func @_pre_body(%arg0: i32, %arg1: memref<400x128xf32, #tpu.memory_space<vmem>>, %arg2: memref<128x128xf32, #tpu.memory_space<vmem>>, %arg3: memref<128x1xf32, #tpu.memory_space<vmem>>, %arg4: memref<128x128xf32, #tpu.memory_space<vmem>>, %arg5: memref<128x1xf32, #tpu.memory_space<vmem>>, %arg6: memref<400x128xf32, #tpu.memory_space<vmem>>, %arg7: memref<400x1xf32, #tpu.memory_space<vmem>>, %arg8: memref<128x1xf32, #tpu.memory_space<vmem>>) attributes {dimension_semantics = [#tpu.dimension_semantics<arbitrary>], iteration_bounds = array<i64: 25>, scalar_prefetch = 0 : i64, scratch_operands = 0 : i64, tpu.core_type = #tpu.core_type<tc>, window_params = [{transform_indices = @transform_0, window_bounds = array<i64: 400, 128>}, {pipeline_mode = #tpu.pipeline_mode<synchronous>, transform_indices = @transform_1, window_bounds = array<i64: 128, 128>}, {pipeline_mode = #tpu.pipeline_mode<synchronous>, transform_indices = @transform_2, window_bounds = array<i64: 128, 1>}, {pipeline_mode = #tpu.pipeline_mode<synchronous>, transform_indices = @transform_3, window_bounds = array<i64: 128, 128>}, {pipeline_mode = #tpu.pipeline_mode<synchronous>, transform_indices = @transform_4, window_bounds = array<i64: 128, 1>}, {transform_indices = @transform_5, window_bounds = array<i64: 400, 128>}, {transform_indices = @transform_6, window_bounds = array<i64: 400, 1>}, {pipeline_mode = #tpu.pipeline_mode<synchronous>, transform_indices = @transform_7, window_bounds = array<i64: 128, 1>}]} {
    %get3A = arith.constant 0 : index
    %get3A_0 = arith.constant 0 : index
    %get3A_1 = vector.load %arg1[%get3A, %get3A_0] : memref<400x128xf32, #tpu.memory_space<vmem>>, vector<400x128xf32>
    %get3A_2 = arith.constant 0 : index
    %get3A_3 = arith.constant 0 : index
    %get3A_4 = vector.load %arg2[%get3A_2, %get3A_3] : memref<128x128xf32, #tpu.memory_space<vmem>>, vector<128x128xf32>
    %dot_general3A = arith.constant dense<0.000000e+00> : vector<400x128xf32>
    %dot_general3A_5 = tpu.matmul %get3A_1, %get3A_4, %dot_general3A {dimension_numbers = #tpu.dot_dimension_numbers<[1], [0], [0], [1], [0, 0, 1, 1], [], []>, transpose_lhs_hint = false} : vector<400x128xf32>, vector<128x128xf32>, vector<400x128xf32> -> vector<400x128xf32>
    %swap3A = arith.constant 0 : index
    %swap3A_6 = arith.constant 0 : index
    %swap3A_7 = vector.load %arg6[%swap3A, %swap3A_6] : memref<400x128xf32, #tpu.memory_space<vmem>>, vector<400x128xf32>
    tpu.vector_store %arg6[%swap3A, %swap3A_6], %dot_general3A_5 {strides = array<i32>} : memref<400x128xf32, #tpu.memory_space<vmem>>, vector<400x128xf32>,
    %get3A_8 = arith.constant 0 : index
    %get3A_9 = arith.constant 0 : index
    %get3A_10 = vector.load %arg3[%get3A_8, %get3A_9] : memref<128x1xf32, #tpu.memory_space<vmem>>, vector<128x1xf32>
    %dot_general3A_11 = arith.constant dense<0.000000e+00> : vector<400x1xf32>
    %dot_general3A_12 = tpu.matmul %dot_general3A_5, %get3A_10, %dot_general3A_11 {dimension_numbers = #tpu.dot_dimension_numbers<[1], [0], [0], [1], [0, 0, 1, 1], [], []>, transpose_lhs_hint = false} : vector<400x128xf32>, vector<128x1xf32>, vector<400x1xf32> -> vector<400x1xf32>
    %swap3A_13 = arith.constant 0 : index
    %swap3A_14 = arith.constant 0 : index
    %swap3A_15 = vector.load %arg7[%swap3A_13, %swap3A_14] : memref<400x1xf32, #tpu.memory_space<vmem>>, vector<400x1xf32>
    tpu.vector_store %arg7[%swap3A_13, %swap3A_14], %dot_general3A_12 {strides = array<i32>} : memref<400x1xf32, #tpu.memory_space<vmem>>, vector<400x1xf32>,
    %get3A_16 = arith.constant 0 : index
    %get3A_17 = arith.constant 0 : index
    %get3A_18 = vector.load %arg4[%get3A_16, %get3A_17] : memref<128x128xf32, #tpu.memory_space<vmem>>, vector<128x128xf32>
    %get3A_19 = arith.constant 0 : index
    %get3A_20 = arith.constant 0 : index
    %get3A_21 = vector.load %arg5[%get3A_19, %get3A_20] : memref<128x1xf32, #tpu.memory_space<vmem>>, vector<128x1xf32>
    %dot_general3A_22 = arith.constant dense<0.000000e+00> : vector<128x1xf32>
    %dot_general3A_23 = tpu.matmul %get3A_18, %get3A_21, %dot_general3A_22 {dimension_numbers = #tpu.dot_dimension_numbers<[1], [0], [0], [1], [0, 0, 1, 1], [], []>, transpose_lhs_hint = false} : vector<128x128xf32>, vector<128x1xf32>, vector<128x1xf32> -> vector<128x1xf32>
    %swap3A_24 = arith.constant 0 : index
    %swap3A_25 = arith.constant 0 : index
    %swap3A_26 = vector.load %arg8[%swap3A_24, %swap3A_25] : memref<128x1xf32, #tpu.memory_space<vmem>>, vector<128x1xf32>
    tpu.vector_store %arg8[%swap3A_24, %swap3A_25], %dot_general3A_23 {strides = array<i32>} : memref<128x1xf32, #tpu.memory_space<vmem>>, vector<128x1xf32>,
    return
  }
  func.func @transform_0(%arg0: i32) -> (i32, i32) {
    %c0_i32 = arith.constant 0 : i32
    %c0_i32_0 = arith.constant 0 : i32
    return %arg0, %c0_i32 : i32, i32
  }
  func.func @transform_1(%arg0: i32) -> (i32, i32) {
    %c0_i32 = arith.constant 0 : i32
    %c0_i32_0 = arith.constant 0 : i32
    %c0_i32_1 = arith.constant 0 : i32
    return %c0_i32, %c0_i32_0 : i32, i32
  }
  func.func @transform_2(%arg0: i32) -> (i32, i32) {
    %c0_i32 = arith.constant 0 : i32
    %c0_i32_0 = arith.constant 0 : i32
    %c0_i32_1 = arith.constant 0 : i32
    return %c0_i32, %c0_i32_0 : i32, i32
  }
  func.func @transform_3(%arg0: i32) -> (i32, i32) {
    %c0_i32 = arith.constant 0 : i32
    %c0_i32_0 = arith.constant 0 : i32
    %c0_i32_1 = arith.constant 0 : i32
    return %c0_i32, %c0_i32_0 : i32, i32
  }
  func.func @transform_4(%arg0: i32) -> (i32, i32) {
    %c0_i32 = arith.constant 0 : i32
    %c0_i32_0 = arith.constant 0 : i32
    %c0_i32_1 = arith.constant 0 : i32
    return %c0_i32, %c0_i32_0 : i32, i32
  }
  func.func @transform_5(%arg0: i32) -> (i32, i32) {
    %c0_i32 = arith.constant 0 : i32
    %c0_i32_0 = arith.constant 0 : i32
    return %arg0, %c0_i32 : i32, i32
  }
  func.func @transform_6(%arg0: i32) -> (i32, i32) {
    %c0_i32 = arith.constant 0 : i32
    %c0_i32_0 = arith.constant 0 : i32
    return %arg0, %c0_i32 : i32, i32
  }
  func.func @transform_7(%arg0: i32) -> (i32, i32) {
    %c0_i32 = arith.constant 0 : i32
    %c0_i32_0 = arith.constant 0 : i32
    %c0_i32_1 = arith.constant 0 : i32
    return %c0_i32, %c0_i32_0 : i32, i32
  }
}

module attributes {stable_mosaic.version = 14 : i64} {
  func.func @_adst_body(%arg0: i32, %arg1: memref<2000x128xf32, #tpu.memory_space<vmem>>, %arg2: memref<128x1xf32, #tpu.memory_space<vmem>>, %arg3: memref<2000x1xf32, #tpu.memory_space<vmem>>) attributes {dimension_semantics = [#tpu.dimension_semantics<arbitrary>], iteration_bounds = array<i64: 25>, scalar_prefetch = 0 : i64, scratch_operands = 0 : i64, tpu.core_type = #tpu.core_type<tc>, window_params = [{transform_indices = @transform_0, window_bounds = array<i64: 2000, 128>}, {pipeline_mode = #tpu.pipeline_mode<synchronous>, transform_indices = @transform_1, window_bounds = array<i64: 128, 1>}, {transform_indices = @transform_2, window_bounds = array<i64: 2000, 1>}]} {
    %get3A = arith.constant 0 : index
    %get3A_0 = arith.constant 0 : index
    %get3A_1 = vector.load %arg1[%get3A, %get3A_0] : memref<2000x128xf32, #tpu.memory_space<vmem>>, vector<2000x128xf32>
    %get3A_2 = arith.constant 0 : index
    %get3A_3 = arith.constant 0 : index
    %get3A_4 = vector.load %arg2[%get3A_2, %get3A_3] : memref<128x1xf32, #tpu.memory_space<vmem>>, vector<128x1xf32>
    %dot_general3A = arith.constant dense<0.000000e+00> : vector<2000x1xf32>
    %dot_general3A_5 = tpu.matmul %get3A_1, %get3A_4, %dot_general3A {dimension_numbers = #tpu.dot_dimension_numbers<[1], [0], [0], [1], [0, 0, 1, 1], [], []>, transpose_lhs_hint = false} : vector<2000x128xf32>, vector<128x1xf32>, vector<2000x1xf32> -> vector<2000x1xf32>
    %swap3A = arith.constant 0 : index
    %swap3A_6 = arith.constant 0 : index
    %swap3A_7 = vector.load %arg3[%swap3A, %swap3A_6] : memref<2000x1xf32, #tpu.memory_space<vmem>>, vector<2000x1xf32>
    tpu.vector_store %arg3[%swap3A, %swap3A_6], %dot_general3A_5 {strides = array<i32>} : memref<2000x1xf32, #tpu.memory_space<vmem>>, vector<2000x1xf32>,
    return
  }
  func.func @transform_0(%arg0: i32) -> (i32, i32) {
    %c0_i32 = arith.constant 0 : i32
    %c0_i32_0 = arith.constant 0 : i32
    return %arg0, %c0_i32 : i32, i32
  }
  func.func @transform_1(%arg0: i32) -> (i32, i32) {
    %c0_i32 = arith.constant 0 : i32
    %c0_i32_0 = arith.constant 0 : i32
    %c0_i32_1 = arith.constant 0 : i32
    return %c0_i32, %c0_i32_0 : i32, i32
  }
  func.func @transform_2(%arg0: i32) -> (i32, i32) {
    %c0_i32 = arith.constant 0 : i32
    %c0_i32_0 = arith.constant 0 : i32
    return %arg0, %c0_i32 : i32, i32
  }
}

module attributes {stable_mosaic.version = 14 : i64} {
  func.func @_epilogue_body(%arg0: i32, %arg1: memref<4x2000x32xf32, #tpu.memory_space<vmem>>, %arg2: memref<2000x1xf32, #tpu.memory_space<vmem>>, %arg3: memref<1x128xf32, #tpu.memory_space<vmem>>, %arg4: memref<128x128xf32, #tpu.memory_space<vmem>>, %arg5: memref<1x128xf32, #tpu.memory_space<vmem>>, %arg6: memref<2000x128xf32, #tpu.memory_space<vmem>>) attributes {dimension_semantics = [#tpu.dimension_semantics<arbitrary>], iteration_bounds = array<i64: 25>, scalar_prefetch = 0 : i64, scratch_operands = 0 : i64, tpu.core_type = #tpu.core_type<tc>, window_params = [{transform_indices = @transform_0, window_bounds = array<i64: 4, 2000, 32>}, {transform_indices = @transform_1, window_bounds = array<i64: 2000, 1>}, {pipeline_mode = #tpu.pipeline_mode<synchronous>, transform_indices = @transform_2, window_bounds = array<i64: 1, 128>}, {pipeline_mode = #tpu.pipeline_mode<synchronous>, transform_indices = @transform_3, window_bounds = array<i64: 128, 128>}, {pipeline_mode = #tpu.pipeline_mode<synchronous>, transform_indices = @transform_4, window_bounds = array<i64: 1, 128>}, {transform_indices = @transform_5, window_bounds = array<i64: 2000, 128>}]} {
    %get3A = arith.constant 0 : index
    %get3A_0 = arith.constant 0 : index
    %get3A_1 = arith.constant 0 : index
    %get3A_2 = vector.load %arg1[%get3A, %get3A_0, %get3A_1] : memref<4x2000x32xf32, #tpu.memory_space<vmem>>, vector<4x2000x32xf32>
    %slice3A = vector.extract_strided_slice %get3A_2 {offsets = [0, 0, 0], sizes = [1, 2000, 32], strides = [1, 1, 1]} : vector<4x2000x32xf32> to vector<1x2000x32xf32>
    %squeeze3A = vector.shape_cast %slice3A : vector<1x2000x32xf32> to vector<2000x32xf32>
    %slice3A_3 = vector.extract_strided_slice %get3A_2 {offsets = [1, 0, 0], sizes = [1, 2000, 32], strides = [1, 1, 1]} : vector<4x2000x32xf32> to vector<1x2000x32xf32>
    %squeeze3A_4 = vector.shape_cast %slice3A_3 : vector<1x2000x32xf32> to vector<2000x32xf32>
    %slice3A_5 = vector.extract_strided_slice %get3A_2 {offsets = [2, 0, 0], sizes = [1, 2000, 32], strides = [1, 1, 1]} : vector<4x2000x32xf32> to vector<1x2000x32xf32>
    %squeeze3A_6 = vector.shape_cast %slice3A_5 : vector<1x2000x32xf32> to vector<2000x32xf32>
    %slice3A_7 = vector.extract_strided_slice %get3A_2 {offsets = [3, 0, 0], sizes = [1, 2000, 32], strides = [1, 1, 1]} : vector<4x2000x32xf32> to vector<1x2000x32xf32>
    %squeeze3A_8 = vector.shape_cast %slice3A_7 : vector<1x2000x32xf32> to vector<2000x32xf32>
    %concatenate3A = tpu.concatenate %squeeze3A, %squeeze3A_4, %squeeze3A_6, %squeeze3A_8 in 1 : vector<2000x32xf32>, vector<2000x32xf32>, vector<2000x32xf32>, vector<2000x32xf32> -> vector<2000x128xf32>
    %get3A_9 = arith.constant 0 : index
    %get3A_10 = arith.constant 0 : index
    %get3A_11 = vector.load %arg2[%get3A_9, %get3A_10] : memref<2000x1xf32, #tpu.memory_space<vmem>>, vector<2000x1xf32>
    %add3A = arith.constant 1.000000e-16 : f32
    %add3A_12 = vector.broadcast %add3A : f32 to vector<2000x1xf32>
    %add3A_13 = arith.addf %get3A_11, %add3A_12 : vector<2000x1xf32>
    %div3A = vector.broadcast %add3A_13 : vector<2000x1xf32> to vector<2000x128xf32>
    %div3A_14 = arith.divf %concatenate3A, %div3A : vector<2000x128xf32>
    %get3A_15 = arith.constant 0 : index
    %get3A_16 = arith.constant 0 : index
    %get3A_17 = vector.load %arg3[%get3A_15, %get3A_16] : memref<1x128xf32, #tpu.memory_space<vmem>>, vector<1x128xf32>
    %add3A_18 = vector.broadcast %get3A_17 : vector<1x128xf32> to vector<2000x128xf32>
    %add3A_19 = arith.addf %div3A_14, %add3A_18 : vector<2000x128xf32>
    %max3A = arith.constant 0.000000e+00 : f32
    %max3A_20 = vector.broadcast %max3A : f32 to vector<2000x128xf32>
    %max3A_21 = arith.maximumf %add3A_19, %max3A_20 : vector<2000x128xf32>
    %get3A_22 = arith.constant 0 : index
    %get3A_23 = arith.constant 0 : index
    %get3A_24 = vector.load %arg4[%get3A_22, %get3A_23] : memref<128x128xf32, #tpu.memory_space<vmem>>, vector<128x128xf32>
    %dot_general3A = arith.constant dense<0.000000e+00> : vector<2000x128xf32>
    %dot_general3A_25 = tpu.matmul %max3A_21, %get3A_24, %dot_general3A {dimension_numbers = #tpu.dot_dimension_numbers<[1], [0], [0], [1], [0, 0, 1, 1], [], []>, transpose_lhs_hint = false} : vector<2000x128xf32>, vector<128x128xf32>, vector<2000x128xf32> -> vector<2000x128xf32>
    %get3A_26 = arith.constant 0 : index
    %get3A_27 = arith.constant 0 : index
    %get3A_28 = vector.load %arg5[%get3A_26, %get3A_27] : memref<1x128xf32, #tpu.memory_space<vmem>>, vector<1x128xf32>
    %add3A_29 = vector.broadcast %get3A_28 : vector<1x128xf32> to vector<2000x128xf32>
    %add3A_30 = arith.addf %dot_general3A_25, %add3A_29 : vector<2000x128xf32>
    %swap3A = arith.constant 0 : index
    %swap3A_31 = arith.constant 0 : index
    %swap3A_32 = vector.load %arg6[%swap3A, %swap3A_31] : memref<2000x128xf32, #tpu.memory_space<vmem>>, vector<2000x128xf32>
    tpu.vector_store %arg6[%swap3A, %swap3A_31], %add3A_30 {strides = array<i32>} : memref<2000x128xf32, #tpu.memory_space<vmem>>, vector<2000x128xf32>,
    return
  }
  func.func @transform_0(%arg0: i32) -> (i32, i32, i32) {
    %c0_i32 = arith.constant 0 : i32
    %c0_i32_0 = arith.constant 0 : i32
    %c0_i32_1 = arith.constant 0 : i32
    return %c0_i32, %arg0, %c0_i32_0 : i32, i32, i32
  }
  func.func @transform_1(%arg0: i32) -> (i32, i32) {
    %c0_i32 = arith.constant 0 : i32
    %c0_i32_0 = arith.constant 0 : i32
    return %arg0, %c0_i32 : i32, i32
  }
  func.func @transform_2(%arg0: i32) -> (i32, i32) {
    %c0_i32 = arith.constant 0 : i32
    %c0_i32_0 = arith.constant 0 : i32
    %c0_i32_1 = arith.constant 0 : i32
    return %c0_i32, %c0_i32_0 : i32, i32
  }
  func.func @transform_3(%arg0: i32) -> (i32, i32) {
    %c0_i32 = arith.constant 0 : i32
    %c0_i32_0 = arith.constant 0 : i32
    %c0_i32_1 = arith.constant 0 : i32
    return %c0_i32, %c0_i32_0 : i32, i32
  }
  func.func @transform_4(%arg0: i32) -> (i32, i32) {
    %c0_i32 = arith.constant 0 : i32
    %c0_i32_0 = arith.constant 0 : i32
    %c0_i32_1 = arith.constant 0 : i32
    return %c0_i32, %c0_i32_0 : i32, i32
  }
  func.func @transform_5(%arg0: i32) -> (i32, i32) {
    %c0_i32 = arith.constant 0 : i32
    %c0_i32_0 = arith.constant 0 : i32
    return %arg0, %c0_i32 : i32, i32
  }
}

</mosaic_0001>

<sc_bundles>
// kernel: kernel.6.cloned.1.call-start
scs
__scs_entry_jumppad:
0x0: {  	(pc) =	sbr.rel $0x88, $3  }
0x1: {  	(tag) =	ssettag $0x0;
	lr =	simm.s32 $0x1  }
0x2: {  	[smem:$0x3F96] =	sst lr;
	_ =	strace $0xD0000000  }
0x3: {  	_ = 	snop  }
0x4: {  	_ = 	snop  }
0x5: {  	_ = 	snop  }
0x6: {  	_ = 	snop  }
0x7: {  	_ = 	snop  }
__scs_overlays_trampoline_lowered:
0x8: {  	[smem:$0x3FA5] =	sst s0  }
0x9: {  	[smem:$0x3FA6] =	sst s1  }
0xa: {  	[smem:$0x3FA7] =	sst s2  }
0xb: {  	[smem:$0x3FA8] =	sst s3  }
0xc: {  	[smem:$0x3FA9] =	sst s4  }
0xd: {  	[smem:$0x3FAA] =	sst s5  }
0xe: {  	[smem:$0x3FAB] =	sst s6  }
0xf: {  	[smem:$0x3FAC] =	sst s7  }
0x10: {  	[smem:$0x3FAD] =	sst s8  }
0x11: {  	[smem:$0x3FAE] =	sst s9;
	s0 =	simm.s32 @!p0 $0x0  }
0x12: {  	s1 =	sld [smem:$0x3F94];
	s0 =	simm.s32 @p0 $0x1  }
0x13: {  	[smem:$0x3FAF] =	sst s0;
	s0 =	simm.s32 @!p1 $0x0  }
0x14: {  	s2 =	sld [smem:$0x3F93];
	s0 =	simm.s32 @p1 $0x1  }
0x15: {  	[smem:$0x3FB0] =	sst s0;
	s0 =	simm.s32 @!p2 $0x0  }
0x16: {  	s3 =	sld [smem:$0x3FDB];
	s0 =	simm.s32 @p2 $0x1  }
0x17: {  	s4 =	simm.s32 $0x1BF5;
	[smem:$0x3FB2] =	sst s0  }
0x18: {  	s0 =	sld [smem:$0x3F95];
	_ =	swait.ge [sflag:s4], $0x0  }
0x19: {  	s7 =	sld [smem:$0x3F96]  }
0x1a: {  	s8 =	sadd.s32 $0xFFFFE003, lr  }
0x1b: {  	s9 =	sadd.s32 $0xFFFFFEF7, lr;
	s5 =	simm.s32 $0xFFFFFFFF;
	p2 =	slt.u32 s8, $0xFFFFF086  }
0x1c: {  	p1 =	slt.u32 s9, $0xF7A;
	s5 =	simm.s32 @!p2 $0x0  }
0x1d: {  	s5 =	simm.s32 @p1 $0x1;
	p0 =	seq.s32 s7, s2  }
0x1e: {  	s7 =	smul.u32 @!p0 $0xF7A, s2;
	p2 =	seq.s32 @!p0 s5, $0x0  }
0x1f: {  	s9 =	smul.u32 $0xF7A, s1;
	s8 =	simm.s32 @!p0 $0x1BF5;
	p2 =	por !p2, p0  }
0x20: {  	[sflag:s8] =	ssyncset.s32 @!p0 $0xFFFFF086;
	s6 =	sadd.s32 @!p0 s3, s7;
	s7 =	simm.s32 @!p0 $0x108  }
0x21: {  	s3 =	sadd.s32 s3, s9;
	s6 =	sadd.s32 @!p0 $0x88, s6;
	s7 =	simm.s32 @p2 $0x1082  }
0x22: {  	[simem:s7], [sflag:s8] =	dma.local @!p0 [hbm:s6], $0xF7A  }
0x23: {  	s9 =	sor.u32 $0xD0000000, s2;
	s6 =	simm.s32 $0x108;
	_ =	swait.ge @!p0 [sflag:s8], $0x0  }
0x24: {  	s3 =	sadd.s32 $0x88, s3;
	s6 =	simm.s32 @!p1 $0x1082;
	[sflag:s4] =	ssyncset.s32 $0xFFFFF086  }
0x25: {  	[simem:s6], [sflag:s4] =	dma.local [hbm:s3], $0xF7A  }
0x26: {  	[smem:$0x3F96] =	sst s1;
	(tag) =	ssettag s2;
	_ =	strace s9  }
0x27: {  	s1 =	sld [smem:$0x3FA6]  }
0x28: {  	s2 =	sld [smem:$0x3FA7]  }
0x29: {  	s4 =	sld [smem:$0x3FA9]  }
0x2a: {  	p0 =	seq.s32 s5, $0x0;
	s5 =	sld [smem:$0x3FAA]  }
0x2b: {  	s6 =	sld [smem:$0x3FAB]  }
0x2c: {  	s7 =	sld [smem:$0x3FAC]  }
0x2d: {  	s3 =	simm.s32 $0x108;
	s8 =	sld [smem:$0x3FAD]  }
0x2e: {  	s3 =	simm.s32 @!p0 $0x1082;
	s9 =	sld [smem:$0x3FAE]  }
0x2f: {  	lr =	sadd.s32 s0, s3;
	s0 =	sld [smem:$0x3FA5]  }
0x30: {  	s3 =	sld [smem:$0x3FA8]  }
0x31: {  	[smem:$0x3FB1] =	sst s10  }
0x32: {  	s10 =	sld [smem:$0x3FAF];
	_ =	sdelay $0x3  }
0x33: {  	p0 =	seq.s32 s10, $0x1;
	s10 =	sld [smem:$0x3FB1];
	_ =	sdelay $0x3  }
0x34: {  	[smem:$0x3FB1] =	sst s10  }
0x35: {  	s10 =	sld [smem:$0x3FB0];
	_ =	sdelay $0x3  }
0x36: {  	p1 =	seq.s32 s10, $0x1;
	s10 =	sld [smem:$0x3FB1];
	_ =	sdelay $0x3  }
0x37: {  	[smem:$0x3FB1] =	sst s10  }
0x38: {  	s10 =	sld [smem:$0x3FB2]  }
0x39: {  	_ = 	snop;
	(pc) =	sbr.ind lr, $3  }
0x3a: {  	_ = 	snop  }
0x3b: {  	_ = 	snop  }
0x3c: {  	p2 =	seq.s32 s10, $0x1;
	s10 =	sld [smem:$0x3FB1]  }
0x3d: {  	_ =	shalt  }
0x3e: {  	_ =	shalt  }
0x3f: {  	_ =	shalt  }
0x40: {  	_ =	shalt  }
0x41: {  	_ =	shalt  }
0x42: {  	_ =	shalt  }
0x43: {  	_ =	shalt  }
0x44: {  	_ =	shalt  }
0x45: {  	_ =	shalt  }
0x46: {  	_ =	shalt  }
0x47: {  	_ =	shalt  }
0x48: {  	_ =	shalt  }
0x49: {  	_ =	shalt  }
0x4a: {  	_ =	shalt  }
0x4b: {  	_ =	shalt  }
0x4c: {  	_ =	shalt  }
0x4d: {  	_ =	shalt  }
0x4e: {  	_ =	shalt  }
0x4f: {  	_ =	shalt  }
0x50: {  	_ =	shalt  }
0x51: {  	_ =	shalt  }
0x52: {  	_ =	shalt  }
0x53: {  	_ =	shalt  }
0x54: {  	_ =	shalt  }
0x55: {  	_ =	shalt  }
0x56: {  	_ =	shalt  }
0x57: {  	_ =	shalt  }
0x58: {  	_ =	shalt  }
0x59: {  	_ =	shalt  }
0x5a: {  	_ =	shalt  }
0x5b: {  	_ =	shalt  }
0x5c: {  	_ =	shalt  }
0x5d: {  	_ =	shalt  }
0x5e: {  	_ =	shalt  }
0x5f: {  	_ =	shalt  }
0x60: {  	_ =	shalt  }
0x61: {  	_ =	shalt  }
0x62: {  	_ =	shalt  }
0x63: {  	_ =	shalt  }
0x64: {  	_ =	shalt  }
0x65: {  	_ =	shalt  }
0x66: {  	_ =	shalt  }
0x67: {  	_ =	shalt  }
0x68: {  	_ =	shalt  }
0x69: {  	_ =	shalt  }
0x6a: {  	_ =	shalt  }
0x6b: {  	_ =	shalt  }
0x6c: {  	_ =	shalt  }
0x6d: {  	_ =	shalt  }
0x6e: {  	_ =	shalt  }
0x6f: {  	_ =	shalt  }
0x70: {  	_ =	shalt  }
0x71: {  	_ =	shalt  }
0x72: {  	_ =	shalt  }
0x73: {  	_ =	shalt  }
0x74: {  	_ =	shalt  }
0x75: {  	_ =	shalt  }
0x76: {  	_ =	shalt  }
0x77: {  	_ =	shalt  }
0x78: {  	_ =	shalt  }
0x79: {  	_ =	shalt  }
0x7a: {  	_ =	shalt  }
0x7b: {  	_ =	shalt  }
0x7c: {  	_ =	shalt  }
0x7d: {  	_ =	shalt  }
0x7e: {  	_ =	shalt  }
0x7f: {  	_ =	shalt  }
0x80: {  	_ =	shalt  }
0x81: {  	_ =	shalt  }
0x82: {  	_ =	shalt  }
0x83: {  	_ =	shalt  }
0x84: {  	_ =	shalt  }
0x85: {  	_ =	shalt  }
0x86: {  	_ =	shalt  }
0x87: {  	_ =	shalt  }
.Lfunc_end0:
.L_simem_size_0:
called_computation_lowered:
.L_overlay_start_0:
0x88: {  	s2 =	sld [smem:$0x3FD9]  }
0x89: {  	s3 =	sld [smem:$0x3FFE];
	_ =	sdelay $0x1  }
0x8a: {  	s1 =	srdreg.scid  }
0x8b: {  	s0 =	sand.u32 $0x1, s1  }
0x8c: {  	s17 =	sshll.u32 s0, $0xA;
	s2 =	sadd.s32 s3, s2  }
0x8d: {  	s2 =	sadd.s32 s2, s17  }
0x8e: {  	[smem:$0x3FBD] =	sst s2  }
0x8f: {  	_ = 	snop  }
0x90: {  	s2 =	sld [smem:$0x3FD0];
	(tm) =	ssettm $0x1  }
0x91: {  	s18 =	sld [smem:$0x3FFB];
	_ =	sdelay $0x3  }
0x92: {  	_ =	strace s18  }
0x93: {  	s3 =	sld [smem:$0x3FFC];
	_ =	sdelay $0x3  }
0x94: {  	_ =	strace s3  }
0x95: {  	s3 =	sld [smem:$0x3FFD];
	_ =	sdelay $0x3  }
0x96: {  	_ =	strace s3  }
0x97: {  	_ =	strace $0x8FFFFFFF  }
0x98: {  	s19 =	sld [smem:$0x3FDB];
	_ =	sdelay $0x1  }
0x99: {  	s4 =	simm.s32 $_scs_section_size  }
0x9a: {  	s5 =	simm.s32 $_size__tile_overlayer_lowered;
	s6 =	simm.s32 $_tile_overlayer_lowered  }
0x9b: {  	s22 =	simm.s32 $0x1BFF;
	s21 =	sshll.u32 s6, $0x1;
	s3 =	sadd.s32 s4, s19  }
0x9c: {  	s7 =	simm.s32 $0x0;
	s20 =	sshll.u32 s5, $0x1;
	s5 =	sadd.s32 s21, s3  }
0x9d: {  	[timem:s7], [sflag:s22] =	dma.local [hbm:s5], s20  }
0x9e: {  	_ =	swait.ge [sflag:s22], s20  }
0x9f: {  	s4 =	ssub.s32 $0x0, s20;
	[sflag:s22] =	ssyncset.done $0x0  }
0xa0: {  	[sflag:s22] =	ssyncadd.s32 s4;
	_ =	sdelay $0x1  }
0xa1: {  	s23 =	simm.s32 $0x1B8B  }
0xa2: {  	_ =	swait.ge [sflag:s23], $0x1  }
0xa3: {  	[sflag:s23] =	ssyncset.done $0x0  }
0xa4: {  	s25 =	simm.s32 $0x1B8E;
	s24 =	sld [smem:$0x3FFE];
	[sflag:s23] =	ssyncadd.s32 $0xFFFFFFFF  }
0xa5: {  	s26 =	simm.s32 $execute0_lowered;
	[smem:$0x3FD2] =	sst s25  }
0xa6: {  	s5 =	sshll.u32 s26, $0x1;
	_ =	strace $0x80000046;
	[dreg:$0x1] =	wrdreg $0xFFFFFFFF  }
0xa7: {  	s28 =	simm.s32 $_size_execute0_lowered;
	s3 =	sadd.s32 s3, s5;
	[dreg:$0x0] =	wrdreg $0x0  }
0xa8: {  	s5 =	sshll.u32 s28, $0x1;
	[dreg:$0x2] =	wrdreg s3  }
0xa9: {  	[dreg:$0x3] =	wrdreg s5  }
0xaa: {  	[dreg:$0x4] =	wrdreg $0xC0  }
0xab: {  	_ =	task [dreg:s7], $0x5FFFF  }
0xac: {  	[dreg:$0x1] =	wrdreg $0xFFFFFFFF  }
0xad: {  	[dreg:$0x0] =	wrdreg $0x60  }
0xae: {  	[dreg:$0x2] =	wrdreg s24  }
0xaf: {  	[dreg:$0x3] =	wrdreg s2  }
0xb0: {  	[dreg:$0x4] =	wrdreg $0x65D00  }
0xb1: {  	[dreg:$0x5] =	wrdreg $0x1EC700  }
0xb2: {  	[dreg:$0x6] =	wrdreg $0x9  }
0xb3: {  	_ =	task.clear_ibuf [dreg:s7], $0x7FFFF;
	_ =	strace $0x90000046  }
0xb4: {  	s29 =	simm.s32 $0x9;
	_ =	strace $0x80000048  }
0xb5: {  	_ =	swait.ge [sflag:s29], $0x1  }
0xb6: {  	[sflag:s29] =	ssyncadd.s32 $0xFFFFFFFF  }
0xb7: {  	_ =	strace $0x90000048  }
0xb8: {  	_ =	sfence  }
0xb9: {  	s30 =	sld [smem:$0x0];
	_ =	sdelay $0x2  }
0xba: {  	s31 =	sshll.u32 s1, $0xD;
	s1 =	sshrl.u32 s1, $0x2  }
0xbb: {  	s3 =	sand.u32 $0x4000, s31;
	s1 =	sadd.s32 s1, s30  }
0xbc: {  	s0 =	sor.u32 s3, s0;
	s1 =	sshll.u32 s1, $0x11  }
0xbd: {  	s0 =	sor.u32 s1, s0  }
0xbe: {  	s0 =	sadd.s32 $0x8F2B, s0  }
0xbf: {  	[sflag:s0] =	ssyncadd.remote.s32 $0x1  }
0xc0: {  	_ =	sfence.sel $0xFFFF  }
0xc1: {  	[dreg:$0x0] =	wrdreg $0xFFFFFFFF;
	(pc) =	sbr.abs _section_cstart, $3  }
0xc2: {  	[dreg:$0x1] =	wrdreg $0xFFFFFFFF  }
0xc3: {  	_ =	task.clear_ibuf [dreg:s7], $0x2FFFF;
	_ =	strace $0x9FFFFFFF  }
0xc4: {  	(tm) =	ssettm $0x7FFFFFFF  }
0xc5: {  	_ =	shalt  }
tec
execute0_lowered:
.L_overlay_start_1:
0x0: {  	(tag) =	ssettag $0x1  }
0x1: {  	s0 =	rddreg [dreg:$0x0]  }
0x2: {  	s4 =	rddreg [dreg:$0x1]  }
0x3: {  	s1 =	rddreg [dreg:$0x2]  }
0x4: {  	s2 =	rddreg [dreg:$0x3];
	s3 =	simm.s32 $0x0;
	s9 =	srdreg.scid  }
0x5: {  	s13 =	stileid.u32;
	s19 =	simm.s32 $0x5400;
	s17 =	simm.s32 $0x400  }
0x6: {  	s28 =	simm.s32 $0x1400;
	s29 =	simm.s32 $0x2400;
	s30 =	simm.s32 $0x3400  }
0x7: {  	s31 =	simm.s32 $0x4400;
	[smem:$0x7FF] =	sst s3;
	s5 =	sadd.s32 $0x29E00, s0  }
0x8: {  	s6 =	sadd.s32 $0x1200, s0;
	s7 =	sadd.s32 $0x3DE00, s0;
	s8 =	sadd.s32 $0x28400, s0  }
0x9: {  	s10 =	sadd.s32 $0x3E600, s0;
	_ =	strace $0x80000047;
	[dreg:$0x5] =	wrdreg s5  }
0xa: {  	s11 =	sand.u32 $0x1, s9;
	s20 =	sadd.s32 $0x3E400, s0;
	[dreg:$0x6] =	wrdreg s10  }
0xb: {  	s21 =	sadd.s32 $0x48800, s0;
	s14 =	sadd.s32 $0x3E800, s0;
	[dreg:$0x8] =	wrdreg s20  }
0xc: {  	s16 =	smul.u32 $0x5000, s13;
	s5 =	sadd.s32 $0x33E00, s0;
	[dreg:$0x9] =	wrdreg s21  }
0xd: {  	v0 =	vimm.s32 $0x0;
	s22 =	ssub.s32 $0x2, s11;
	s24 =	smul.u32 $0x61A80, s11;
	s25 =	sshll.u32 s11, $0x1  }
.Ltmp0:
0xe: {  	v1 =	vimm.s32 $0x1;
	v2 =	vimm.s32 $0x2;
	v3 =	vimm.s32 $0x3;
	s20 =	simm.s32 $0x2;
	s21 =	simm.s32 $0x3;
	(pc) =	sbr.rel .LBB2_1-.Ltmp0, $4  }
0xf: {  	v4 =	vimm.s32 $0x4;
	v5 =	vimm.s32 $0x5;
	v6 =	vimm.s32 $0x6;
	[dreg:$0x7] =	wrdreg s11;
	p0 =	sne.s32 s11, $0x0;
	s23 =	sshrl.u32 s22, $0x1  }
0x10: {  	v7 =	vimm.s32 $0x7;
	v8 =	vimm.s32 $0x8;
	v9 =	vimm.s32 $0x9;
	[dreg:$0xa] =	wrdreg s25;
	s0 =	ssub.s32 s22, s23;
	s26 =	sadd.s32 s24, s4  }
0x11: {  	v10 =	vimm.s32 $0xA;
	v11 =	vimm.s32 $0xB;
	v12 =	vimm.s32 $0xC;
	s25 =	simm.s32 $0x1;
	s0 =	smax.u32 s0, $0x1;
	[dreg:$0xc] =	wrdreg s26  }
0x12: {  	v13 =	vimm.s32 $0xD;
	v14 =	vimm.s32 $0xE;
	v15 =	vimm.s32 $0xF;
	s23 =	simm.s32 $0x80;
	s4 =	simm.s32 $0x0;
	[dreg:$0xb] =	wrdreg s0  }
.LBB2_28:
0x13: {  	s4 =	rddreg [dreg:$0xd]  }
0x14: {  	s0 =	rddreg [dreg:$0xb];
	s4 =	sadd.s32 $0x1, s4  }
0x15: {  	p1 =	sne.s32 s4, s0  }
.Ltmp1:
0x16: {  	_ = 	snop;
	(pc) =	sbr.rel @!p1 .LBB2_29-.Ltmp1, $1  }
0x17: {  	_ =	sdelay $0x3  }
.LBB2_1:
.Ltmp2:
0x18: {  	(pc) =	sbr.rel .LBB2_2-.Ltmp2, $3  }
0x19: {  	_ =	sdelay $0x1  }
0x1a: {  	[dreg:$0xd] =	wrdreg s4  }
0x1b: {  	p3 =	por $0x0, $0x0;
	p2 =	por $0x1, $0x1;
	s10 =	simm.s32 $0x0  }
.LBB2_27:
.Ltmp3:
0x1c: {  	(pc) =	sbr.rel @!p1 .LBB2_28-.Ltmp3, $3  }
0x1d: {  	_ =	sdelay $0x1  }
0x1e: {  	[bflag:$0x0] =	sbarrier.arrive $0xFFFF  }
0x1f: {  	s10 =	simm.s32 $0x1;
	p3 =	por $0x1, $0x1;
	p2 =	por $0x0, $0x0  }
.LBB2_2:
0x20: {  	s0 =	rddreg [dreg:$0x6]  }
0x21: {  	[tilespmem:s19], [sflag:$0x2] =	stream.linear.gather [hbm4b:s0+s3], $0xA00, $0x38;
	[tilespmem:$0x1F8A8] =	vst v63  }
0x22: {  	_ =	swait.ge [sflag:s20], $0xA00  }
0x23: {  	s4 =	simm.s32 @p2 $0x5E00;
	[sflag:s20] =	ssyncset.done $0x0  }
0x24: {  	s0 =	simm.s32 @p2 $0x0;
	s9 =	rddreg [dreg:$0x8];
	[sflag:s20] =	ssyncadd.s32 $0xFFFFF600  }
0x25: {  	[tilespmem:s4], [sflag:$0x2] =	stream.linear.gather @p2 [hbm4b:s9+s0], $0x7D0, $0x38;
	[tilespmem:$0x1F8A8] =	vst v63  }
.Ltmp4:
0x26: {  	s24 =	rddreg [dreg:$0xa];
	s4 =	simm.s32 @p2 $0x2;
	(pc) =	sbr.rel .LBB2_3-.Ltmp4, $4  }
0x27: {  	p1 =	por p2, p2;
	s0 =	sor.u32 s24, s10;
	_ =	swait.ge @p2 [sflag:s4], $0x7D0  }
0x28: {  	s0 =	smul.u32 $0x2710, s0;
	[sflag:s4] =	ssyncset.done @p2 $0x0;
	s26 =	rddreg [dreg:$0x7]  }
0x29: {  	[dreg:$0xe] =	wrdreg s10;
	s9 =	sor.u32 s26, s10;
	[sflag:s4] =	ssyncadd.s32 @p2 $0xFFFFF830  }
0x2a: {  	s4 =	simm.s32 $0x0;
	p2 =	sne.s32 s9, $0x0;
	s9 =	smov.u32 s1  }
.LBB2_7:
0x2b: {  	s4 =	sadd.s32 $0x1, s4  }
0x2c: {  	p4 =	sne.s32 s4, $0x19  }
.Ltmp5:
0x2d: {  	_ = 	snop;
	(pc) =	sbr.rel @!p4 .LBB2_8-.Ltmp5, $2  }
0x2e: {  	_ =	sdelay $0x2  }
0x2f: {  	s9 =	sadd.s32 $0xFA00, s9  }
.LBB2_3:
0x30: {  	s10 =	sand.u32 $0xF, s4  }
0x31: {  	p4 =	sne.s32 s13, s10  }
.Ltmp6:
0x32: {  	_ = 	snop;
	(pc) =	sbr.rel @p4 .LBB2_7-.Ltmp6, $1  }
0x33: {  	_ =	sdelay $0x3  }
0x34: {  	s10 =	sadd.s32 $0x0, s9  }
0x35: {  	[spmem:s10] =	stream.linear.scatter [tilespmem:s19], [sflag:$0x3], $0xA00, $0x38;
	[tilespmem:$0x1F8A8] =	vst v63  }
0x36: {  	s10 =	simm.s32 $0x2800;
	_ =	swait.ge [sflag:s21], $0xA00  }
.LBB2_5:
0x37: {  	s11 =	sshra.s32 s10, $0x2;
	[sflag:s21] =	ssyncset.done $0x0;
	p4 =	sne.s32 s10, $0x3C000  }
.Ltmp7:
0x38: {  	s11 =	sadd.s32 s11, s9;
	[sflag:s21] =	ssyncadd.s32 $0xFFFFF600;
	(pc) =	sbr.rel @p4 .LBB2_5-.Ltmp7, $3  }
0x39: {  	[spmem:s11] =	stream.linear.scatter [tilespmem:s19], [sflag:$0x3], $0xA00, $0x38;
	[tilespmem:$0x1F8A8] =	vst v63  }
0x3a: {  	s10 =	sadd.s32 $0x2800, s10;
	_ =	sdelay $0x1  }
0x3b: {  	_ =	swait.ge [sflag:s21], $0xA00  }
0x3c: {  	s10 =	smul.u32 @!p2 $0x1F40, s4;
	_ =	sdelay $0x1  }
0x3d: {  	[sflag:s21] =	ssyncset.done $0x0;
	s10 =	sshra.s32 @!p2 s10, $0x2  }
0x3e: {  	s11 =	simm.s32 @!p2 $0x5E00;
	[sflag:s21] =	ssyncadd.s32 $0xFFFFF600;
	s10 =	sadd.s32 @!p2 s10, s2  }
0x3f: {  	[spmem:s10] =	stream.linear.scatter @!p2 [tilespmem:s11], [sflag:$0x2], $0x7D0, $0x38;
	[tilespmem:$0x1F8A8] =	vst v63  }
.Ltmp8:
0x40: {  	_ = 	snop;
	(pc) =	sbr.rel .LBB2_7-.Ltmp8, $4  }
0x41: {  	s10 =	simm.s32 @!p2 $0x2  }
0x42: {  	_ =	swait.ge @!p2 [sflag:s10], $0x7D0  }
0x43: {  	[sflag:s10] =	ssyncset.done @!p2 $0x0  }
0x44: {  	[sflag:s10] =	ssyncadd.s32 @!p2 $0xFFFFF830  }
.LBB2_8:
0x45: {  	[bflag:$0x0] =	sbarrier.arrive $0xFFFF;
	v16 =	vmov s0;
	s0 =	simm.s32 $0x0  }
.LBB2_9:
0x46: {  	s4 =	sshll.u32 s0, $0xA  }
0x47: {  	s4 =	sadd.s32 s16, s4  }
0x48: {  	s24 =	rddreg [dreg:$0x5];
	s9 =	sshrl.u32 s4, $0x3  }
0x49: {  	s4 =	sadd.s32 s24, s9  }
0x4a: {  	[tilespmem:s3], [sflag:$0x2] =	stream.linear.gather [hbm4b:s4+s3], $0x400, $0x38;
	[tilespmem:$0x1F8A8] =	vst v63  }
0x4b: {  	_ =	swait.ge [sflag:s20], $0x400  }
0x4c: {  	[sflag:s20] =	ssyncset.done $0x0  }
.Ltmp9:
0x4d: {  	s26 =	sadd.s32 s5, s9;
	[sflag:s20] =	ssyncadd.s32 $0xFFFFFC00;
	(pc) =	sbr.rel @!p1 .LBB2_13-.Ltmp9, $4  }
0x4e: {  	[tilespmem:s17], [sflag:$0x2] =	stream.linear.gather [hbm4b:s26+s3], $0x400, $0x38;
	[tilespmem:$0x1F8A8] =	vst v63  }
0x4f: {  	_ =	swait.ge [sflag:s20], $0x400  }
0x50: {  	[sflag:s20] =	ssyncset.done $0x0  }
0x51: {  	[sflag:s20] =	ssyncadd.s32 $0xFFFFFC00  }
0x52: {  	s4 =	simm.s32 $0x0;
	s10 =	simm.s32 $0xC00  }
0x53: {  	[tilespmem:s10], [sflag:$0x1] =	stream.indirect.gather [hbm4b:s7+s23], $0x1, s4, s23, $0xb8;
	[tilespmem:$0x1F8A8] =	vst v63  }
0x54: {  	s18 =	simm.s32 $0x1000  }
0x55: {  	[tilespmem:s18], [sflag:$0x1] =	stream.indirect.gather [hbm4b:s8+s23], $0x1, s17, s23, $0xb8;
	[tilespmem:$0x1F8A8] =	vst v63  }
0x56: {  	s22 =	simm.s32 $0xC80  }
0x57: {  	[tilespmem:s22], [sflag:$0x1] =	stream.indirect.gather [hbm4b:s7+s23], $0x1, s23, s23, $0xb8;
	[tilespmem:$0x1F8A8] =	vst v63  }
0x58: {  	s24 =	simm.s32 $0x480;
	s26 =	simm.s32 $0x1080  }
0x59: {  	[tilespmem:s26], [sflag:$0x1] =	stream.indirect.gather [hbm4b:s8+s23], $0x1, s24, s23, $0xb8;
	[tilespmem:$0x1F8A8] =	vst v63  }
0x5a: {  	s11 =	simm.s32 $0x100;
	s12 =	simm.s32 $0xD00  }
0x5b: {  	[tilespmem:s12], [sflag:$0x1] =	stream.indirect.gather [hbm4b:s7+s23], $0x1, s11, s23, $0xb8;
	[tilespmem:$0x1F8A8] =	vst v63  }
0x5c: {  	s15 =	simm.s32 $0x500;
	s17 =	simm.s32 $0x1100  }
0x5d: {  	[tilespmem:s17], [sflag:$0x1] =	stream.indirect.gather [hbm4b:s8+s23], $0x1, s15, s23, $0xb8;
	[tilespmem:$0x1F8A8] =	vst v63  }
0x5e: {  	s18 =	simm.s32 $0x180;
	s22 =	simm.s32 $0xD80  }
0x5f: {  	[tilespmem:s22], [sflag:$0x1] =	stream.indirect.gather [hbm4b:s7+s23], $0x1, s18, s23, $0xb8;
	[tilespmem:$0x1F8A8] =	vst v63  }
0x60: {  	s24 =	simm.s32 $0x580;
	s26 =	simm.s32 $0x1180  }
0x61: {  	[tilespmem:s26], [sflag:$0x1] =	stream.indirect.gather [hbm4b:s8+s23], $0x1, s24, s23, $0xb8;
	[tilespmem:$0x1F8A8] =	vst v63  }
0x62: {  	s11 =	simm.s32 $0x200;
	s12 =	simm.s32 $0xE00  }
0x63: {  	[tilespmem:s12], [sflag:$0x1] =	stream.indirect.gather [hbm4b:s7+s23], $0x1, s11, s23, $0xb8;
	[tilespmem:$0x1F8A8] =	vst v63  }
0x64: {  	s15 =	simm.s32 $0x600;
	s17 =	simm.s32 $0x1200  }
0x65: {  	[tilespmem:s17], [sflag:$0x1] =	stream.indirect.gather [hbm4b:s8+s23], $0x1, s15, s23, $0xb8;
	[tilespmem:$0x1F8A8] =	vst v63  }
0x66: {  	s18 =	simm.s32 $0x280;
	s22 =	simm.s32 $0xE80  }
0x67: {  	[tilespmem:s22], [sflag:$0x1] =	stream.indirect.gather [hbm4b:s7+s23], $0x1, s18, s23, $0xb8;
	[tilespmem:$0x1F8A8] =	vst v63  }
0x68: {  	s24 =	simm.s32 $0x680;
	s26 =	simm.s32 $0x1280  }
0x69: {  	[tilespmem:s26], [sflag:$0x1] =	stream.indirect.gather [hbm4b:s8+s23], $0x1, s24, s23, $0xb8;
	[tilespmem:$0x1F8A8] =	vst v63  }
0x6a: {  	s11 =	simm.s32 $0x300;
	s12 =	simm.s32 $0xF00  }
0x6b: {  	[tilespmem:s12], [sflag:$0x1] =	stream.indirect.gather [hbm4b:s7+s23], $0x1, s11, s23, $0xb8;
	[tilespmem:$0x1F8A8] =	vst v63  }
0x6c: {  	s15 =	simm.s32 $0x700;
	s17 =	simm.s32 $0x1300  }
0x6d: {  	[tilespmem:s17], [sflag:$0x1] =	stream.indirect.gather [hbm4b:s8+s23], $0x1, s15, s23, $0xb8;
	[tilespmem:$0x1F8A8] =	vst v63  }
0x6e: {  	s18 =	simm.s32 $0x380;
	s22 =	simm.s32 $0xF80  }
0x6f: {  	[tilespmem:s22], [sflag:$0x1] =	stream.indirect.gather [hbm4b:s7+s23], $0x1, s18, s23, $0xb8;
	[tilespmem:$0x1F8A8] =	vst v63  }
0x70: {  	s24 =	simm.s32 $0x780;
	s26 =	simm.s32 $0x1380  }
0x71: {  	[tilespmem:s26], [sflag:$0x1] =	stream.indirect.gather [hbm4b:s8+s23], $0x1, s24, s23, $0xb8;
	[tilespmem:$0x1F8A8] =	vst v63  }
0x72: {  	_ =	swait.ge [sflag:s25], $0x80  }
0x73: {  	[sflag:s25] =	ssyncset.done $0x0  }
0x74: {  	[sflag:s25] =	ssyncadd.s32 $0xFFFFFF80  }
0x75: {  	_ =	swait.ge [sflag:s25], $0x80  }
0x76: {  	[sflag:s25] =	ssyncset.done $0x0  }
0x77: {  	[sflag:s25] =	ssyncadd.s32 $0xFFFFFF80  }
0x78: {  	_ =	swait.ge [sflag:s25], $0x80  }
0x79: {  	[sflag:s25] =	ssyncset.done $0x0  }
0x7a: {  	[sflag:s25] =	ssyncadd.s32 $0xFFFFFF80  }
0x7b: {  	_ =	swait.ge [sflag:s25], $0x80  }
0x7c: {  	[sflag:s25] =	ssyncset.done $0x0  }
0x7d: {  	[sflag:s25] =	ssyncadd.s32 $0xFFFFFF80  }
0x7e: {  	_ =	swait.ge [sflag:s25], $0x80  }
0x7f: {  	[sflag:s25] =	ssyncset.done $0x0  }
0x80: {  	[sflag:s25] =	ssyncadd.s32 $0xFFFFFF80  }
0x81: {  	_ =	swait.ge [sflag:s25], $0x80  }
0x82: {  	[sflag:s25] =	ssyncset.done $0x0  }
0x83: {  	[sflag:s25] =	ssyncadd.s32 $0xFFFFFF80  }
0x84: {  	_ =	swait.ge [sflag:s25], $0x80  }
0x85: {  	[sflag:s25] =	ssyncset.done $0x0  }
0x86: {  	[sflag:s25] =	ssyncadd.s32 $0xFFFFFF80  }
0x87: {  	_ =	swait.ge [sflag:s25], $0x80  }
0x88: {  	[sflag:s25] =	ssyncset.done $0x0  }
0x89: {  	[sflag:s25] =	ssyncadd.s32 $0xFFFFFF80  }
0x8a: {  	_ =	swait.ge [sflag:s25], $0x80  }
0x8b: {  	[sflag:s25] =	ssyncset.done $0x0  }
0x8c: {  	[sflag:s25] =	ssyncadd.s32 $0xFFFFFF80  }
0x8d: {  	_ =	swait.ge [sflag:s25], $0x80  }
0x8e: {  	[sflag:s25] =	ssyncset.done $0x0  }
0x8f: {  	[sflag:s25] =	ssyncadd.s32 $0xFFFFFF80  }
0x90: {  	_ =	swait.ge [sflag:s25], $0x80  }
0x91: {  	[sflag:s25] =	ssyncset.done $0x0  }
0x92: {  	[sflag:s25] =	ssyncadd.s32 $0xFFFFFF80  }
0x93: {  	_ =	swait.ge [sflag:s25], $0x80  }
0x94: {  	[sflag:s25] =	ssyncset.done $0x0  }
0x95: {  	[sflag:s25] =	ssyncadd.s32 $0xFFFFFF80  }
0x96: {  	_ =	swait.ge [sflag:s25], $0x80  }
0x97: {  	[sflag:s25] =	ssyncset.done $0x0  }
0x98: {  	[sflag:s25] =	ssyncadd.s32 $0xFFFFFF80  }
0x99: {  	_ =	swait.ge [sflag:s25], $0x80  }
0x9a: {  	[sflag:s25] =	ssyncset.done $0x0  }
0x9b: {  	[sflag:s25] =	ssyncadd.s32 $0xFFFFFF80  }
0x9c: {  	_ =	swait.ge [sflag:s25], $0x80  }
0x9d: {  	[sflag:s25] =	ssyncset.done $0x0  }
0x9e: {  	[sflag:s25] =	ssyncadd.s32 $0xFFFFFF80  }
0x9f: {  	_ =	swait.ge [sflag:s25], $0x80  }
0xa0: {  	[sflag:s25] =	ssyncset.done $0x0  }
0xa1: {  	s10 =	simm.s32 $0x0;
	[sflag:s25] =	ssyncadd.s32 $0xFFFFFF80  }
0xa2: {  	v17 =	vld [tilespmem:s10+$0xC00]  }
0xa3: {  	v18 =	vld [tilespmem:s10+$0x1000];
	_ =	sdelay $0x4  }
0xa4: {  	v17 =	vadd.f32 v18, v17;
	_ =	sdelay $0x1  }
0xa5: {  	s11 =	simm.s32 $0x10;
	v18 =	vmul.f32 $2.000000030e-01, v17  }
0xa6: {  	v19 =	vld [tilespmem:s11+$0xC00];
	vm0 =	vge.f32 v17, $0.0e+00  }
0xa7: {  	v20 =	vld [tilespmem:s11+$0x1000];
	v17 =	vsel vm0, v17, v18  }
0xa8: {  	s4 =	simm.s32 $0x20;
	v17 =	vmul.f32 $1.442695020e+00, v17  }
0xa9: {  	v18 =	vld [tilespmem:s4+$0xC00]  }
0xaa: {  	(erf) = vpow2.f32 v17;
	v17 =	vld [tilespmem:s4+$0x1000];
	_ =	sdelay $0x1  }
0xab: {  	v19 =	vadd.f32 v20, v19;
	_ =	sdelay $0x1  }
0xac: {  	v20 =	vmul.f32 $2.000000030e-01, v19  }
0xad: {  	vm14 =	vge.f32 v19, $0.0e+00;
	v21 =	vadd.f32 v17, v18  }
0xae: {  	v17 =	vsel vm14, v19, v20  }
0xaf: {  	s12 =	simm.s32 $0x30;
	v18 =	vmul.f32 $1.442695020e+00, v17;
	v19 =	vmul.f32 $2.000000030e-01, v21  }
0xb0: {  	v17 =	vld [tilespmem:s12+$0xC00]  }
0xb1: {  	(erf) = vpow2.f32 v18;
	v18 =	vld [tilespmem:s12+$0x1000]  }
0xb2: {  	vm15 =	vge.f32 v21, $0.0e+00  }
0xb3: {  	s15 =	simm.s32 $0x100;
	v20 =	vsel vm15, v21, v19;
	v19 =	vpop (erf)  }
.LBB2_11:
0xb4: {  	s17 =	sshra.s32 s15, $0x2  }
0xb5: {  	v20 =	vmul.f32 $1.442695020e+00, v20;
	[tilespmem:s10+$0x800] =	vst v19;
	s10 =	smov.u32 s11;
	s11 =	smov.u32 s4;
	p4 =	sne.s32 s15, $0xFC0  }
.Ltmp10:
0xb6: {  	s15 =	sadd.s32 $0x40, s15;
	v19 =	vadd.f32 v18, v17;
	v17 =	vld [tilespmem:s17+$0xC00];
	(pc) =	sbr.rel @p4 .LBB2_11-.Ltmp10, $4  }
0xb7: {  	s4 =	smov.u32 s12;
	s12 =	smov.u32 s17;
	v18 =	vld [tilespmem:s17+$0x1000];
	(erf) = vpow2.f32 v20  }
0xb8: {  	v20 =	vmul.f32 $2.000000030e-01, v19  }
0xb9: {  	vm0 =	vge.f32 v19, $0.0e+00  }
0xba: {  	v20 =	vsel vm0, v19, v20;
	v19 =	vpop (erf)  }
0xbb: {  	_ = 	snop  }
0xbc: {  	v17 =	vadd.f32 v18, v17;
	_ =	sdelay $0x1  }
0xbd: {  	v18 =	vmul.f32 $2.000000030e-01, v17  }
0xbe: {  	vm0 =	vge.f32 v17, $0.0e+00  }
0xbf: {  	v17 =	vsel vm0, v17, v18;
	v18 =	vmul.f32 $1.442695020e+00, v20  }
0xc0: {  	v17 =	vmul.f32 $1.442695020e+00, v17  }
0xc1: {  	(erf) = vpow2.f32 v18  }
0xc2: {  	(erf) = vpow2.f32 v17;
	_ =	sdelay $0x6  }
0xc3: {  	[tilespmem:s10+$0x800] =	vst v19;
	v17 =	vpop (erf)  }
0xc4: {  	[tilespmem:s11+$0x800] =	vst v17;
	v17 =	vpop (erf)  }
0xc5: {  	[tilespmem:s4+$0x800] =	vst v17;
	v17 =	vpop (erf)  }
0xc6: {  	s24 =	sadd.s32 s14, s9;
	s26 =	simm.s32 $0x800;
	[tilespmem:s12+$0x800] =	vst v17  }
0xc7: {  	[hbm4b:s24+s3] =	stream.linear.scatter [tilespmem:s26], [sflag:$0x2], $0x400, $0x38;
	[tilespmem:$0x1F8A8] =	vst v63  }
0xc8: {  	_ =	swait.ge [sflag:s20], $0x400  }
0xc9: {  	s9 =	simm.s32 @!p0 $0x400;
	[sflag:s20] =	ssyncset.done $0x0  }
0xca: {  	s10 =	simm.s32 @!p0 $0x800;
	s4 =	simm.s32 @!p0 $0x80;
	[sflag:s20] =	ssyncadd.s32 $0xFFFFFC00  }
0xcb: {  	[spmem:s2] =	stream.indirect.scatter.add.f32 @!p0 [tilespmem:s10], [sflag:$0x2], $0x1, s9, s4, $0xb8;
	[tilespmem:$0x1F8A8] =	vst v63  }
0xcc: {  	s9 =	simm.s32 @!p0 $0x2  }
0xcd: {  	_ =	swait.ge @!p0 [sflag:s9], $0x80  }
0xce: {  	[sflag:s9] =	ssyncset.done @!p0 $0x0  }
0xcf: {  	s11 =	simm.s32 @!p0 $0x880;
	s10 =	simm.s32 @!p0 $0x480;
	[sflag:s9] =	ssyncadd.s32 @!p0 $0xFFFFFF80  }
0xd0: {  	[spmem:s2] =	stream.indirect.scatter.add.f32 @!p0 [tilespmem:s11], [sflag:$0x2], $0x1, s10, s4, $0xb8;
	[tilespmem:$0x1F8A8] =	vst v63  }
0xd1: {  	_ =	swait.ge @!p0 [sflag:s9], $0x80  }
0xd2: {  	[sflag:s9] =	ssyncset.done @!p0 $0x0  }
0xd3: {  	s10 =	simm.s32 @!p0 $0x500;
	s11 =	simm.s32 @!p0 $0x900;
	[sflag:s9] =	ssyncadd.s32 @!p0 $0xFFFFFF80  }
0xd4: {  	[spmem:s2] =	stream.indirect.scatter.add.f32 @!p0 [tilespmem:s11], [sflag:$0x2], $0x1, s10, s4, $0xb8;
	[tilespmem:$0x1F8A8] =	vst v63  }
0xd5: {  	_ =	swait.ge @!p0 [sflag:s9], $0x80  }
0xd6: {  	[sflag:s9] =	ssyncset.done @!p0 $0x0  }
0xd7: {  	s10 =	simm.s32 @!p0 $0x580;
	s11 =	simm.s32 @!p0 $0x980;
	[sflag:s9] =	ssyncadd.s32 @!p0 $0xFFFFFF80  }
0xd8: {  	[spmem:s2] =	stream.indirect.scatter.add.f32 @!p0 [tilespmem:s11], [sflag:$0x2], $0x1, s10, s4, $0xb8;
	[tilespmem:$0x1F8A8] =	vst v63  }
0xd9: {  	_ =	swait.ge @!p0 [sflag:s9], $0x80  }
0xda: {  	[sflag:s9] =	ssyncset.done @!p0 $0x0  }
0xdb: {  	s10 =	simm.s32 @!p0 $0x600;
	s11 =	simm.s32 @!p0 $0xA00;
	[sflag:s9] =	ssyncadd.s32 @!p0 $0xFFFFFF80  }
0xdc: {  	[spmem:s2] =	stream.indirect.scatter.add.f32 @!p0 [tilespmem:s11], [sflag:$0x2], $0x1, s10, s4, $0xb8;
	[tilespmem:$0x1F8A8] =	vst v63  }
0xdd: {  	_ =	swait.ge @!p0 [sflag:s9], $0x80  }
0xde: {  	[sflag:s9] =	ssyncset.done @!p0 $0x0  }
0xdf: {  	s10 =	simm.s32 @!p0 $0x680;
	s11 =	simm.s32 @!p0 $0xA80;
	[sflag:s9] =	ssyncadd.s32 @!p0 $0xFFFFFF80  }
0xe0: {  	[spmem:s2] =	stream.indirect.scatter.add.f32 @!p0 [tilespmem:s11], [sflag:$0x2], $0x1, s10, s4, $0xb8;
	[tilespmem:$0x1F8A8] =	vst v63  }
0xe1: {  	_ =	swait.ge @!p0 [sflag:s9], $0x80  }
0xe2: {  	[sflag:s9] =	ssyncset.done @!p0 $0x0  }
0xe3: {  	s10 =	simm.s32 @!p0 $0x700;
	s11 =	simm.s32 @!p0 $0xB00;
	[sflag:s9] =	ssyncadd.s32 @!p0 $0xFFFFFF80  }
0xe4: {  	[spmem:s2] =	stream.indirect.scatter.add.f32 @!p0 [tilespmem:s11], [sflag:$0x2], $0x1, s10, s4, $0xb8;
	[tilespmem:$0x1F8A8] =	vst v63  }
0xe5: {  	_ =	swait.ge @!p0 [sflag:s9], $0x80  }
0xe6: {  	s10 =	simm.s32 @!p0 $0x780;
	[sflag:s9] =	ssyncset.done @!p0 $0x0  }
.Ltmp11:
0xe7: {  	s11 =	simm.s32 @!p0 $0xB80;
	[sflag:s9] =	ssyncadd.s32 @!p0 $0xFFFFFF80;
	(pc) =	sbr.rel .LBB2_14-.Ltmp11, $4  }
0xe8: {  	[spmem:s2] =	stream.indirect.scatter.add.f32 @!p0 [tilespmem:s11], [sflag:$0x2], $0x1, s10, s4, $0xb8;
	[tilespmem:$0x1F8A8] =	vst v63  }
0xe9: {  	_ =	swait.ge @!p0 [sflag:s9], $0x80  }
0xea: {  	[sflag:s9] =	ssyncset.done @!p0 $0x0  }
0xeb: {  	[sflag:s9] =	ssyncadd.s32 @!p0 $0xFFFFFF80  }
.LBB2_13:
0xec: {  	s4 =	sadd.s32 @p3 s14, s9;
	s9 =	simm.s32 @p3 $0x0;
	s10 =	simm.s32 @p3 $0x800  }
0xed: {  	[tilespmem:s10], [sflag:$0x2] =	stream.linear.gather @p3 [hbm4b:s4+s9], $0x400, $0x38;
	[tilespmem:$0x1F8A8] =	vst v63  }
0xee: {  	s4 =	simm.s32 @p3 $0x2  }
0xef: {  	_ =	swait.ge @p3 [sflag:s4], $0x400  }
0xf0: {  	[sflag:s4] =	ssyncset.done @p3 $0x0  }
0xf1: {  	[sflag:s4] =	ssyncadd.s32 @p3 $0xFFFFFC00  }
.LBB2_14:
0xf2: {  	s9 =	simm.s32 $0x0  }
0xf3: {  	s4 =	sand.u32 $0xE00, s9  }
0xf4: {  	s10 =	sand.u32 $0x70, s9;
	s4 =	sshrl.u32 s4, $0x2  }
0xf5: {  	s4 =	sor.u32 s10, s4  }
0xf6: {  	v17 =	vld [tilespmem:s4+$0x0];
	_ =	sdelay $0x4  }
0xf7: {  	s26 =	simm.s32 $0x40;
	vm0 =	vlt.s32 v17, $0x270F  }
0xf8: {  	s11 =	simm.s32 $0x10;
	s12 =	sand.u32 $0xE00, s26;
	s10 =	simm.s32 $0x80;
	v17 =	vnsel vm0, $0x270F, v17  }
.LBB2_15:
0xf9: {  	p4 =	sne.s32 s10, $0xFC0;
	s15 =	sand.u32 $0x70, s11;
	s12 =	sshrl.u32 s12, $0x2;
	v17 =	vadd.s32 v16, v17  }
0xfa: {  	[tilespmem:s4+$0x0] =	vst v17;
	s4 =	sor.u32 s15, s12  }
0xfb: {  	v17 =	vld [tilespmem:s4+$0x0];
	_ =	sdelay $0x1  }
.Ltmp12:
0xfc: {  	(pc) =	sbr.rel @p4 .LBB2_15-.Ltmp12, $3  }
0xfd: {  	_ =	sdelay $0x1  }
0xfe: {  	vm0 =	vlt.s32 v17, $0x270F  }
0xff: {  	s11 =	sadd.s32 $0x10, s11;
	s12 =	sand.u32 $0xE00, s10;
	s10 =	sadd.s32 $0x40, s10;
	v17 =	vnsel vm0, $0x270F, v17  }
0x100: {  	s10 =	sand.u32 $0x70, s11;
	s26 =	sshrl.u32 s12, $0x2;
	v17 =	vadd.s32 v16, v17  }
0x101: {  	s10 =	sor.u32 s10, s26;
	[tilespmem:s4+$0x0] =	vst v17  }
0x102: {  	v17 =	vld [tilespmem:s10+$0x0];
	_ =	sdelay $0x4  }
0x103: {  	vm0 =	vlt.s32 v17, $0x270F  }
0x104: {  	v17 =	vnsel vm0, $0x270F, v17  }
0x105: {  	v17 =	vadd.s32 v16, v17  }
0x106: {  	p5 =	por $0x1, $0x1;
	[tilespmem:s10+$0x0] =	vst v17  }
.LBB2_17:
0x107: {  	s17 =	sshll.u32 s9, $0x9  }
0x108: {  	[tilespmem:s28], [sflag:$0x1] =	stream.indirect.gather [hbm4b:s6+s23], $0x20, s17, s23, $0xb8;
	[tilespmem:$0x1F8A8] =	vst v63  }
0x109: {  	s9 =	sor.u32 $0x80, s17  }
0x10a: {  	[tilespmem:s29], [sflag:$0x1] =	stream.indirect.gather [hbm4b:s6+s23], $0x20, s9, s23, $0xb8;
	[tilespmem:$0x1F8A8] =	vst v63  }
0x10b: {  	s11 =	sor.u32 $0x100, s17  }
0x10c: {  	[tilespmem:s30], [sflag:$0x1] =	stream.indirect.gather [hbm4b:s6+s23], $0x20, s11, s23, $0xb8;
	[tilespmem:$0x1F8A8] =	vst v63  }
0x10d: {  	s10 =	sor.u32 $0x180, s17  }
0x10e: {  	[tilespmem:s31], [sflag:$0x1] =	stream.indirect.gather [hbm4b:s6+s23], $0x20, s10, s23, $0xb8;
	[tilespmem:$0x1F8A8] =	vst v63  }
0x10f: {  	_ =	swait.ge [sflag:s25], $0x1000  }
0x110: {  	[sflag:s25] =	ssyncset.done $0x0  }
0x111: {  	[sflag:s25] =	ssyncadd.s32 $0xFFFFF000  }
0x112: {  	_ =	swait.ge [sflag:s25], $0x1000  }
0x113: {  	[sflag:s25] =	ssyncset.done $0x0  }
0x114: {  	[sflag:s25] =	ssyncadd.s32 $0xFFFFF000  }
0x115: {  	_ =	swait.ge [sflag:s25], $0x1000  }
0x116: {  	s4 =	simm.s32 $0x0;
	s12 =	simm.s32 $0x0;
	[sflag:s25] =	ssyncset.done $0x0  }
0x117: {  	s22 =	simm.s32 $0x0;
	s4 =	sand.u32 $0x70, s4;
	[sflag:s25] =	ssyncadd.s32 $0xFFFFF000  }
0x118: {  	s12 =	sand.u32 $0xFFFFF000, s12;
	s24 =	sand.u32 $0x3FFFFE00, s17;
	_ =	swait.ge [sflag:s25], $0x1000  }
0x119: {  	s26 =	sand.u32 $0x3FFFFF80, s22;
	s15 =	sshll.u32 s4, $0x5;
	[sflag:s25] =	ssyncset.done $0x0  }
0x11a: {  	s18 =	sadd.s32 $0x800, s24;
	s15 =	sor.u32 s15, s12;
	[sflag:s25] =	ssyncadd.s32 $0xFFFFF000  }
0x11b: {  	s12 =	sadd.s32 s26, s18;
	v17 =	vld [tilespmem:s15+$0x1550]  }
0x11c: {  	s4 =	sadd.s32 s4, s12;
	v18 =	vld [tilespmem:s15+$0x14F0]  }
0x11d: {  	v23 =	vld [tilespmem:s4+$0x0]  }
0x11e: {  	v19 =	vld [tilespmem:s15+$0x1560]  }
0x11f: {  	v20 =	vld [tilespmem:s15+$0x1530]  }
0x120: {  	v21 =	vld [tilespmem:s15+$0x1420]  }
0x121: {  	v22 =	vld [tilespmem:s15+$0x15E0]  }
0x122: {  	v24 =	vld [tilespmem:s15+$0x1470];
	v31 =	vperm.xlane v23, v10  }
0x123: {  	v25 =	vld [tilespmem:s15+$0x1570];
	v32 =	vperm.xlane v23, v7  }
0x124: {  	v33 =	vld [tilespmem:s15+$0x1430];
	v34 =	vperm.xlane v23, v11;
	v17 =	vmul.f32 v17, v31  }
0x125: {  	v35 =	vld [tilespmem:s15+$0x1520];
	v36 =	vperm.xlane v23, v9;
	v18 =	vmul.f32 v18, v32  }
0x126: {  	v37 =	vld [tilespmem:s15+$0x1480];
	v38 =	vperm.xlane v23, v1;
	v19 =	vmul.f32 v19, v34;
	[tilespmem:s15+$0x1550] =	vst v17  }
0x127: {  	v28 =	vld [tilespmem:s15+$0x1490];
	v20 =	vmul.f32 v20, v36;
	[tilespmem:s15+$0x14F0] =	vst v18  }
0x128: {  	v40 =	vld [tilespmem:s15+$0x14A0];
	v21 =	vmul.f32 v21, v38;
	[tilespmem:s15+$0x1560] =	vst v19  }
0x129: {  	v58 =	vld [tilespmem:s15+$0x1440];
	v19 =	vperm.xlane v23, v4;
	[tilespmem:s15+$0x1530] =	vst v20;
	v20 =	vmul.f32 v33, v38  }
0x12a: {  	v35 =	vmul.f32 v35, v36;
	v17 =	vld [tilespmem:s15+$0x14C0];
	[tilespmem:s15+$0x1420] =	vst v21  }
0x12b: {  	v21 =	vld [tilespmem:s15+$0x14B0];
	v37 =	vmul.f32 v37, v19;
	[tilespmem:s15+$0x1430] =	vst v20;
	v20 =	vperm.xlane v23, v5  }
0x12c: {  	v53 =	vld [tilespmem:s15+$0x1400];
	v43 =	vperm.xlane v23, v2;
	[tilespmem:s15+$0x1520] =	vst v35;
	v19 =	vmul.f32 v28, v19  }
0x12d: {  	v52 =	vperm.xlane v23, v6;
	v18 =	vld [tilespmem:s15+$0x1410];
	[tilespmem:s15+$0x1480] =	vst v37;
	v57 =	vmul.f32 v40, v20  }
0x12e: {  	v54 =	vld [tilespmem:s15+$0x1590];
	[tilespmem:s15+$0x1490] =	vst v19;
	v40 =	vmul.f32 v58, v43  }
0x12f: {  	v55 =	vld [tilespmem:s15+$0x15C0];
	v56 =	vperm.xlane v23, v0;
	v17 =	vmul.f32 v17, v52;
	[tilespmem:s15+$0x14A0] =	vst v57  }
0x130: {  	v27 =	vld [tilespmem:s15+$0x1580];
	v19 =	vmul.f32 v21, v20;
	[tilespmem:s15+$0x1440] =	vst v40  }
0x131: {  	v61 =	vld [tilespmem:s15+$0x15D0];
	v20 =	vperm.xlane v23, v12;
	v21 =	vmul.f32 v53, v56;
	[tilespmem:s15+$0x14C0] =	vst v17  }
0x132: {  	v60 =	vperm.xlane v23, v14;
	v18 =	vmul.f32 v18, v56;
	v17 =	vld [tilespmem:s15+$0x1510];
	[tilespmem:s15+$0x14B0] =	vst v19  }
0x133: {  	v26 =	vld [tilespmem:s15+$0x1450];
	v19 =	vmul.f32 v54, v20;
	[tilespmem:s15+$0x1400] =	vst v21  }
0x134: {  	v59 =	vld [tilespmem:s15+$0x15B0];
	v21 =	vmul.f32 v55, v60;
	[tilespmem:s15+$0x1410] =	vst v18  }
0x135: {  	v41 =	vld [tilespmem:s15+$0x15A0];
	v42 =	vperm.xlane v23, v8;
	v20 =	vmul.f32 v27, v20;
	[tilespmem:s15+$0x1590] =	vst v19  }
0x136: {  	v18 =	vmul.f32 v61, v60;
	[tilespmem:s15+$0x15C0] =	vst v21;
	v21 =	vld [tilespmem:s15+$0x1540]  }
0x137: {  	v29 =	vld [tilespmem:s15+$0x1500];
	v19 =	vperm.xlane v23, v13;
	[tilespmem:s15+$0x1580] =	vst v20;
	v17 =	vmul.f32 v17, v42  }
0x138: {  	s24 =	simm.s32 $0x10;
	v30 =	vld [tilespmem:s15+$0x14E0];
	[tilespmem:s15+$0x15D0] =	vst v18;
	v18 =	vmul.f32 v26, v43;
	v26 =	vperm.xlane v23, v3  }
0x139: {  	s22 =	simm.s32 $0x200;
	v39 =	vld [tilespmem:s15+$0x1460];
	s4 =	sand.u32 $0x70, s24;
	[tilespmem:s15+$0x1510] =	vst v17;
	v17 =	vmul.f32 v59, v19  }
0x13a: {  	s12 =	sand.u32 $0xFFFFF000, s22;
	v62 =	vld [tilespmem:s15+$0x15F0];
	s26 =	sshll.u32 s4, $0x5;
	[tilespmem:s15+$0x1450] =	vst v18;
	v18 =	vmul.f32 v24, v26  }
0x13b: {  	s26 =	sor.u32 s26, s12;
	v21 =	vmul.f32 v21, v31;
	[tilespmem:s15+$0x15B0] =	vst v17;
	v17 =	vmul.f32 v41, v19;
	v19 =	vld [tilespmem:s15+$0x14D0]  }
0x13c: {  	v27 =	vperm.xlane v23, v15;
	v20 =	vld [tilespmem:s26+$0x1550];
	[tilespmem:s15+$0x1470] =	vst v18  }
0x13d: {  	v63 =	vmul.f32 v25, v34;
	v18 =	vld [tilespmem:s26+$0x1470];
	[tilespmem:s15+$0x1540] =	vst v21  }
0x13e: {  	v23 =	vld [tilespmem:s26+$0x14F0];
	[tilespmem:s15+$0x15A0] =	vst v17;
	v17 =	vmul.f32 v22, v27  }
0x13f: {  	s22 =	simm.s32 $0x10;
	v21 =	vmul.f32 v29, v42;
	v24 =	vld [tilespmem:s26+$0x1560];
	[tilespmem:s15+$0x1570] =	vst v63  }
0x140: {  	s12 =	sand.u32 $0x3FFFFF80, s22;
	v22 =	vld [tilespmem:s26+$0x1530];
	[tilespmem:s15+$0x15E0] =	vst v17;
	v17 =	vmul.f32 v19, v52  }
0x141: {  	s22 =	sadd.s32 s12, s18;
	v25 =	vmul.f32 v62, v27;
	[tilespmem:s15+$0x1500] =	vst v21;
	v21 =	vld [tilespmem:s26+$0x1420]  }
0x142: {  	p4 =	por p5, p5;
	s12 =	simm.s32 $0x2;
	s4 =	sadd.s32 s4, s22;
	v26 =	vmul.f32 v39, v26;
	v19 =	vmul.f32 v30, v32;
	[tilespmem:s15+$0x14D0] =	vst v17;
	v17 =	vld [tilespmem:s26+$0x15E0]  }
.LBB2_18:
0x143: {  	p5 =	sne.s32 s12, $0x1F  }
0x144: {  	v27 =	vld [tilespmem:s26+$0x1570];
	s24 =	sadd.s32 $0x10, s24;
	[tilespmem:s15+$0x1460] =	vst v26;
	s22 =	smov.u32 s12;
	s12 =	sadd.s32 $0x1, s12  }
0x145: {  	v26 =	vld [tilespmem:s26+$0x1450];
	[tilespmem:s15+$0x14E0] =	vst v19  }
0x146: {  	v28 =	vld [tilespmem:s26+$0x1580];
	[tilespmem:s15+$0x15F0] =	vst v25;
	s15 =	smov.u32 s26  }
0x147: {  	v25 =	vld [tilespmem:s4+$0x0]  }
0x148: {  	v29 =	vld [tilespmem:s15+$0x1490]  }
0x149: {  	v30 =	vld [tilespmem:s15+$0x15A0]  }
0x14a: {  	v31 =	vld [tilespmem:s15+$0x1460]  }
0x14b: {  	v32 =	vld [tilespmem:s15+$0x1500]  }
0x14c: {  	v19 =	vperm.xlane v25, v7;
	v33 =	vld [tilespmem:s15+$0x14E0];
	v34 =	vperm.xlane v25, v10  }
0x14d: {  	v36 =	vperm.xlane v25, v9;
	v37 =	vperm.xlane v25, v11;
	v35 =	vld [tilespmem:s15+$0x1430]  }
0x14e: {  	v23 =	vmul.f32 v23, v19;
	v38 =	vld [tilespmem:s15+$0x1520];
	v20 =	vmul.f32 v20, v34  }
0x14f: {  	v22 =	vmul.f32 v22, v36;
	v24 =	vmul.f32 v24, v37;
	v39 =	vld [tilespmem:s15+$0x1410]  }
0x150: {  	v40 =	vperm.xlane v25, v1;
	v41 =	vperm.xlane v25, v3;
	v42 =	vld [tilespmem:s15+$0x1480];
	[tilespmem:s15+$0x1550] =	vst v20  }
0x151: {  	v27 =	vmul.f32 v27, v37;
	v20 =	vld [tilespmem:s15+$0x14C0];
	v19 =	vmul.f32 v33, v19;
	[tilespmem:s15+$0x14F0] =	vst v23  }
0x152: {  	v21 =	vmul.f32 v21, v40;
	v23 =	vmul.f32 v35, v40;
	[tilespmem:s15+$0x1560] =	vst v24;
	v24 =	vld [tilespmem:s15+$0x15D0]  }
0x153: {  	v33 =	vperm.xlane v25, v4;
	v35 =	vld [tilespmem:s15+$0x14A0];
	v36 =	vmul.f32 v38, v36;
	[tilespmem:s15+$0x1530] =	vst v22  }
0x154: {  	v18 =	vmul.f32 v18, v41;
	v22 =	vperm.xlane v25, v6;
	[tilespmem:s15+$0x1420] =	vst v21;
	v21 =	vld [tilespmem:s15+$0x14B0]  }
0x155: {  	v29 =	vmul.f32 v29, v33;
	v37 =	vld [tilespmem:s15+$0x1400];
	v38 =	vmul.f32 v42, v33;
	[tilespmem:s15+$0x1520] =	vst v36  }
0x156: {  	[tilespmem:s15+$0x1430] =	vst v23;
	v23 =	vperm.xlane v25, v5;
	v20 =	vmul.f32 v20, v22;
	v33 =	vld [tilespmem:s15+$0x1590]  }
0x157: {  	v36 =	vperm.xlane v25, v2;
	[tilespmem:s15+$0x1480] =	vst v38;
	v38 =	vperm.xlane v25, v8;
	v40 =	vld [tilespmem:s15+$0x15C0]  }
0x158: {  	v42 =	vperm.xlane v25, v0;
	v35 =	vmul.f32 v35, v23;
	[tilespmem:s15+$0x14C0] =	vst v20;
	v20 =	vld [tilespmem:s15+$0x1510]  }
0x159: {  	v43 =	vld [tilespmem:s15+$0x1440];
	[tilespmem:s15+$0x1490] =	vst v29;
	v21 =	vmul.f32 v21, v23;
	v23 =	vperm.xlane v25, v12  }
0x15a: {  	v29 =	vmul.f32 v37, v42;
	[tilespmem:s15+$0x14A0] =	vst v35;
	v35 =	vld [tilespmem:s15+$0x15B0];
	v37 =	vperm.xlane v25, v14  }
0x15b: {  	[tilespmem:s15+$0x14B0] =	vst v21;
	v21 =	vmul.f32 v28, v23;
	v23 =	vmul.f32 v33, v23;
	v28 =	vld [tilespmem:s15+$0x15F0]  }
0x15c: {  	[tilespmem:s15+$0x1400] =	vst v29;
	v29 =	vmul.f32 v40, v37;
	v24 =	vmul.f32 v24, v37  }
0x15d: {  	v33 =	vld [tilespmem:s15+$0x14D0];
	v20 =	vmul.f32 v20, v38;
	[tilespmem:s15+$0x1590] =	vst v23;
	v23 =	vperm.xlane v25, v13  }
0x15e: {  	v37 =	vmul.f32 v43, v36;
	v40 =	vld [tilespmem:s15+$0x1540];
	[tilespmem:s15+$0x15C0] =	vst v29;
	v29 =	vperm.xlane v25, v15  }
0x15f: {  	[tilespmem:s15+$0x1510] =	vst v20;
	v20 =	vmul.f32 v30, v23;
	v23 =	vmul.f32 v35, v23  }
0x160: {  	s4 =	sshll.u32 s22, $0x4;
	v30 =	vmul.f32 v39, v42;
	[tilespmem:s15+$0x1440] =	vst v37;
	v25 =	vmul.f32 v28, v29  }
0x161: {  	s4 =	sand.u32 $0x3FFFFF80, s4;
	v28 =	vmul.f32 v26, v36;
	v17 =	vmul.f32 v17, v29;
	[tilespmem:s15+$0x15B0] =	vst v23  }
0x162: {  	s26 =	sand.u32 $0x70, s24;
	s22 =	sshll.u32 s22, $0xB;
	s4 =	sadd.s32 s4, s18;
	[tilespmem:s15+$0x1410] =	vst v30;
	v29 =	vmul.f32 v33, v22;
	v30 =	vmul.f32 v32, v38  }
0x163: {  	s22 =	sshra.s32 s22, $0x2;
	s4 =	sadd.s32 s26, s4;
	v26 =	vmul.f32 v31, v41;
	v22 =	vmul.f32 v40, v34;
	[tilespmem:s15+$0x1580] =	vst v21  }
0x164: {  	s22 =	sand.u32 $0xFFFFF000, s22;
	s26 =	sshll.u32 s26, $0x5;
	[tilespmem:s15+$0x15A0] =	vst v20  }
0x165: {  	s26 =	sor.u32 s26, s22;
	[tilespmem:s15+$0x15D0] =	vst v24  }
0x166: {  	v20 =	vld [tilespmem:s26+$0x1550];
	[tilespmem:s15+$0x1540] =	vst v22  }
0x167: {  	v23 =	vld [tilespmem:s26+$0x14F0];
	[tilespmem:s15+$0x15E0] =	vst v17  }
.Ltmp13:
0x168: {  	v24 =	vld [tilespmem:s26+$0x1560];
	[tilespmem:s15+$0x1450] =	vst v28;
	(pc) =	sbr.rel @p5 .LBB2_18-.Ltmp13, $4  }
0x169: {  	v22 =	vld [tilespmem:s26+$0x1530];
	[tilespmem:s15+$0x1500] =	vst v30  }
0x16a: {  	v21 =	vld [tilespmem:s26+$0x1420];
	[tilespmem:s15+$0x14D0] =	vst v29  }
0x16b: {  	v17 =	vld [tilespmem:s26+$0x15E0];
	[tilespmem:s15+$0x1470] =	vst v18  }
0x16c: {  	v18 =	vld [tilespmem:s26+$0x1470];
	[tilespmem:s15+$0x1570] =	vst v27  }
0x16d: {  	[tilespmem:s15+$0x1460] =	vst v26  }
0x16e: {  	[tilespmem:s15+$0x14E0] =	vst v19  }
0x16f: {  	[tilespmem:s15+$0x15F0] =	vst v25  }
0x170: {  	v25 =	vld [tilespmem:s4+$0x0];
	_ =	sdelay $0x4  }
0x171: {  	v31 =	vperm.xlane v25, v10  }
0x172: {  	v32 =	vperm.xlane v25, v7  }
0x173: {  	v35 =	vld [tilespmem:s26+$0x1520];
	v34 =	vperm.xlane v25, v11;
	v20 =	vmul.f32 v20, v31  }
0x174: {  	v33 =	vld [tilespmem:s26+$0x1430];
	v36 =	vperm.xlane v25, v9;
	v23 =	vmul.f32 v23, v32  }
0x175: {  	v37 =	vld [tilespmem:s26+$0x1480];
	v38 =	vperm.xlane v25, v1;
	v24 =	vmul.f32 v24, v34;
	[tilespmem:s26+$0x1550] =	vst v20  }
0x176: {  	v40 =	vld [tilespmem:s26+$0x14A0];
	v22 =	vmul.f32 v22, v36;
	[tilespmem:s26+$0x14F0] =	vst v23  }
0x177: {  	v56 =	vld [tilespmem:s26+$0x1400];
	v21 =	vmul.f32 v21, v38;
	[tilespmem:s26+$0x1560] =	vst v24  }
0x178: {  	v58 =	vld [tilespmem:s26+$0x1590];
	v53 =	vperm.xlane v25, v4;
	v35 =	vmul.f32 v35, v36;
	[tilespmem:s26+$0x1530] =	vst v22  }
0x179: {  	v59 =	vld [tilespmem:s26+$0x15C0];
	v57 =	vperm.xlane v25, v5;
	v54 =	vmul.f32 v33, v38;
	[tilespmem:s26+$0x1420] =	vst v21  }
0x17a: {  	v63 =	vld [tilespmem:s26+$0x1440];
	v60 =	vperm.xlane v25, v0;
	v37 =	vmul.f32 v37, v53;
	[tilespmem:s26+$0x1520] =	vst v35  }
0x17b: {  	v29 =	vld [tilespmem:s26+$0x1500];
	v45 =	vperm.xlane v25, v12;
	v61 =	vmul.f32 v40, v57;
	[tilespmem:s26+$0x1430] =	vst v54  }
0x17c: {  	v19 =	vld [tilespmem:s26+$0x1570];
	v48 =	vperm.xlane v25, v14;
	v46 =	vmul.f32 v56, v60;
	[tilespmem:s26+$0x1480] =	vst v37  }
0x17d: {  	v52 =	vld [tilespmem:s26+$0x14C0];
	v43 =	vperm.xlane v25, v2;
	v49 =	vmul.f32 v58, v45;
	[tilespmem:s26+$0x14A0] =	vst v61  }
0x17e: {  	v28 =	vld [tilespmem:s26+$0x1490];
	v42 =	vperm.xlane v25, v8;
	v51 =	vmul.f32 v59, v48;
	[tilespmem:s26+$0x1400] =	vst v46  }
0x17f: {  	v55 =	vld [tilespmem:s26+$0x14B0];
	v40 =	vmul.f32 v63, v43;
	[tilespmem:s26+$0x1590] =	vst v49  }
0x180: {  	v27 =	vld [tilespmem:s26+$0x1580];
	v33 =	vperm.xlane v25, v6;
	v63 =	vmul.f32 v29, v42;
	[tilespmem:s26+$0x15C0] =	vst v51  }
0x181: {  	v50 =	vld [tilespmem:s26+$0x15D0];
	v19 =	vmul.f32 v19, v34;
	[tilespmem:s26+$0x1440] =	vst v40  }
0x182: {  	v20 =	vmul.f32 v52, v33;
	[tilespmem:s26+$0x1500] =	vst v63  }
0x183: {  	v26 =	vld [tilespmem:s26+$0x1450];
	v24 =	vmul.f32 v28, v53;
	[tilespmem:s26+$0x1570] =	vst v19  }
0x184: {  	v62 =	vld [tilespmem:s26+$0x1510];
	v21 =	vmul.f32 v55, v57;
	[tilespmem:s26+$0x14C0] =	vst v20  }
0x185: {  	v47 =	vld [tilespmem:s26+$0x15B0];
	v59 =	vperm.xlane v25, v15;
	v22 =	vmul.f32 v27, v45;
	[tilespmem:s26+$0x1490] =	vst v24  }
0x186: {  	v41 =	vld [tilespmem:s26+$0x15A0];
	v57 =	vmul.f32 v50, v48;
	[tilespmem:s26+$0x14B0] =	vst v21  }
0x187: {  	v58 =	vld [tilespmem:s26+$0x14D0];
	v17 =	vmul.f32 v17, v59;
	[tilespmem:s26+$0x1580] =	vst v22  }
0x188: {  	v53 =	vperm.xlane v25, v13;
	v61 =	vmul.f32 v26, v43;
	[tilespmem:s26+$0x15D0] =	vst v57  }
0x189: {  	v23 =	vld [tilespmem:s26+$0x1410];
	v20 =	vmul.f32 v62, v42;
	[tilespmem:s26+$0x15E0] =	vst v17  }
0x18a: {  	v54 =	vld [tilespmem:s26+$0x1540];
	v55 =	vmul.f32 v47, v53;
	[tilespmem:s26+$0x1450] =	vst v61  }
0x18b: {  	v39 =	vld [tilespmem:s26+$0x1460];
	v56 =	vmul.f32 v41, v53;
	v62 =	vperm.xlane v25, v3;
	[tilespmem:s26+$0x1510] =	vst v20  }
0x18c: {  	v52 =	vld [tilespmem:s26+$0x15F0];
	v17 =	vmul.f32 v58, v33;
	[tilespmem:s26+$0x15B0] =	vst v55  }
0x18d: {  	v30 =	vld [tilespmem:s26+$0x14E0];
	[tilespmem:s26+$0x15A0] =	vst v56;
	v18 =	vmul.f32 v18, v62  }
0x18e: {  	v23 =	vmul.f32 v23, v60;
	[tilespmem:s26+$0x14D0] =	vst v17  }
0x18f: {  	v60 =	vmul.f32 v54, v31;
	[tilespmem:s26+$0x1470] =	vst v18  }
0x190: {  	v17 =	vmul.f32 v39, v62;
	[tilespmem:s26+$0x1410] =	vst v23  }
0x191: {  	v19 =	vmul.f32 v52, v59;
	[tilespmem:s26+$0x1540] =	vst v60  }
0x192: {  	v18 =	vmul.f32 v30, v32;
	[tilespmem:s26+$0x1460] =	vst v17  }
0x193: {  	[tilespmem:s26+$0x15F0] =	vst v19  }
0x194: {  	s18 =	sadd.s32 $0x400, s17;
	[tilespmem:s26+$0x14E0] =	vst v18  }
0x195: {  	[spmem:s1] =	stream.indirect.scatter.add.f32 [tilespmem:s28], [sflag:$0x1], $0x20, s18, s23, $0xb8;
	[tilespmem:$0x1F8A8] =	vst v63  }
0x196: {  	s22 =	sadd.s32 $0x400, s9  }
0x197: {  	[spmem:s1] =	stream.indirect.scatter.add.f32 [tilespmem:s29], [sflag:$0x1], $0x20, s22, s23, $0xb8;
	[tilespmem:$0x1F8A8] =	vst v63  }
0x198: {  	s24 =	sadd.s32 $0x400, s11  }
0x199: {  	[spmem:s1] =	stream.indirect.scatter.add.f32 [tilespmem:s30], [sflag:$0x1], $0x20, s24, s23, $0xb8;
	[tilespmem:$0x1F8A8] =	vst v63  }
0x19a: {  	s9 =	simm.s32 $0x1;
	s26 =	sadd.s32 $0x400, s10  }
0x19b: {  	[spmem:s1] =	stream.indirect.scatter.add.f32 [tilespmem:s31], [sflag:$0x1], $0x20, s26, s23, $0xb8;
	[tilespmem:$0x1F8A8] =	vst v63  }
0x19c: {  	_ =	swait.ge [sflag:s9], $0x1000  }
0x19d: {  	[sflag:s9] =	ssyncset.done $0x0  }
0x19e: {  	[sflag:s9] =	ssyncadd.s32 $0xFFFFF000  }
0x19f: {  	_ =	swait.ge [sflag:s9], $0x1000  }
0x1a0: {  	[sflag:s9] =	ssyncset.done $0x0  }
0x1a1: {  	[sflag:s9] =	ssyncadd.s32 $0xFFFFF000  }
0x1a2: {  	_ =	swait.ge [sflag:s9], $0x1000  }
.Ltmp14:
0x1a3: {  	[sflag:s9] =	ssyncset.done $0x0;
	(pc) =	sbr.rel @p4 .LBB2_17-.Ltmp14, $4  }
0x1a4: {  	[sflag:s9] =	ssyncadd.s32 $0xFFFFF000  }
0x1a5: {  	_ =	swait.ge [sflag:s9], $0x1000  }
0x1a6: {  	[sflag:s9] =	ssyncset.done $0x0  }
0x1a7: {  	p5 =	por $0x0, $0x0;
	[sflag:s9] =	ssyncadd.s32 $0xFFFFF000  }
0x1a8: {  	s0 =	sadd.s32 $0x1, s0  }
0x1a9: {  	p4 =	sne.s32 s0, $0x14  }
.Ltmp15:
0x1aa: {  	_ = 	snop;
	(pc) =	sbr.rel @p4 .LBB2_9-.Ltmp15, $2  }
0x1ab: {  	_ =	sdelay $0x2  }
0x1ac: {  	s17 =	simm.s32 $0x400  }
.Ltmp16:
0x1ad: {  	(pc) =	sbr.rel .LBB2_22-.Ltmp16, $4  }
0x1ae: {  	s0 =	rddreg [dreg:$0xe]  }
0x1af: {  	[bflag:$0x0] =	sbarrier.arrive $0xFFFF;
	s0 =	smul.u32 $0x30D40, s0  }
0x1b0: {  	s4 =	rddreg [dreg:$0xc]  }
0x1b1: {  	s9 =	simm.s32 $0x0;
	s10 =	smov.u32 s1;
	s0 =	sadd.s32 s0, s4  }
.LBB2_26:
0x1b2: {  	s9 =	sadd.s32 $0x1, s9  }
0x1b3: {  	p3 =	sne.s32 s9, $0x19  }
.Ltmp17:
0x1b4: {  	_ = 	snop;
	(pc) =	sbr.rel @!p3 .LBB2_27-.Ltmp17, $2  }
0x1b5: {  	_ =	sdelay $0x2  }
0x1b6: {  	s0 =	sadd.s32 $0x1F40, s0;
	s10 =	sadd.s32 $0xFA00, s10  }
.LBB2_22:
0x1b7: {  	s4 =	sand.u32 $0xF, s9  }
0x1b8: {  	p3 =	sne.s32 s13, s4  }
.Ltmp18:
0x1b9: {  	_ = 	snop;
	(pc) =	sbr.rel @p3 .LBB2_26-.Ltmp18, $1  }
0x1ba: {  	_ =	sdelay $0x3  }
0x1bb: {  	[tilespmem:s19], [sflag:$0x3] =	stream.linear.gather [spmem:s10], $0xA00, $0x38;
	[tilespmem:$0x1F8A8] =	vst v63  }
0x1bc: {  	_ =	swait.ge [sflag:s21], $0xA00  }
0x1bd: {  	[sflag:s21] =	ssyncset.done $0x0  }
0x1be: {  	s4 =	sadd.s32 $0x0, s0;
	[sflag:s21] =	ssyncadd.s32 $0xFFFFF600  }
0x1bf: {  	[hbm4b:s4+s3] =	stream.linear.scatter [tilespmem:s19], [sflag:$0x3], $0xA00, $0x38;
	[tilespmem:$0x1F8A8] =	vst v63  }
0x1c0: {  	s11 =	simm.s32 $0x140;
	_ =	swait.ge [sflag:s21], $0xA00  }
0x1c1: {  	s12 =	smov.u32 s10;
	s4 =	smul.u32 $0x7D0, s9;
	[sflag:s21] =	ssyncset.done $0x0  }
.LBB2_24:
0x1c2: {  	p3 =	sne.s32 s11, $0x1E00;
	[sflag:s21] =	ssyncadd.s32 $0xFFFFF600;
	s12 =	sadd.s32 $0xA00, s12  }
0x1c3: {  	[tilespmem:s19], [sflag:$0x3] =	stream.linear.gather [spmem:s12], $0xA00, $0x38;
	[tilespmem:$0x1F8A8] =	vst v63  }
0x1c4: {  	s15 =	smov.u32 s11;
	s11 =	sadd.s32 $0x140, s11;
	_ =	swait.ge [sflag:s21], $0xA00  }
.Ltmp19:
0x1c5: {  	[sflag:s21] =	ssyncset.done $0x0;
	(pc) =	sbr.rel @p3 .LBB2_24-.Ltmp19, $4  }
0x1c6: {  	s15 =	sadd.s32 s15, s0;
	[sflag:s21] =	ssyncadd.s32 $0xFFFFF600  }
0x1c7: {  	[hbm4b:s15+s3] =	stream.linear.scatter [tilespmem:s19], [sflag:$0x3], $0xA00, $0x38;
	[tilespmem:$0x1F8A8] =	vst v63  }
0x1c8: {  	_ =	swait.ge [sflag:s21], $0xA00  }
0x1c9: {  	[sflag:s21] =	ssyncset.done $0x0  }
0x1ca: {  	[sflag:s21] =	ssyncadd.s32 $0xFFFFF600;
	s11 =	sadd.s32 @!p2 s4, s2;
	s12 =	simm.s32 @!p2 $0x5E00  }
0x1cb: {  	[tilespmem:s12], [sflag:$0x3] =	stream.linear.gather @!p2 [spmem:s11], $0x7D0, $0x38;
	[tilespmem:$0x1F8A8] =	vst v63  }
0x1cc: {  	s11 =	simm.s32 @!p2 $0x3  }
0x1cd: {  	_ =	swait.ge @!p2 [sflag:s11], $0x7D0  }
0x1ce: {  	[sflag:s11] =	ssyncset.done @!p2 $0x0  }
0x1cf: {  	s4 =	sshrl.u32 @!p2 s4, $0x3;
	[sflag:s11] =	ssyncadd.s32 @!p2 $0xFFFFF830;
	s11 =	rddreg [dreg:$0x9]  }
0x1d0: {  	s4 =	sadd.s32 @!p2 s11, s4;
	s11 =	simm.s32 @!p2 $0x0  }
0x1d1: {  	[hbm4b:s4+s11] =	stream.linear.scatter @!p2 [tilespmem:s12], [sflag:$0x2], $0x7D0, $0x38;
	[tilespmem:$0x1F8A8] =	vst v63  }
.Ltmp20:
0x1d2: {  	_ = 	snop;
	(pc) =	sbr.rel .LBB2_26-.Ltmp20, $4  }
0x1d3: {  	s4 =	simm.s32 @!p2 $0x2  }
0x1d4: {  	_ =	swait.ge @!p2 [sflag:s4], $0x7D0  }
0x1d5: {  	[sflag:s4] =	ssyncset.done @!p2 $0x0  }
0x1d6: {  	[sflag:s4] =	ssyncadd.s32 @!p2 $0xFFFFF830  }
.LBB2_29:
0x1d7: {  	_ =	sfence.sel $0x180000  }
0x1d8: {  	[bflag:$0x0] =	sbarrier.arrive $0xFFFF  }
0x1d9: {  	_ =	strace $0x90000047  }
0x1da: {  	[bflag:$0x2] =	sbarrier.arrive $0xFFFF  }
0x1db: {  	p0 =	sne.s32 s13, $0x0;
	s0 =	rddreg [dreg:$0x4]  }
0x1dc: {  	s0 =	sadd.s32 @!p0 $0x100000, s0  }
0x1dd: {  	[sflag:s0] =	ssyncadd.tile.s32 @!p0 $0x1;
	_ =	shalt  }
.Lfunc_end2:
_tile_overlayer_lowered:
.L_overlay_start_2:
0x1de: {  	(tag) =	ssettag $0x2  }
0x1df: {  	s0 =	rddreg [dreg:$0x0];
	s2 =	stileid.u32  }
0x1e0: {  	s1 =	rddreg [dreg:$0x1];
	p0 =	sne.s32 s2, $0x0  }
0x1e1: {  	s3 =	rddreg [dreg:$0x2];
	[bflag:$0x3] =	sbarrier.arrive $0xFFFF;
	s2 =	simm.s32 @!p0 $0x1C02  }
0x1e2: {  	[timem:s3], [sflag:s2] =	dma.local @!p0 [hbm:s0], s1  }
0x1e3: {  	s0 =	simm.s32 @!p0 $0x2  }
0x1e4: {  	_ =	swait.ge @!p0 [sflag:s0], s1  }
0x1e5: {  	s1 =	ssub.s32 @!p0 $0x0, s1;
	[sflag:s0] =	ssyncset.done @!p0 $0x0  }
0x1e6: {  	[sflag:s0] =	ssyncadd.s32 @!p0 s1  }
0x1e7: {  	[bflag:$0x3] =	sbarrier.arrive $0xFFFF  }
0x1e8: {  	_ =	shalt  }

</sc_bundles>
